<compile_context>
chip_gen: v7x
topology: tpu7x:2x2x1
jax: 0.10.2.dev20260603
libtpu: 0.0.44.dev20260713+nightly
codegen_flags: <defaults>
</compile_context>

<pallas_src>
import math

import jax
import jax.numpy as jnp
from jax import lax
from jax.experimental import pallas as pl
from jax.experimental.pallas import tpu as pltpu
from jax.experimental.pallas import tpu_sc as plsc

N = 10000
E = 160000
D = 256
H = 8
DH = 32
FF = 4 * D

NC = 2
NS = 16
HALF = D // 2
HPC = H // NC
NP = 10240
NDR = NP * HPC // 128
EPW = E // NS
CHUNK = 40
NCHUNK = EPW // CHUNK
RPS = NP // NS
DRPS = 32
INV_SQRT_DH = 1.0 / math.sqrt(DH)

BN = 1000


def _tc1_body(h_ref, wfcT_ref, g_ref, b_ref, hn_ref, ft_ref):
    x = h_ref[...]
    m = jnp.mean(x, axis=1, keepdims=True)
    v = jnp.mean((x - m) ** 2, axis=1, keepdims=True)
    hn = (x - m) / jnp.sqrt(v + 1e-5) * g_ref[...] + b_ref[...]
    hn_ref[...] = hn
    ft = jnp.dot(hn, wfcT_ref[...], preferred_element_type=jnp.float32)
    ft_ref[...] = ft.reshape(2 * BN, HALF)


def _tc1(h, wfcT, g, b):
    grid = N // BN
    return pl.pallas_call(
        _tc1_body,
        grid=(grid,),
        in_specs=[
            pl.BlockSpec((BN, D), lambda i: (i, 0)),
            pl.BlockSpec((D, D), lambda i: (0, 0)),
            pl.BlockSpec((1, D), lambda i: (0, 0)),
            pl.BlockSpec((1, D), lambda i: (0, 0)),
        ],
        out_specs=[
            pl.BlockSpec((BN, D), lambda i: (i, 0)),
            pl.BlockSpec((2 * BN, HALF), lambda i: (i, 0)),
        ],
        out_shape=[
            jax.ShapeDtypeStruct((N, D), jnp.float32),
            jax.ShapeDtypeStruct((2 * N, HALF), jnp.float32),
        ],
    )(h, wfcT, g, b)


def _edge_body(ft2_hbm, src2_hbm, dst3_hbm, zn_hbm, out_hbm, den_hbm,
               sidx0, sidx1, didx0, didx1, scr0, scr1, sc20, sc21,
               smi0, smi1, srows0, srows1, drows0, drows1, msg0, msg1,
               den0, den1, accum, den_sh,
               ssem_s, ssem_r, gs0, gs1, gd0, gd1, scm0, scm1, scd0, scd1):
    c = lax.axis_index("c")
    s = lax.axis_index("s")

    sidx = (sidx0, sidx1)
    didx = (didx0, didx1)
    scr = (scr0, scr1)
    sc2 = (sc20, sc21)
    smi = (smi0, smi1)
    srows = (srows0, srows1)
    drows = (drows0, drows1)
    msg = (msg0, msg1)
    den_row = (den0, den1)
    gsem1 = (gs0, gs1)
    gsem2 = (gd0, gd1)
    scm = (scm0, scm1)
    scd = (scd0, scd1)

    rbase = s * RPS
    pltpu.sync_copy(zn_hbm.at[pl.ds(rbase, RPS)], accum.at[pl.ds(rbase, RPS)])
    dbase = s * DRPS

    @pl.when(s < NDR // DRPS)
    def _init_den():
        pltpu.sync_copy(zn_hbm.at[pl.ds(dbase, DRPS)],
                        den_sh.at[pl.ds(dbase, DRPS)])
    plsc.subcore_barrier()

    iota = lax.iota(jnp.int32, 16)
    lane_head = iota < HPC
    cpad = jnp.where(iota >= 8, c, 0)
    zero16 = jnp.zeros((16,), jnp.float32)
    ebase = s * EPW

    def _stage_start(q, b):
        off = ebase + q * CHUNK
        pltpu.make_async_copy(src2_hbm.at[pl.ds(off, CHUNK)],
                              sidx[b], ssem_s).start()
        pltpu.make_async_copy(dst3_hbm.at[s, q], scr[b], ssem_r).start()

    def _stage_wait(b):
        pltpu.make_async_copy(src2_hbm.at[pl.ds(0, CHUNK)],
                              sidx[b], ssem_s).wait()
        pltpu.make_async_copy(dst3_hbm.at[s, 0], scr[b], ssem_r).wait()

    def _transform(b):
        for off in (0, 16):
            sidx[b][pl.ds(off, 16)] = sidx[b][pl.ds(off, 16)] + c
            dv = scr[b][0, pl.ds(off, 16)]
            didx[b][pl.ds(off, 16)] = dv * 2 + c
            sc2[b][0, pl.ds(off, 16)] = lax.shift_right_logical(dv, 5)
            smi[b][0, pl.ds(off, 16)] = dv
        sidx[b][pl.ds(24, 16)] = sidx[b][pl.ds(24, 16)] + cpad
        dv = scr[b][0, pl.ds(24, 16)]
        didx[b][pl.ds(24, 16)] = dv * 2 + c
        sc2[b][0, pl.ds(24, 16)] = lax.shift_right_logical(dv, 5)
        smi[b][0, pl.ds(24, 16)] = dv

    def _gather_start(b):
        pltpu.make_async_copy(ft2_hbm.at[sidx[b]], srows[b], gsem1[b]).start()
        pltpu.make_async_copy(ft2_hbm.at[didx[b]], drows[b], gsem2[b]).start()

    def _gather_wait(b):
        pltpu.make_async_copy(ft2_hbm.at[sidx[b]], srows[b], gsem1[b]).wait()
        pltpu.make_async_copy(ft2_hbm.at[didx[b]], drows[b], gsem2[b]).wait()

    def _scatter_start(b):
        pltpu.make_async_copy(msg[b], accum.at[smi[b].at[0]],
                              scm[b]).start(add=True)
        pltpu.make_async_copy(den_row[b], den_sh.at[sc2[b].at[0]],
                              scd[b]).start(add=True)

    def _scatter_wait(b):
        pltpu.make_async_copy(msg[b], accum.at[smi[b].at[0]],
                              scm[b]).wait()
        pltpu.make_async_copy(den_row[b], den_sh.at[sc2[b].at[0]],
                              scd[b]).wait()

    def _compute(b):
        @plsc.parallel_loop(0, CHUNK, unroll=8)
        def _edge(i):
            tail = zero16
            for h2 in range(HPC):
                s0 = srows[b][i, pl.ds(h2 * 32, 16)]
                s1 = srows[b][i, pl.ds(h2 * 32 + 16, 16)]
                d0 = drows[b][i, pl.ds(h2 * 32, 16)]
                d1 = drows[b][i, pl.ds(h2 * 32 + 16, 16)]
                p = s0 * d0 + s1 * d1
                e = jnp.sum(p) * INV_SQRT_DH
                ex = jnp.exp(jnp.broadcast_to(e, (16,)))
                msg[b][i, pl.ds(h2 * 32, 16)] = s0 * ex
                msg[b][i, pl.ds(h2 * 32 + 16, 16)] = s1 * ex
                tail = tail + jnp.where(iota == h2, ex, 0.0)
            for v in range(8):
                den_row[b][i, pl.ds(v * 16, 16)] = zero16
            dstv = plsc.load_gather(
                smi[b], [jnp.zeros((16,), jnp.int32),
                         jnp.full((16,), i, jnp.int32)])
            pcol = (dstv & 31) * HPC + iota
            plsc.store_scatter(den_row[b],
                               [jnp.full((16,), i, jnp.int32), pcol],
                               tail, mask=lane_head)

    _stage_start(0, 0)
    _stage_wait(0)
    _transform(0)
    _gather_start(0)
    _stage_start(1, 1)

    def _pair(jo, _):
        for b in (0, 1):
            q = 2 * jo + b

            @pl.when(q >= 1)
            def _w():
                _scatter_wait(b ^ 1)

            @pl.when(q + 1 < NCHUNK)
            def _t():
                _stage_wait(b ^ 1)
                _transform(b ^ 1)
                _gather_start(b ^ 1)

            _gather_wait(b)

            @pl.when(q + 2 < NCHUNK)
            def _s():
                _stage_start(q + 2, b)

            _compute(b)
            _scatter_start(b)
        return 0

    lax.fori_loop(0, NCHUNK // 2, _pair, 0)
    _scatter_wait((NCHUNK - 1) % 2)

    plsc.subcore_barrier()
    pltpu.sync_copy(accum.at[pl.ds(rbase, RPS)],
                    out_hbm.at[c, pl.ds(rbase, RPS)])
    @pl.when(s < NDR // DRPS)
    def _flush_den():
        pltpu.sync_copy(den_sh.at[pl.ds(dbase, DRPS)],
                        den_hbm.at[c, pl.ds(dbase, DRPS)])


def _edge_sc(ft2, src2, dst3, zn):
    mesh = plsc.VectorSubcoreMesh(core_axis_name="c", subcore_axis_name="s")
    return pl.kernel(
        _edge_body,
        out_type=[
            jax.ShapeDtypeStruct((NC, NP, HALF), jnp.float32),
            jax.ShapeDtypeStruct((NC, NDR, HALF), jnp.float32),
        ],
        mesh=mesh,
        compiler_params=pltpu.CompilerParams(needs_layout_passes=False),
        scratch_types=(
            [pltpu.VMEM((CHUNK,), jnp.int32)] * 4
            + [pltpu.VMEM((1, CHUNK), jnp.int32)] * 6
            + [pltpu.VMEM((CHUNK, HALF), jnp.float32)] * 8
            + [pltpu.VMEM_SHARED((NP, HALF), jnp.float32),
               pltpu.VMEM_SHARED((NDR, HALF), jnp.float32)]
            + [pltpu.SemaphoreType.DMA] * 10
        ),
    )(ft2, src2, dst3, zn)


def _tc2_body(a0_ref, a1_ref, d0_ref, d1_ref, hn_ref, s4_ref, wredT_ref,
              bred_ref, g2_ref, b2g_ref, w1T_ref, b1_ref, w2T_ref, b2_ref,
              out_ref):
    s4 = s4_ref[...]
    bden0 = jnp.dot(d0_ref[0], s4, preferred_element_type=jnp.float32)
    bden1 = jnp.dot(d1_ref[0], s4, preferred_element_type=jnp.float32)
    att0 = a0_ref[0] / (bden0 + 1e-9)
    att1 = a1_ref[0] / (bden1 + 1e-9)
    att = jnp.concatenate([att0, att1], axis=1)
    out = (jnp.dot(att, wredT_ref[...], preferred_element_type=jnp.float32)
           + bred_ref[...] + hn_ref[...])
    m = jnp.mean(out, axis=1, keepdims=True)
    v = jnp.mean((out - m) ** 2, axis=1, keepdims=True)
    hs2 = (out - m) / jnp.sqrt(v + 1e-5) * g2_ref[...] + b2g_ref[...]
    x = jnp.dot(hs2, w1T_ref[...], preferred_element_type=jnp.float32) + b1_ref[...]
    x = jnp.where(x > 0, x, jnp.exp(jnp.where(x > 0, 0.0, x)) - 1.0)
    y = jnp.dot(x, w2T_ref[...], preferred_element_type=jnp.float32) + b2_ref[...]
    y = jnp.where(y > 0, y, jnp.exp(jnp.where(y > 0, 0.0, y)) - 1.0)
    out_ref[...] = y + hs2


def _tc2(a0, a1, d0, d1, hn, s4, wredT, bred, g2, b2g, w1T, b1, w2T, b2):
    grid = N // BN
    return pl.pallas_call(
        _tc2_body,
        grid=(grid,),
        in_specs=[
            pl.BlockSpec((1, BN, HALF), lambda i: (0, i, 0)),
            pl.BlockSpec((1, BN, HALF), lambda i: (1, i, 0)),
            pl.BlockSpec((1, BN, HPC), lambda i: (0, i, 0)),
            pl.BlockSpec((1, BN, HPC), lambda i: (1, i, 0)),
            pl.BlockSpec((BN, D), lambda i: (i, 0)),
            pl.BlockSpec((HPC, HALF), lambda i: (0, 0)),
            pl.BlockSpec((D, D), lambda i: (0, 0)),
            pl.BlockSpec((1, D), lambda i: (0, 0)),
            pl.BlockSpec((1, D), lambda i: (0, 0)),
            pl.BlockSpec((1, D), lambda i: (0, 0)),
            pl.BlockSpec((D, FF), lambda i: (0, 0)),
            pl.BlockSpec((1, FF), lambda i: (0, 0)),
            pl.BlockSpec((FF, D), lambda i: (0, 0)),
            pl.BlockSpec((1, D), lambda i: (0, 0)),
        ],
        out_specs=pl.BlockSpec((BN, D), lambda i: (i, 0)),
        out_shape=jax.ShapeDtypeStruct((N, D), jnp.float32),
    )(a0, a1, d0, d1, hn, s4, wredT, bred, g2, b2g, w1T, b1, w2T, b2)


def kernel(h, edge_index, Wfc, Wred, bred, ln1_g, ln1_b, ln2_g, ln2_b, W1, b1, W2, b2):
    src = edge_index[0]
    dst = edge_index[1]

    hn, ft2 = _tc1(h, Wfc.T, ln1_g.reshape(1, D), ln1_b.reshape(1, D))
    src2 = src * 2
    dst3 = dst.reshape(NS, NCHUNK, 1, CHUNK)
    zn = jnp.zeros((NP, HALF), jnp.float32)

    acc, den = _edge_sc(ft2, src2, dst3, zn)
    dp = den.reshape(NC, NP, HPC)

    s4 = jnp.repeat(jnp.eye(HPC, dtype=jnp.float32), DH, axis=1)

    out = _tc2(acc, acc, dp, dp, hn, s4, Wred.T,
               bred.reshape(1, D), ln2_g.reshape(1, D), ln2_b.reshape(1, D),
               W1.T, b1.reshape(1, FF), W2.T, b2.reshape(1, D))
    return out

# --- scband reference (transcript-rebuilt; emitter-appended) ---
"""Pipeline reference for scband-grappa-gnn-57312043598117 (READ-ONLY COPY).

The authoritative reference and input builder live on the scoring server;
editing this copy changes nothing except your own understanding.
"""

import jax, jax.numpy as jnp
import numpy as np
import math

N = 10000
E = 160000
D = 256
H = 8
DH = D // H
FF = 4 * D

def _layer_norm(x, g, b):
    m = jnp.mean(x, axis=-1, keepdims=True)
    v = jnp.var(x, axis=-1, keepdims=True)
    return (x - m) / jnp.sqrt(v + 1e-5) * g + b

def setup_inputs(seed: int = 0):
    key = jax.random.key(seed)
    ks = jax.random.split(key, 12)
    return {
        "h": jax.random.normal(ks[0], (N, D), jnp.float32),
        "edge_index": jax.random.randint(ks[1], (2, E), 0, N, jnp.int32),
        "Wfc": jax.random.normal(ks[2], (D, D), jnp.float32) * (1.0 / math.sqrt(D)),
        "Wred": jax.random.normal(ks[3], (D, D), jnp.float32) * (1.0 / math.sqrt(D)),
        "bred": jnp.zeros((D,), jnp.float32),
        "ln1_g": jnp.ones((D,), jnp.float32),
        "ln1_b": jnp.zeros((D,), jnp.float32),
        "ln2_g": jnp.ones((D,), jnp.float32),
        "ln2_b": jnp.zeros((D,), jnp.float32),
        "W1": jax.random.normal(ks[4], (FF, D), jnp.float32) * (1.0 / math.sqrt(D)),
        "b1": jnp.zeros((FF,), jnp.float32),
        "W2": jax.random.normal(ks[5], (D, FF), jnp.float32) * (1.0 / math.sqrt(FF)),
        "b2": jnp.zeros((D,), jnp.float32),
    }

def reference(h, edge_index, Wfc, Wred, bred, ln1_g, ln1_b, ln2_g, ln2_b, W1, b1, W2, b2):
    # 1. LayerNorm at block start
    hn = _layer_norm(h, ln1_g, ln1_b)
    h_skip = hn
    # 2. DotGatConv multi-head dot-product attention message passing
    ft = (hn @ Wfc.T).reshape(N, H, DH)
    src = edge_index[0]
    dst = edge_index[1]
    e = jnp.sum(ft[src] * ft[dst], axis=-1) / jnp.sqrt(jnp.float32(DH))  # [E, H]
    emax = jax.ops.segment_max(e, dst, num_segments=N)
    emax = jnp.where(jnp.isfinite(emax), emax, 0.0)
    emax = jax.lax.stop_gradient(emax)
    ex = jnp.exp(e - emax[dst])
    denom = jax.ops.segment_sum(ex, dst, num_segments=N)
    alpha = ex / (denom[dst] + 1e-9)  # edge softmax over incoming edges
    msg = ft[src] * alpha[..., None]  # [E, H, DH]
    attn_out = jax.ops.segment_sum(msg, dst, num_segments=N)  # [N, H, DH]
    # 3. concatenate heads + head reducer linear
    out = attn_out.reshape(N, H * DH) @ Wred.T + bred
    # 4-5. (dropout p=0) + skip connection (repeat factor = out/in = 1)
    out = out + h_skip
    # 6. interaction layer norm
    out = _layer_norm(out, ln2_g, ln2_b)
    hs2 = out
    # 7. self-interaction FFN: Linear(D,4D), ELU, Linear(4D,D), ELU
    x = jax.nn.elu(out @ W1.T + b1)
    x = jax.nn.elu(x @ W2.T + b2)
    # 8-9. (dropout p=0) + skip
    return x + hs2

if __name__ == "__main__":
    import jax
    _d = setup_inputs()
    print(jax.jit(kernel)(*tuple(_d.values())))

</pallas_src>

<mosaic_0001>
#map = affine_map<(d0, d1) -> (0, 0)>
#map1 = affine_map<(d0, d1) -> (0)>
#map2 = affine_map<(d0, d1) -> (0, 0, 0, 0)>
#map3 = affine_map<(d0, d1) -> (0, 0, 0)>
module attributes {stable_mosaic.version = 14 : i64} {
  func.func @_edge_body(%arg0: i32, %arg1: i32, %arg2: memref<20000x128xf32, #tpu.memory_space<hbm>>, %arg3: memref<160000xi32, #tpu.memory_space<hbm>>, %arg4: memref<16x250x1x40xi32, #tpu.memory_space<hbm>>, %arg5: memref<10240x128xf32, #tpu.memory_space<hbm>>, %arg6: memref<2x10240x128xf32, #tpu.memory_space<hbm>>, %arg7: memref<2x320x128xf32, #tpu.memory_space<hbm>>, %arg8: memref<40xi32, #tpu.memory_space<vmem>>, %arg9: memref<40xi32, #tpu.memory_space<vmem>>, %arg10: memref<40xi32, #tpu.memory_space<vmem>>, %arg11: memref<40xi32, #tpu.memory_space<vmem>>, %arg12: memref<1x40xi32, #tpu.memory_space<vmem>>, %arg13: memref<1x40xi32, #tpu.memory_space<vmem>>, %arg14: memref<1x40xi32, #tpu.memory_space<vmem>>, %arg15: memref<1x40xi32, #tpu.memory_space<vmem>>, %arg16: memref<1x40xi32, #tpu.memory_space<vmem>>, %arg17: memref<1x40xi32, #tpu.memory_space<vmem>>, %arg18: memref<40x128xf32, #tpu.memory_space<vmem>>, %arg19: memref<40x128xf32, #tpu.memory_space<vmem>>, %arg20: memref<40x128xf32, #tpu.memory_space<vmem>>, %arg21: memref<40x128xf32, #tpu.memory_space<vmem>>, %arg22: memref<40x128xf32, #tpu.memory_space<vmem>>, %arg23: memref<40x128xf32, #tpu.memory_space<vmem>>, %arg24: memref<40x128xf32, #tpu.memory_space<vmem>>, %arg25: memref<40x128xf32, #tpu.memory_space<vmem>>, %arg26: memref<10240x128xf32, #tpu.memory_space<vmem_shared>>, %arg27: memref<320x128xf32, #tpu.memory_space<vmem_shared>>, %arg28: memref<!tpu.dma_semaphore, #tpu.memory_space<semaphore_mem>>, %arg29: memref<!tpu.dma_semaphore, #tpu.memory_space<semaphore_mem>>, %arg30: memref<!tpu.dma_semaphore, #tpu.memory_space<semaphore_mem>>, %arg31: memref<!tpu.dma_semaphore, #tpu.memory_space<semaphore_mem>>, %arg32: memref<!tpu.dma_semaphore, #tpu.memory_space<semaphore_mem>>, %arg33: memref<!tpu.dma_semaphore, #tpu.memory_space<semaphore_mem>>, %arg34: memref<!tpu.dma_semaphore, #tpu.memory_space<semaphore_mem>>, %arg35: memref<!tpu.dma_semaphore, #tpu.memory_space<semaphore_mem>>, %arg36: memref<!tpu.dma_semaphore, #tpu.memory_space<semaphore_mem>>, %arg37: memref<!tpu.dma_semaphore, #tpu.memory_space<semaphore_mem>>) attributes {dimension_semantics = [#tpu.dimension_semantics<core_parallel>, #tpu.dimension_semantics<subcore_parallel>], iteration_bounds = array<i64: 2, 16>, scalar_prefetch = 0 : i64, scratch_operands = 30 : i64, tpu.core_type = #tpu.core_type<sc_vector_subcore>, window_params = [{transform_indices = #map}, {transform_indices = #map1}, {transform_indices = #map2}, {transform_indices = #map}, {transform_indices = #map3}, {transform_indices = #map3}]} {
    %mul3A = arith.constant 640 : i32
    %mul3A_0 = arith.muli %arg1, %mul3A : i32
    "tpu.region"() ({
      %run_scoped3A = tpu.sem_alloc : memref<!tpu.dma_semaphore, #tpu.memory_space<semaphore_mem>>
      %dma_start3A_163 = arith.constant 0 : i32
      %dma_start3A_164 = tpu.memref_slice %arg26[%mul3A_0, %dma_start3A_163] : memref<10240x128xf32, #tpu.memory_space<vmem_shared>> -> memref<640x128xf32, #tpu.memory_space<vmem_shared>>
      %dma_start3A_165 = arith.constant 0 : i32
      %dma_start3A_166 = tpu.memref_slice %arg5[%mul3A_0, %dma_start3A_165] : memref<10240x128xf32, #tpu.memory_space<hbm>> -> memref<640x128xf32, #tpu.memory_space<hbm>>
      tpu.enqueue_dma source(%dma_start3A_166 : memref<640x128xf32, #tpu.memory_space<hbm>>) target(%dma_start3A_164 : memref<640x128xf32, #tpu.memory_space<vmem_shared>>) target_semaphore(%run_scoped3A : memref<!tpu.dma_semaphore, #tpu.memory_space<semaphore_mem>>)
      %dma_wait3A_167 = arith.constant 0 : i32
      %dma_wait3A_168 = tpu.memref_slice %arg26[%mul3A_0, %dma_wait3A_167] : memref<10240x128xf32, #tpu.memory_space<vmem_shared>> -> memref<640x128xf32, #tpu.memory_space<vmem_shared>>
      %dma_wait3A_169 = arith.constant 0 : i32
      %dma_wait3A_170 = tpu.memref_slice %arg5[%mul3A_0, %dma_wait3A_169] : memref<10240x128xf32, #tpu.memory_space<hbm>> -> memref<640x128xf32, #tpu.memory_space<hbm>>
      tpu.wait_dma2 semaphore(%run_scoped3A : memref<!tpu.dma_semaphore, #tpu.memory_space<semaphore_mem>>) src(%dma_wait3A_170 : memref<640x128xf32, #tpu.memory_space<hbm>>) dst(%dma_wait3A_168 : memref<640x128xf32, #tpu.memory_space<vmem_shared>>)
      tpu.yield
    }) : () -> ()
    %mul3A_1 = arith.constant 32 : i32
    %mul3A_2 = arith.muli %arg1, %mul3A_1 : i32
    %lt3A = arith.constant 10 : i32
    %lt3A_3 = arith.cmpi slt, %arg1, %lt3A : i32
    %convert_element_type3A = arith.extui %lt3A_3 : i1 to i32
    %cond3A = arith.constant 0 : i32
    %cond3A_4 = arith.cmpi ne, %convert_element_type3A, %cond3A : i32
    scf.if %cond3A_4 {
      "tpu.region"() ({
        %run_scoped3A = tpu.sem_alloc : memref<!tpu.dma_semaphore, #tpu.memory_space<semaphore_mem>>
        %dma_start3A_163 = arith.constant 0 : i32
        %dma_start3A_164 = tpu.memref_slice %arg27[%mul3A_2, %dma_start3A_163] : memref<320x128xf32, #tpu.memory_space<vmem_shared>> -> memref<32x128xf32, #tpu.memory_space<vmem_shared>>
        %dma_start3A_165 = arith.constant 0 : i32
        %dma_start3A_166 = tpu.memref_slice %arg5[%mul3A_2, %dma_start3A_165] : memref<10240x128xf32, #tpu.memory_space<hbm>> -> memref<32x128xf32, #tpu.memory_space<hbm>>
        tpu.enqueue_dma source(%dma_start3A_166 : memref<32x128xf32, #tpu.memory_space<hbm>>) target(%dma_start3A_164 : memref<32x128xf32, #tpu.memory_space<vmem_shared>>) target_semaphore(%run_scoped3A : memref<!tpu.dma_semaphore, #tpu.memory_space<semaphore_mem>>)
        %dma_wait3A_167 = arith.constant 0 : i32
        %dma_wait3A_168 = tpu.memref_slice %arg27[%mul3A_2, %dma_wait3A_167] : memref<320x128xf32, #tpu.memory_space<vmem_shared>> -> memref<32x128xf32, #tpu.memory_space<vmem_shared>>
        %dma_wait3A_169 = arith.constant 0 : i32
        %dma_wait3A_170 = tpu.memref_slice %arg5[%mul3A_2, %dma_wait3A_169] : memref<10240x128xf32, #tpu.memory_space<hbm>> -> memref<32x128xf32, #tpu.memory_space<hbm>>
        tpu.wait_dma2 semaphore(%run_scoped3A : memref<!tpu.dma_semaphore, #tpu.memory_space<semaphore_mem>>) src(%dma_wait3A_170 : memref<32x128xf32, #tpu.memory_space<hbm>>) dst(%dma_wait3A_168 : memref<32x128xf32, #tpu.memory_space<vmem_shared>>)
        tpu.yield
      }) : () -> ()
    } else {
    }
    %barrier3A = arith.constant 0 : index
    tpu.barrier barrier_id(%barrier3A)
    %iota3A = tpu.iota {dimensions = array<i32: 0>} : vector<16xi32>
    %lt3A_5 = arith.constant 4 : i32
    %lt3A_6 = vector.broadcast %lt3A_5 : i32 to vector<16xi32>
    %lt3A_7 = arith.cmpi slt, %iota3A, %lt3A_6 : vector<16xi32>
    %ge3A = arith.constant 8 : i32
    %ge3A_8 = vector.broadcast %ge3A : i32 to vector<16xi32>
    %ge3A_9 = arith.cmpi sge, %iota3A, %ge3A_8 : vector<16xi32>
    %jit3A = arith.constant 0 : i32
    %broadcast_in_dim3A = vector.broadcast %arg0 : i32 to vector<16xi32>
    %broadcast_in_dim3A_10 = vector.broadcast %jit3A : i32 to vector<16xi32>
    %select_n3A = arith.select %ge3A_9, %broadcast_in_dim3A, %broadcast_in_dim3A_10 : vector<16xi1>, vector<16xi32>
    %broadcast_in_dim3A_11 = arith.constant 0.000000e+00 : f32
    %broadcast_in_dim3A_12 = vector.broadcast %broadcast_in_dim3A_11 : f32 to vector<16xf32>
    %mul3A_13 = arith.constant 10000 : i32
    %mul3A_14 = arith.muli %arg1, %mul3A_13 : i32
    %add3A = arith.constant 0 : i32
    %add3A_15 = arith.addi %mul3A_14, %add3A : i32
    %dma_start3A = tpu.memref_slice %arg3[%add3A_15] : memref<160000xi32, #tpu.memory_space<hbm>> -> memref<40xi32, #tpu.memory_space<hbm>>
    %dma_start3A_16 = tpu.memref_slice %arg3[%add3A_15] : memref<160000xi32, #tpu.memory_space<hbm>> -> memref<40xi32, #tpu.memory_space<hbm>>
    tpu.enqueue_dma source(%dma_start3A_16 : memref<40xi32, #tpu.memory_space<hbm>>) target(%arg8 : memref<40xi32, #tpu.memory_space<vmem>>) target_semaphore(%arg28 : memref<!tpu.dma_semaphore, #tpu.memory_space<semaphore_mem>>)
    %dma_start3A_17 = arith.constant 0 : i32
    %dma_start3A_18 = arith.constant 0 : i32
    %dma_start3A_19 = arith.constant 0 : i32
    %dma_start3A_20 = tpu.memref_slice %arg4[%arg1, %dma_start3A_17, %dma_start3A_18, %dma_start3A_19] : memref<16x250x1x40xi32, #tpu.memory_space<hbm>> -> memref<1x1x1x40xi32, #tpu.memory_space<hbm>>
    %dma_start3A_21 = tpu.memref_squeeze %dma_start3A_20 : memref<1x1x1x40xi32, #tpu.memory_space<hbm>> -> memref<1x40xi32, #tpu.memory_space<hbm>>
    %dma_start3A_22 = arith.constant 0 : i32
    %dma_start3A_23 = arith.constant 0 : i32
    %dma_start3A_24 = tpu.memref_slice %arg4[%arg1, %dma_start3A_17, %dma_start3A_22, %dma_start3A_23] : memref<16x250x1x40xi32, #tpu.memory_space<hbm>> -> memref<1x1x1x40xi32, #tpu.memory_space<hbm>>
    %dma_start3A_25 = tpu.memref_squeeze %dma_start3A_24 : memref<1x1x1x40xi32, #tpu.memory_space<hbm>> -> memref<1x40xi32, #tpu.memory_space<hbm>>
    tpu.enqueue_dma source(%dma_start3A_25 : memref<1x40xi32, #tpu.memory_space<hbm>>) target(%arg12 : memref<1x40xi32, #tpu.memory_space<vmem>>) target_semaphore(%arg29 : memref<!tpu.dma_semaphore, #tpu.memory_space<semaphore_mem>>)
    %dma_wait3A = arith.constant 0 : i32
    %dma_wait3A_26 = tpu.memref_slice %arg3[%dma_wait3A] : memref<160000xi32, #tpu.memory_space<hbm>> -> memref<40xi32, #tpu.memory_space<hbm>>
    %dma_wait3A_27 = arith.constant 0 : i32
    %dma_wait3A_28 = tpu.memref_slice %arg3[%dma_wait3A_27] : memref<160000xi32, #tpu.memory_space<hbm>> -> memref<40xi32, #tpu.memory_space<hbm>>
    tpu.wait_dma2 semaphore(%arg28 : memref<!tpu.dma_semaphore, #tpu.memory_space<semaphore_mem>>) src(%dma_wait3A_28 : memref<40xi32, #tpu.memory_space<hbm>>) dst(%arg8 : memref<40xi32, #tpu.memory_space<vmem>>)
    %dma_wait3A_29 = arith.constant 0 : i32
    %dma_wait3A_30 = arith.constant 0 : i32
    %dma_wait3A_31 = arith.constant 0 : i32
    %dma_wait3A_32 = tpu.memref_slice %arg4[%arg1, %dma_wait3A_29, %dma_wait3A_30, %dma_wait3A_31] : memref<16x250x1x40xi32, #tpu.memory_space<hbm>> -> memref<1x1x1x40xi32, #tpu.memory_space<hbm>>
    %dma_wait3A_33 = tpu.memref_squeeze %dma_wait3A_32 : memref<1x1x1x40xi32, #tpu.memory_space<hbm>> -> memref<1x40xi32, #tpu.memory_space<hbm>>
    %dma_wait3A_34 = arith.constant 0 : i32
    %dma_wait3A_35 = arith.constant 0 : i32
    %dma_wait3A_36 = tpu.memref_slice %arg4[%arg1, %dma_wait3A_29, %dma_wait3A_34, %dma_wait3A_35] : memref<16x250x1x40xi32, #tpu.memory_space<hbm>> -> memref<1x1x1x40xi32, #tpu.memory_space<hbm>>
    %dma_wait3A_37 = tpu.memref_squeeze %dma_wait3A_36 : memref<1x1x1x40xi32, #tpu.memory_space<hbm>> -> memref<1x40xi32, #tpu.memory_space<hbm>>
    tpu.wait_dma2 semaphore(%arg29 : memref<!tpu.dma_semaphore, #tpu.memory_space<semaphore_mem>>) src(%dma_wait3A_37 : memref<1x40xi32, #tpu.memory_space<hbm>>) dst(%arg12 : memref<1x40xi32, #tpu.memory_space<vmem>>)
    %get3A = arith.constant 0 : index
    %get3A_38 = tpu.vector_load %arg8[%get3A] {strides = array<i32>} : memref<40xi32, #tpu.memory_space<vmem>>, vector<16xi32>,
    %add3A_39 = vector.broadcast %arg0 : i32 to vector<16xi32>
    %add3A_40 = arith.addi %get3A_38, %add3A_39 : vector<16xi32>
    %swap3A = arith.constant 0 : index
    %swap3A_41 = tpu.vector_load %arg8[%swap3A] {strides = array<i32>} : memref<40xi32, #tpu.memory_space<vmem>>, vector<16xi32>,
    tpu.vector_store %arg8[%swap3A], %add3A_40 {strides = array<i32>} : memref<40xi32, #tpu.memory_space<vmem>>, vector<16xi32>,
    %get3A_42 = arith.constant 0 : i32
    %get3A_43 = arith.index_cast %get3A_42 : i32 to index
    %get3A_44 = arith.constant 0 : index
    %get3A_45 = tpu.vector_load %arg12[%get3A_43, %get3A_44] {strides = array<i32>} : memref<1x40xi32, #tpu.memory_space<vmem>>, vector<16xi32>,
    %mul3A_46 = arith.constant 2 : i32
    %mul3A_47 = vector.broadcast %mul3A_46 : i32 to vector<16xi32>
    %mul3A_48 = arith.muli %get3A_45, %mul3A_47 : vector<16xi32>
    %add3A_49 = vector.broadcast %arg0 : i32 to vector<16xi32>
    %add3A_50 = arith.addi %mul3A_48, %add3A_49 : vector<16xi32>
    %swap3A_51 = arith.constant 0 : index
    %swap3A_52 = tpu.vector_load %arg10[%swap3A_51] {strides = array<i32>} : memref<40xi32, #tpu.memory_space<vmem>>, vector<16xi32>,
    tpu.vector_store %arg10[%swap3A_51], %add3A_50 {strides = array<i32>} : memref<40xi32, #tpu.memory_space<vmem>>, vector<16xi32>,
    %shift_right_logical3A = arith.constant 5 : i32
    %shift_right_logical3A_53 = vector.broadcast %shift_right_logical3A : i32 to vector<16xi32>
    %shift_right_logical3A_54 = arith.shrui %get3A_45, %shift_right_logical3A_53 : vector<16xi32>
    %swap3A_55 = arith.constant 0 : i32
    %swap3A_56 = arith.index_cast %swap3A_55 : i32 to index
    %swap3A_57 = arith.constant 0 : index
    %swap3A_58 = tpu.vector_load %arg14[%swap3A_56, %swap3A_57] {strides = array<i32>} : memref<1x40xi32, #tpu.memory_space<vmem>>, vector<16xi32>,
    tpu.vector_store %arg14[%swap3A_56, %swap3A_57], %shift_right_logical3A_54 {strides = array<i32>} : memref<1x40xi32, #tpu.memory_space<vmem>>, vector<16xi32>,
    %swap3A_59 = arith.constant 0 : i32
    %swap3A_60 = arith.index_cast %swap3A_59 : i32 to index
    %swap3A_61 = arith.constant 0 : index
    %swap3A_62 = tpu.vector_load %arg16[%swap3A_60, %swap3A_61] {strides = array<i32>} : memref<1x40xi32, #tpu.memory_space<vmem>>, vector<16xi32>,
    tpu.vector_store %arg16[%swap3A_60, %swap3A_61], %get3A_45 {strides = array<i32>} : memref<1x40xi32, #tpu.memory_space<vmem>>, vector<16xi32>,
    %get3A_63 = arith.constant 16 : index
    %get3A_64 = tpu.vector_load %arg8[%get3A_63] {strides = array<i32>} : memref<40xi32, #tpu.memory_space<vmem>>, vector<16xi32>,
    %add3A_65 = vector.broadcast %arg0 : i32 to vector<16xi32>
    %add3A_66 = arith.addi %get3A_64, %add3A_65 : vector<16xi32>
    %swap3A_67 = arith.constant 16 : index
    %swap3A_68 = tpu.vector_load %arg8[%swap3A_67] {strides = array<i32>} : memref<40xi32, #tpu.memory_space<vmem>>, vector<16xi32>,
    tpu.vector_store %arg8[%swap3A_67], %add3A_66 {strides = array<i32>} : memref<40xi32, #tpu.memory_space<vmem>>, vector<16xi32>,
    %get3A_69 = arith.constant 0 : i32
    %get3A_70 = arith.index_cast %get3A_69 : i32 to index
    %get3A_71 = arith.constant 16 : index
    %get3A_72 = tpu.vector_load %arg12[%get3A_70, %get3A_71] {strides = array<i32>} : memref<1x40xi32, #tpu.memory_space<vmem>>, vector<16xi32>,
    %mul3A_73 = arith.constant 2 : i32
    %mul3A_74 = vector.broadcast %mul3A_73 : i32 to vector<16xi32>
    %mul3A_75 = arith.muli %get3A_72, %mul3A_74 : vector<16xi32>
    %add3A_76 = vector.broadcast %arg0 : i32 to vector<16xi32>
    %add3A_77 = arith.addi %mul3A_75, %add3A_76 : vector<16xi32>
    %swap3A_78 = arith.constant 16 : index
    %swap3A_79 = tpu.vector_load %arg10[%swap3A_78] {strides = array<i32>} : memref<40xi32, #tpu.memory_space<vmem>>, vector<16xi32>,
    tpu.vector_store %arg10[%swap3A_78], %add3A_77 {strides = array<i32>} : memref<40xi32, #tpu.memory_space<vmem>>, vector<16xi32>,
    %shift_right_logical3A_80 = arith.constant 5 : i32
    %shift_right_logical3A_81 = vector.broadcast %shift_right_logical3A_80 : i32 to vector<16xi32>
    %shift_right_logical3A_82 = arith.shrui %get3A_72, %shift_right_logical3A_81 : vector<16xi32>
    %swap3A_83 = arith.constant 0 : i32
    %swap3A_84 = arith.index_cast %swap3A_83 : i32 to index
    %swap3A_85 = arith.constant 16 : index
    %swap3A_86 = tpu.vector_load %arg14[%swap3A_84, %swap3A_85] {strides = array<i32>} : memref<1x40xi32, #tpu.memory_space<vmem>>, vector<16xi32>,
    tpu.vector_store %arg14[%swap3A_84, %swap3A_85], %shift_right_logical3A_82 {strides = array<i32>} : memref<1x40xi32, #tpu.memory_space<vmem>>, vector<16xi32>,
    %swap3A_87 = arith.constant 0 : i32
    %swap3A_88 = arith.index_cast %swap3A_87 : i32 to index
    %swap3A_89 = arith.constant 16 : index
    %swap3A_90 = tpu.vector_load %arg16[%swap3A_88, %swap3A_89] {strides = array<i32>} : memref<1x40xi32, #tpu.memory_space<vmem>>, vector<16xi32>,
    tpu.vector_store %arg16[%swap3A_88, %swap3A_89], %get3A_72 {strides = array<i32>} : memref<1x40xi32, #tpu.memory_space<vmem>>, vector<16xi32>,
    %get3A_91 = arith.constant 24 : index
    %get3A_92 = tpu.vector_load %arg8[%get3A_91] {strides = array<i32>} : memref<40xi32, #tpu.memory_space<vmem>>, vector<16xi32>,
    %add3A_93 = arith.addi %get3A_92, %select_n3A : vector<16xi32>
    %swap3A_94 = arith.constant 24 : index
    %swap3A_95 = tpu.vector_load %arg8[%swap3A_94] {strides = array<i32>} : memref<40xi32, #tpu.memory_space<vmem>>, vector<16xi32>,
    tpu.vector_store %arg8[%swap3A_94], %add3A_93 {strides = array<i32>} : memref<40xi32, #tpu.memory_space<vmem>>, vector<16xi32>,
    %get3A_96 = arith.constant 0 : i32
    %get3A_97 = arith.index_cast %get3A_96 : i32 to index
    %get3A_98 = arith.constant 24 : index
    %get3A_99 = tpu.vector_load %arg12[%get3A_97, %get3A_98] {strides = array<i32>} : memref<1x40xi32, #tpu.memory_space<vmem>>, vector<16xi32>,
    %mul3A_100 = arith.constant 2 : i32
    %mul3A_101 = vector.broadcast %mul3A_100 : i32 to vector<16xi32>
    %mul3A_102 = arith.muli %get3A_99, %mul3A_101 : vector<16xi32>
    %add3A_103 = vector.broadcast %arg0 : i32 to vector<16xi32>
    %add3A_104 = arith.addi %mul3A_102, %add3A_103 : vector<16xi32>
    %swap3A_105 = arith.constant 24 : index
    %swap3A_106 = tpu.vector_load %arg10[%swap3A_105] {strides = array<i32>} : memref<40xi32, #tpu.memory_space<vmem>>, vector<16xi32>,
    tpu.vector_store %arg10[%swap3A_105], %add3A_104 {strides = array<i32>} : memref<40xi32, #tpu.memory_space<vmem>>, vector<16xi32>,
    %shift_right_logical3A_107 = arith.constant 5 : i32
    %shift_right_logical3A_108 = vector.broadcast %shift_right_logical3A_107 : i32 to vector<16xi32>
    %shift_right_logical3A_109 = arith.shrui %get3A_99, %shift_right_logical3A_108 : vector<16xi32>
    %swap3A_110 = arith.constant 0 : i32
    %swap3A_111 = arith.index_cast %swap3A_110 : i32 to index
    %swap3A_112 = arith.constant 24 : index
    %swap3A_113 = tpu.vector_load %arg14[%swap3A_111, %swap3A_112] {strides = array<i32>} : memref<1x40xi32, #tpu.memory_space<vmem>>, vector<16xi32>,
    tpu.vector_store %arg14[%swap3A_111, %swap3A_112], %shift_right_logical3A_109 {strides = array<i32>} : memref<1x40xi32, #tpu.memory_space<vmem>>, vector<16xi32>,
    %swap3A_114 = arith.constant 0 : i32
    %swap3A_115 = arith.index_cast %swap3A_114 : i32 to index
    %swap3A_116 = arith.constant 24 : index
    %swap3A_117 = tpu.vector_load %arg16[%swap3A_115, %swap3A_116] {strides = array<i32>} : memref<1x40xi32, #tpu.memory_space<vmem>>, vector<16xi32>,
    tpu.vector_store %arg16[%swap3A_115, %swap3A_116], %get3A_99 {strides = array<i32>} : memref<1x40xi32, #tpu.memory_space<vmem>>, vector<16xi32>,
    %dma_start3A_118 = arith.constant 0 : i32
    %dma_start3A_119 = arith.constant 0 : i32
    %dma_start3A_120 = tpu.memref_slice %arg2[%dma_start3A_118, %dma_start3A_119] : memref<20000x128xf32, #tpu.memory_space<hbm>> -> memref<20000x128xf32, #tpu.memory_space<hbm>>
    tpu.enqueue_indirect_dma source(%dma_start3A_120 : memref<20000x128xf32, #tpu.memory_space<hbm>>) target(%arg18 : memref<40x128xf32, #tpu.memory_space<vmem>>) offsets(%arg8 : memref<40xi32, #tpu.memory_space<vmem>>) semaphore(%arg30 : memref<!tpu.dma_semaphore, #tpu.memory_space<semaphore_mem>>)
    %dma_start3A_121 = arith.constant 0 : i32
    %dma_start3A_122 = arith.constant 0 : i32
    %dma_start3A_123 = tpu.memref_slice %arg2[%dma_start3A_121, %dma_start3A_122] : memref<20000x128xf32, #tpu.memory_space<hbm>> -> memref<20000x128xf32, #tpu.memory_space<hbm>>
    tpu.enqueue_indirect_dma source(%dma_start3A_123 : memref<20000x128xf32, #tpu.memory_space<hbm>>) target(%arg20 : memref<40x128xf32, #tpu.memory_space<vmem>>) offsets(%arg10 : memref<40xi32, #tpu.memory_space<vmem>>) semaphore(%arg32 : memref<!tpu.dma_semaphore, #tpu.memory_space<semaphore_mem>>)
    %add3A_124 = arith.constant 40 : i32
    %add3A_125 = arith.addi %mul3A_14, %add3A_124 : i32
    %dma_start3A_126 = tpu.memref_slice %arg3[%add3A_125] : memref<160000xi32, #tpu.memory_space<hbm>> -> memref<40xi32, #tpu.memory_space<hbm>>
    %dma_start3A_127 = tpu.memref_slice %arg3[%add3A_125] : memref<160000xi32, #tpu.memory_space<hbm>> -> memref<40xi32, #tpu.memory_space<hbm>>
    tpu.enqueue_dma source(%dma_start3A_127 : memref<40xi32, #tpu.memory_space<hbm>>) target(%arg9 : memref<40xi32, #tpu.memory_space<vmem>>) target_semaphore(%arg28 : memref<!tpu.dma_semaphore, #tpu.memory_space<semaphore_mem>>)
    %dma_start3A_128 = arith.constant 1 : i32
    %dma_start3A_129 = arith.constant 0 : i32
    %dma_start3A_130 = arith.constant 0 : i32
    %dma_start3A_131 = tpu.memref_slice %arg4[%arg1, %dma_start3A_128, %dma_start3A_129, %dma_start3A_130] : memref<16x250x1x40xi32, #tpu.memory_space<hbm>> -> memref<1x1x1x40xi32, #tpu.memory_space<hbm>>
    %dma_start3A_132 = tpu.memref_squeeze %dma_start3A_131 : memref<1x1x1x40xi32, #tpu.memory_space<hbm>> -> memref<1x40xi32, #tpu.memory_space<hbm>>
    %dma_start3A_133 = arith.constant 0 : i32
    %dma_start3A_134 = arith.constant 0 : i32
    %dma_start3A_135 = tpu.memref_slice %arg4[%arg1, %dma_start3A_128, %dma_start3A_133, %dma_start3A_134] : memref<16x250x1x40xi32, #tpu.memory_space<hbm>> -> memref<1x1x1x40xi32, #tpu.memory_space<hbm>>
    %dma_start3A_136 = tpu.memref_squeeze %dma_start3A_135 : memref<1x1x1x40xi32, #tpu.memory_space<hbm>> -> memref<1x40xi32, #tpu.memory_space<hbm>>
    tpu.enqueue_dma source(%dma_start3A_136 : memref<1x40xi32, #tpu.memory_space<hbm>>) target(%arg13 : memref<1x40xi32, #tpu.memory_space<vmem>>) target_semaphore(%arg29 : memref<!tpu.dma_semaphore, #tpu.memory_space<semaphore_mem>>)
    %scan3A = arith.constant 0 : i32
    %scan3A_137 = arith.constant 0 : i32
    %scan3A_138 = arith.constant 125 : i32
    %scan3A_139 = arith.addi %scan3A_137, %scan3A_138 : i32
    %scan3A_140 = arith.constant 1 : i32
    %scan3A_141 = scf.for %scan3A_163 = %scan3A_137 to %scan3A_139 step %scan3A_140 iter_args(%scan3A_164 = %scan3A) -> (i32)  : i32 {
      %mul3A_165 = arith.constant 2 : i32
      %mul3A_166 = arith.muli %mul3A_165, %scan3A_163 : i32
      %add3A_167 = arith.constant 0 : i32
      %add3A_168 = arith.addi %mul3A_166, %add3A_167 : i32
      %ge3A_169 = arith.constant 1 : i32
      %ge3A_170 = arith.cmpi sge, %add3A_168, %ge3A_169 : i32
      %convert_element_type3A_171 = arith.extui %ge3A_170 : i1 to i32
      %cond3A_172 = arith.constant 0 : i32
      %cond3A_173 = arith.cmpi ne, %convert_element_type3A_171, %cond3A_172 : i32
      scf.if %cond3A_173 {
        %dma_wait3A_257 = arith.constant 0 : i32
        %dma_wait3A_258 = arith.constant 0 : i32
        %dma_wait3A_259 = tpu.memref_slice %arg17[%dma_wait3A_257, %dma_wait3A_258] : memref<1x40xi32, #tpu.memory_space<vmem>> -> memref<1x40xi32, #tpu.memory_space<vmem>>
        %dma_wait3A_260 = tpu.memref_squeeze %dma_wait3A_259 : memref<1x40xi32, #tpu.memory_space<vmem>> -> memref<40xi32, #tpu.memory_space<vmem>>
        %dma_wait3A_261 = arith.constant 0 : i32
        %dma_wait3A_262 = arith.constant 0 : i32
        %dma_wait3A_263 = tpu.memref_slice %arg26[%dma_wait3A_261, %dma_wait3A_262] : memref<10240x128xf32, #tpu.memory_space<vmem_shared>> -> memref<10240x128xf32, #tpu.memory_space<vmem_shared>>
        tpu.wait_indirect_dma semaphore(%arg35 : memref<!tpu.dma_semaphore, #tpu.memory_space<semaphore_mem>>) src(%arg23 : memref<40x128xf32, #tpu.memory_space<vmem>>) dst(%dma_wait3A_263 : memref<10240x128xf32, #tpu.memory_space<vmem_shared>>)
        %dma_wait3A_264 = arith.constant 0 : i32
        %dma_wait3A_265 = arith.constant 0 : i32
        %dma_wait3A_266 = tpu.memref_slice %arg15[%dma_wait3A_264, %dma_wait3A_265] : memref<1x40xi32, #tpu.memory_space<vmem>> -> memref<1x40xi32, #tpu.memory_space<vmem>>
        %dma_wait3A_267 = tpu.memref_squeeze %dma_wait3A_266 : memref<1x40xi32, #tpu.memory_space<vmem>> -> memref<40xi32, #tpu.memory_space<vmem>>
        %dma_wait3A_268 = arith.constant 0 : i32
        %dma_wait3A_269 = arith.constant 0 : i32
        %dma_wait3A_270 = tpu.memref_slice %arg27[%dma_wait3A_268, %dma_wait3A_269] : memref<320x128xf32, #tpu.memory_space<vmem_shared>> -> memref<320x128xf32, #tpu.memory_space<vmem_shared>>
        tpu.wait_indirect_dma semaphore(%arg37 : memref<!tpu.dma_semaphore, #tpu.memory_space<semaphore_mem>>) src(%arg25 : memref<40x128xf32, #tpu.memory_space<vmem>>) dst(%dma_wait3A_270 : memref<320x128xf32, #tpu.memory_space<vmem_shared>>)
      } else {
      }
      %add3A_174 = arith.constant 1 : i32
      %add3A_175 = arith.addi %add3A_168, %add3A_174 : i32
      %lt3A_176 = arith.constant 250 : i32
      %lt3A_177 = arith.cmpi slt, %add3A_175, %lt3A_176 : i32
      %convert_element_type3A_178 = arith.extui %lt3A_177 : i1 to i32
      %cond3A_179 = arith.constant 0 : i32
      %cond3A_180 = arith.cmpi ne, %convert_element_type3A_178, %cond3A_179 : i32
      scf.if %cond3A_180 {
        %dma_wait3A_257 = arith.constant 0 : i32
        %dma_wait3A_258 = tpu.memref_slice %arg3[%dma_wait3A_257] : memref<160000xi32, #tpu.memory_space<hbm>> -> memref<40xi32, #tpu.memory_space<hbm>>
        %dma_wait3A_259 = arith.constant 0 : i32
        %dma_wait3A_260 = tpu.memref_slice %arg3[%dma_wait3A_259] : memref<160000xi32, #tpu.memory_space<hbm>> -> memref<40xi32, #tpu.memory_space<hbm>>
        tpu.wait_dma2 semaphore(%arg28 : memref<!tpu.dma_semaphore, #tpu.memory_space<semaphore_mem>>) src(%dma_wait3A_260 : memref<40xi32, #tpu.memory_space<hbm>>) dst(%arg9 : memref<40xi32, #tpu.memory_space<vmem>>)
        %dma_wait3A_261 = arith.constant 0 : i32
        %dma_wait3A_262 = arith.constant 0 : i32
        %dma_wait3A_263 = arith.constant 0 : i32
        %dma_wait3A_264 = tpu.memref_slice %arg4[%arg1, %dma_wait3A_261, %dma_wait3A_262, %dma_wait3A_263] : memref<16x250x1x40xi32, #tpu.memory_space<hbm>> -> memref<1x1x1x40xi32, #tpu.memory_space<hbm>>
        %dma_wait3A_265 = tpu.memref_squeeze %dma_wait3A_264 : memref<1x1x1x40xi32, #tpu.memory_space<hbm>> -> memref<1x40xi32, #tpu.memory_space<hbm>>
        %dma_wait3A_266 = arith.constant 0 : i32
        %dma_wait3A_267 = arith.constant 0 : i32
        %dma_wait3A_268 = tpu.memref_slice %arg4[%arg1, %dma_wait3A_261, %dma_wait3A_266, %dma_wait3A_267] : memref<16x250x1x40xi32, #tpu.memory_space<hbm>> -> memref<1x1x1x40xi32, #tpu.memory_space<hbm>>
        %dma_wait3A_269 = tpu.memref_squeeze %dma_wait3A_268 : memref<1x1x1x40xi32, #tpu.memory_space<hbm>> -> memref<1x40xi32, #tpu.memory_space<hbm>>
        tpu.wait_dma2 semaphore(%arg29 : memref<!tpu.dma_semaphore, #tpu.memory_space<semaphore_mem>>) src(%dma_wait3A_269 : memref<1x40xi32, #tpu.memory_space<hbm>>) dst(%arg13 : memref<1x40xi32, #tpu.memory_space<vmem>>)
        %get3A_270 = arith.constant 0 : index
        %get3A_271 = tpu.vector_load %arg9[%get3A_270] {strides = array<i32>} : memref<40xi32, #tpu.memory_space<vmem>>, vector<16xi32>,
        %add3A_272 = vector.broadcast %arg0 : i32 to vector<16xi32>
        %add3A_273 = arith.addi %get3A_271, %add3A_272 : vector<16xi32>
        %swap3A_274 = arith.constant 0 : index
        %swap3A_275 = tpu.vector_load %arg9[%swap3A_274] {strides = array<i32>} : memref<40xi32, #tpu.memory_space<vmem>>, vector<16xi32>,
        tpu.vector_store %arg9[%swap3A_274], %add3A_273 {strides = array<i32>} : memref<40xi32, #tpu.memory_space<vmem>>, vector<16xi32>,
        %get3A_276 = arith.constant 0 : i32
        %get3A_277 = arith.index_cast %get3A_276 : i32 to index
        %get3A_278 = arith.constant 0 : index
        %get3A_279 = tpu.vector_load %arg13[%get3A_277, %get3A_278] {strides = array<i32>} : memref<1x40xi32, #tpu.memory_space<vmem>>, vector<16xi32>,
        %mul3A_280 = arith.constant 2 : i32
        %mul3A_281 = vector.broadcast %mul3A_280 : i32 to vector<16xi32>
        %mul3A_282 = arith.muli %get3A_279, %mul3A_281 : vector<16xi32>
        %add3A_283 = vector.broadcast %arg0 : i32 to vector<16xi32>
        %add3A_284 = arith.addi %mul3A_282, %add3A_283 : vector<16xi32>
        %swap3A_285 = arith.constant 0 : index
        %swap3A_286 = tpu.vector_load %arg11[%swap3A_285] {strides = array<i32>} : memref<40xi32, #tpu.memory_space<vmem>>, vector<16xi32>,
        tpu.vector_store %arg11[%swap3A_285], %add3A_284 {strides = array<i32>} : memref<40xi32, #tpu.memory_space<vmem>>, vector<16xi32>,
        %shift_right_logical3A_287 = arith.constant 5 : i32
        %shift_right_logical3A_288 = vector.broadcast %shift_right_logical3A_287 : i32 to vector<16xi32>
        %shift_right_logical3A_289 = arith.shrui %get3A_279, %shift_right_logical3A_288 : vector<16xi32>
        %swap3A_290 = arith.constant 0 : i32
        %swap3A_291 = arith.index_cast %swap3A_290 : i32 to index
        %swap3A_292 = arith.constant 0 : index
        %swap3A_293 = tpu.vector_load %arg15[%swap3A_291, %swap3A_292] {strides = array<i32>} : memref<1x40xi32, #tpu.memory_space<vmem>>, vector<16xi32>,
        tpu.vector_store %arg15[%swap3A_291, %swap3A_292], %shift_right_logical3A_289 {strides = array<i32>} : memref<1x40xi32, #tpu.memory_space<vmem>>, vector<16xi32>,
        %swap3A_294 = arith.constant 0 : i32
        %swap3A_295 = arith.index_cast %swap3A_294 : i32 to index
        %swap3A_296 = arith.constant 0 : index
        %swap3A_297 = tpu.vector_load %arg17[%swap3A_295, %swap3A_296] {strides = array<i32>} : memref<1x40xi32, #tpu.memory_space<vmem>>, vector<16xi32>,
        tpu.vector_store %arg17[%swap3A_295, %swap3A_296], %get3A_279 {strides = array<i32>} : memref<1x40xi32, #tpu.memory_space<vmem>>, vector<16xi32>,
        %get3A_298 = arith.constant 16 : index
        %get3A_299 = tpu.vector_load %arg9[%get3A_298] {strides = array<i32>} : memref<40xi32, #tpu.memory_space<vmem>>, vector<16xi32>,
        %add3A_300 = vector.broadcast %arg0 : i32 to vector<16xi32>
        %add3A_301 = arith.addi %get3A_299, %add3A_300 : vector<16xi32>
        %swap3A_302 = arith.constant 16 : index
        %swap3A_303 = tpu.vector_load %arg9[%swap3A_302] {strides = array<i32>} : memref<40xi32, #tpu.memory_space<vmem>>, vector<16xi32>,
        tpu.vector_store %arg9[%swap3A_302], %add3A_301 {strides = array<i32>} : memref<40xi32, #tpu.memory_space<vmem>>, vector<16xi32>,
        %get3A_304 = arith.constant 0 : i32
        %get3A_305 = arith.index_cast %get3A_304 : i32 to index
        %get3A_306 = arith.constant 16 : index
        %get3A_307 = tpu.vector_load %arg13[%get3A_305, %get3A_306] {strides = array<i32>} : memref<1x40xi32, #tpu.memory_space<vmem>>, vector<16xi32>,
        %mul3A_308 = arith.constant 2 : i32
        %mul3A_309 = vector.broadcast %mul3A_308 : i32 to vector<16xi32>
        %mul3A_310 = arith.muli %get3A_307, %mul3A_309 : vector<16xi32>
        %add3A_311 = vector.broadcast %arg0 : i32 to vector<16xi32>
        %add3A_312 = arith.addi %mul3A_310, %add3A_311 : vector<16xi32>
        %swap3A_313 = arith.constant 16 : index
        %swap3A_314 = tpu.vector_load %arg11[%swap3A_313] {strides = array<i32>} : memref<40xi32, #tpu.memory_space<vmem>>, vector<16xi32>,
        tpu.vector_store %arg11[%swap3A_313], %add3A_312 {strides = array<i32>} : memref<40xi32, #tpu.memory_space<vmem>>, vector<16xi32>,
        %shift_right_logical3A_315 = arith.constant 5 : i32
        %shift_right_logical3A_316 = vector.broadcast %shift_right_logical3A_315 : i32 to vector<16xi32>
        %shift_right_logical3A_317 = arith.shrui %get3A_307, %shift_right_logical3A_316 : vector<16xi32>
        %swap3A_318 = arith.constant 0 : i32
        %swap3A_319 = arith.index_cast %swap3A_318 : i32 to index
        %swap3A_320 = arith.constant 16 : index
        %swap3A_321 = tpu.vector_load %arg15[%swap3A_319, %swap3A_320] {strides = array<i32>} : memref<1x40xi32, #tpu.memory_space<vmem>>, vector<16xi32>,
        tpu.vector_store %arg15[%swap3A_319, %swap3A_320], %shift_right_logical3A_317 {strides = array<i32>} : memref<1x40xi32, #tpu.memory_space<vmem>>, vector<16xi32>,
        %swap3A_322 = arith.constant 0 : i32
        %swap3A_323 = arith.index_cast %swap3A_322 : i32 to index
        %swap3A_324 = arith.constant 16 : index
        %swap3A_325 = tpu.vector_load %arg17[%swap3A_323, %swap3A_324] {strides = array<i32>} : memref<1x40xi32, #tpu.memory_space<vmem>>, vector<16xi32>,
        tpu.vector_store %arg17[%swap3A_323, %swap3A_324], %get3A_307 {strides = array<i32>} : memref<1x40xi32, #tpu.memory_space<vmem>>, vector<16xi32>,
        %get3A_326 = arith.constant 24 : index
        %get3A_327 = tpu.vector_load %arg9[%get3A_326] {strides = array<i32>} : memref<40xi32, #tpu.memory_space<vmem>>, vector<16xi32>,
        %add3A_328 = arith.addi %get3A_327, %select_n3A : vector<16xi32>
        %swap3A_329 = arith.constant 24 : index
        %swap3A_330 = tpu.vector_load %arg9[%swap3A_329] {strides = array<i32>} : memref<40xi32, #tpu.memory_space<vmem>>, vector<16xi32>,
        tpu.vector_store %arg9[%swap3A_329], %add3A_328 {strides = array<i32>} : memref<40xi32, #tpu.memory_space<vmem>>, vector<16xi32>,
        %get3A_331 = arith.constant 0 : i32
        %get3A_332 = arith.index_cast %get3A_331 : i32 to index
        %get3A_333 = arith.constant 24 : index
        %get3A_334 = tpu.vector_load %arg13[%get3A_332, %get3A_333] {strides = array<i32>} : memref<1x40xi32, #tpu.memory_space<vmem>>, vector<16xi32>,
        %mul3A_335 = arith.constant 2 : i32
        %mul3A_336 = vector.broadcast %mul3A_335 : i32 to vector<16xi32>
        %mul3A_337 = arith.muli %get3A_334, %mul3A_336 : vector<16xi32>
        %add3A_338 = vector.broadcast %arg0 : i32 to vector<16xi32>
        %add3A_339 = arith.addi %mul3A_337, %add3A_338 : vector<16xi32>
        %swap3A_340 = arith.constant 24 : index
        %swap3A_341 = tpu.vector_load %arg11[%swap3A_340] {strides = array<i32>} : memref<40xi32, #tpu.memory_space<vmem>>, vector<16xi32>,
        tpu.vector_store %arg11[%swap3A_340], %add3A_339 {strides = array<i32>} : memref<40xi32, #tpu.memory_space<vmem>>, vector<16xi32>,
        %shift_right_logical3A_342 = arith.constant 5 : i32
        %shift_right_logical3A_343 = vector.broadcast %shift_right_logical3A_342 : i32 to vector<16xi32>
        %shift_right_logical3A_344 = arith.shrui %get3A_334, %shift_right_logical3A_343 : vector<16xi32>
        %swap3A_345 = arith.constant 0 : i32
        %swap3A_346 = arith.index_cast %swap3A_345 : i32 to index
        %swap3A_347 = arith.constant 24 : index
        %swap3A_348 = tpu.vector_load %arg15[%swap3A_346, %swap3A_347] {strides = array<i32>} : memref<1x40xi32, #tpu.memory_space<vmem>>, vector<16xi32>,
        tpu.vector_store %arg15[%swap3A_346, %swap3A_347], %shift_right_logical3A_344 {strides = array<i32>} : memref<1x40xi32, #tpu.memory_space<vmem>>, vector<16xi32>,
        %swap3A_349 = arith.constant 0 : i32
        %swap3A_350 = arith.index_cast %swap3A_349 : i32 to index
        %swap3A_351 = arith.constant 24 : index
        %swap3A_352 = tpu.vector_load %arg17[%swap3A_350, %swap3A_351] {strides = array<i32>} : memref<1x40xi32, #tpu.memory_space<vmem>>, vector<16xi32>,
        tpu.vector_store %arg17[%swap3A_350, %swap3A_351], %get3A_334 {strides = array<i32>} : memref<1x40xi32, #tpu.memory_space<vmem>>, vector<16xi32>,
        %dma_start3A_353 = arith.constant 0 : i32
        %dma_start3A_354 = arith.constant 0 : i32
        %dma_start3A_355 = tpu.memref_slice %arg2[%dma_start3A_353, %dma_start3A_354] : memref<20000x128xf32, #tpu.memory_space<hbm>> -> memref<20000x128xf32, #tpu.memory_space<hbm>>
        tpu.enqueue_indirect_dma source(%dma_start3A_355 : memref<20000x128xf32, #tpu.memory_space<hbm>>) target(%arg19 : memref<40x128xf32, #tpu.memory_space<vmem>>) offsets(%arg9 : memref<40xi32, #tpu.memory_space<vmem>>) semaphore(%arg31 : memref<!tpu.dma_semaphore, #tpu.memory_space<semaphore_mem>>)
        %dma_start3A_356 = arith.constant 0 : i32
        %dma_start3A_357 = arith.constant 0 : i32
        %dma_start3A_358 = tpu.memref_slice %arg2[%dma_start3A_356, %dma_start3A_357] : memref<20000x128xf32, #tpu.memory_space<hbm>> -> memref<20000x128xf32, #tpu.memory_space<hbm>>
        tpu.enqueue_indirect_dma source(%dma_start3A_358 : memref<20000x128xf32, #tpu.memory_space<hbm>>) target(%arg21 : memref<40x128xf32, #tpu.memory_space<vmem>>) offsets(%arg11 : memref<40xi32, #tpu.memory_space<vmem>>) semaphore(%arg33 : memref<!tpu.dma_semaphore, #tpu.memory_space<semaphore_mem>>)
      } else {
      }
      %dma_wait3A_181 = arith.constant 0 : i32
      %dma_wait3A_182 = arith.constant 0 : i32
      %dma_wait3A_183 = tpu.memref_slice %arg2[%dma_wait3A_181, %dma_wait3A_182] : memref<20000x128xf32, #tpu.memory_space<hbm>> -> memref<20000x128xf32, #tpu.memory_space<hbm>>
      tpu.wait_indirect_dma semaphore(%arg30 : memref<!tpu.dma_semaphore, #tpu.memory_space<semaphore_mem>>) src(%dma_wait3A_183 : memref<20000x128xf32, #tpu.memory_space<hbm>>) dst(%arg18 : memref<40x128xf32, #tpu.memory_space<vmem>>)
      %dma_wait3A_184 = arith.constant 0 : i32
      %dma_wait3A_185 = arith.constant 0 : i32
      %dma_wait3A_186 = tpu.memref_slice %arg2[%dma_wait3A_184, %dma_wait3A_185] : memref<20000x128xf32, #tpu.memory_space<hbm>> -> memref<20000x128xf32, #tpu.memory_space<hbm>>
      tpu.wait_indirect_dma semaphore(%arg32 : memref<!tpu.dma_semaphore, #tpu.memory_space<semaphore_mem>>) src(%dma_wait3A_186 : memref<20000x128xf32, #tpu.memory_space<hbm>>) dst(%arg20 : memref<40x128xf32, #tpu.memory_space<vmem>>)
      %add3A_187 = arith.constant 2 : i32
      %add3A_188 = arith.addi %add3A_168, %add3A_187 : i32
      %lt3A_189 = arith.constant 250 : i32
      %lt3A_190 = arith.cmpi slt, %add3A_188, %lt3A_189 : i32
      %convert_element_type3A_191 = arith.extui %lt3A_190 : i1 to i32
      %cond3A_192 = arith.constant 0 : i32
      %cond3A_193 = arith.cmpi ne, %convert_element_type3A_191, %cond3A_192 : i32
      scf.if %cond3A_193 {
        %add3A_257 = arith.constant 2 : i32
        %add3A_258 = arith.addi %add3A_168, %add3A_257 : i32
        %mul3A_259 = arith.constant 40 : i32
        %mul3A_260 = arith.muli %add3A_258, %mul3A_259 : i32
        %add3A_261 = arith.addi %mul3A_14, %mul3A_260 : i32
        %dma_start3A_262 = tpu.memref_slice %arg3[%add3A_261] : memref<160000xi32, #tpu.memory_space<hbm>> -> memref<40xi32, #tpu.memory_space<hbm>>
        %dma_start3A_263 = tpu.memref_slice %arg3[%add3A_261] : memref<160000xi32, #tpu.memory_space<hbm>> -> memref<40xi32, #tpu.memory_space<hbm>>
        tpu.enqueue_dma source(%dma_start3A_263 : memref<40xi32, #tpu.memory_space<hbm>>) target(%arg8 : memref<40xi32, #tpu.memory_space<vmem>>) target_semaphore(%arg28 : memref<!tpu.dma_semaphore, #tpu.memory_space<semaphore_mem>>)
        %dma_start3A_264 = arith.constant 0 : i32
        %dma_start3A_265 = arith.constant 0 : i32
        %dma_start3A_266 = tpu.memref_slice %arg4[%arg1, %add3A_258, %dma_start3A_264, %dma_start3A_265] : memref<16x250x1x40xi32, #tpu.memory_space<hbm>> -> memref<1x1x1x40xi32, #tpu.memory_space<hbm>>
        %dma_start3A_267 = tpu.memref_squeeze %dma_start3A_266 : memref<1x1x1x40xi32, #tpu.memory_space<hbm>> -> memref<1x40xi32, #tpu.memory_space<hbm>>
        %dma_start3A_268 = arith.constant 0 : i32
        %dma_start3A_269 = arith.constant 0 : i32
        %dma_start3A_270 = tpu.memref_slice %arg4[%arg1, %add3A_258, %dma_start3A_268, %dma_start3A_269] : memref<16x250x1x40xi32, #tpu.memory_space<hbm>> -> memref<1x1x1x40xi32, #tpu.memory_space<hbm>>
        %dma_start3A_271 = tpu.memref_squeeze %dma_start3A_270 : memref<1x1x1x40xi32, #tpu.memory_space<hbm>> -> memref<1x40xi32, #tpu.memory_space<hbm>>
        tpu.enqueue_dma source(%dma_start3A_271 : memref<1x40xi32, #tpu.memory_space<hbm>>) target(%arg12 : memref<1x40xi32, #tpu.memory_space<vmem>>) target_semaphore(%arg29 : memref<!tpu.dma_semaphore, #tpu.memory_space<semaphore_mem>>)
      } else {
      }
      %parallel_loop3A = arith.constant 0 : i32
      %parallel_loop3A_194 = arith.constant 40 : i32
      %parallel_loop3A_195 = arith.constant 1 : i32
      scf.for %parallel_loop3A_257 = %parallel_loop3A to %parallel_loop3A_194 step %parallel_loop3A_195  : i32 {
        %parallel_loop3A_258 = arith.index_cast %parallel_loop3A_257 : i32 to index
        %parallel_loop3A_259 = arith.constant 0 : index
        %parallel_loop3A_260 = tpu.vector_load %arg18[%parallel_loop3A_258, %parallel_loop3A_259] {strides = array<i32>} : memref<40x128xf32, #tpu.memory_space<vmem>>, vector<16xf32>,
        %parallel_loop3A_261 = arith.index_cast %parallel_loop3A_257 : i32 to index
        %parallel_loop3A_262 = arith.constant 16 : index
        %parallel_loop3A_263 = tpu.vector_load %arg18[%parallel_loop3A_261, %parallel_loop3A_262] {strides = array<i32>} : memref<40x128xf32, #tpu.memory_space<vmem>>, vector<16xf32>,
        %parallel_loop3A_264 = arith.index_cast %parallel_loop3A_257 : i32 to index
        %parallel_loop3A_265 = arith.constant 0 : index
        %parallel_loop3A_266 = tpu.vector_load %arg20[%parallel_loop3A_264, %parallel_loop3A_265] {strides = array<i32>} : memref<40x128xf32, #tpu.memory_space<vmem>>, vector<16xf32>,
        %parallel_loop3A_267 = arith.index_cast %parallel_loop3A_257 : i32 to index
        %parallel_loop3A_268 = arith.constant 16 : index
        %parallel_loop3A_269 = tpu.vector_load %arg20[%parallel_loop3A_267, %parallel_loop3A_268] {strides = array<i32>} : memref<40x128xf32, #tpu.memory_space<vmem>>, vector<16xf32>,
        %parallel_loop3A_270 = arith.mulf %parallel_loop3A_260, %parallel_loop3A_266 : vector<16xf32>
        %parallel_loop3A_271 = arith.mulf %parallel_loop3A_263, %parallel_loop3A_269 : vector<16xf32>
        %parallel_loop3A_272 = arith.addf %parallel_loop3A_270, %parallel_loop3A_271 : vector<16xf32>
        %parallel_loop3A_273 = arith.constant true
        %parallel_loop3A_274 = vector.broadcast %parallel_loop3A_273 : i1 to vector<16xi1>
        %parallel_loop3A_275 = tpu.scan <sum>, %parallel_loop3A_272 masked %parallel_loop3A_274 : vector<16xf32>, vector<16xi1> -> vector<16xf32>
        %parallel_loop3A_276 = vector.extract %parallel_loop3A_275[15] : f32 from vector<16xf32>
        %parallel_loop3A_277 = arith.constant 0.176776692 : f32
        %parallel_loop3A_278 = arith.mulf %parallel_loop3A_276, %parallel_loop3A_277 : f32
        %parallel_loop3A_279 = vector.broadcast %parallel_loop3A_278 : f32 to vector<16xf32>
        %parallel_loop3A_280 = math.exp %parallel_loop3A_279 : vector<16xf32>
        %parallel_loop3A_281 = arith.mulf %parallel_loop3A_260, %parallel_loop3A_280 : vector<16xf32>
        %parallel_loop3A_282 = arith.index_cast %parallel_loop3A_257 : i32 to index
        %parallel_loop3A_283 = arith.constant 0 : index
        %parallel_loop3A_284 = tpu.vector_load %arg22[%parallel_loop3A_282, %parallel_loop3A_283] {strides = array<i32>} : memref<40x128xf32, #tpu.memory_space<vmem>>, vector<16xf32>,
        tpu.vector_store %arg22[%parallel_loop3A_282, %parallel_loop3A_283], %parallel_loop3A_281 {strides = array<i32>} : memref<40x128xf32, #tpu.memory_space<vmem>>, vector<16xf32>,
        %parallel_loop3A_285 = arith.mulf %parallel_loop3A_263, %parallel_loop3A_280 : vector<16xf32>
        %parallel_loop3A_286 = arith.index_cast %parallel_loop3A_257 : i32 to index
        %parallel_loop3A_287 = arith.constant 16 : index
        %parallel_loop3A_288 = tpu.vector_load %arg22[%parallel_loop3A_286, %parallel_loop3A_287] {strides = array<i32>} : memref<40x128xf32, #tpu.memory_space<vmem>>, vector<16xf32>,
        tpu.vector_store %arg22[%parallel_loop3A_286, %parallel_loop3A_287], %parallel_loop3A_285 {strides = array<i32>} : memref<40x128xf32, #tpu.memory_space<vmem>>, vector<16xf32>,
        %parallel_loop3A_289 = arith.constant 0 : i32
        %parallel_loop3A_290 = vector.broadcast %parallel_loop3A_289 : i32 to vector<16xi32>
        %parallel_loop3A_291 = arith.cmpi eq, %iota3A, %parallel_loop3A_290 : vector<16xi32>
        %parallel_loop3A_292 = arith.constant 0.000000e+00 : f32
        %parallel_loop3A_293 = vector.broadcast %parallel_loop3A_292 : f32 to vector<16xf32>
        %parallel_loop3A_294 = arith.select %parallel_loop3A_291, %parallel_loop3A_280, %parallel_loop3A_293 : vector<16xi1>, vector<16xf32>
        %parallel_loop3A_295 = arith.addf %broadcast_in_dim3A_12, %parallel_loop3A_294 : vector<16xf32>
        %parallel_loop3A_296 = arith.index_cast %parallel_loop3A_257 : i32 to index
        %parallel_loop3A_297 = arith.constant 32 : index
        %parallel_loop3A_298 = tpu.vector_load %arg18[%parallel_loop3A_296, %parallel_loop3A_297] {strides = array<i32>} : memref<40x128xf32, #tpu.memory_space<vmem>>, vector<16xf32>,
        %parallel_loop3A_299 = arith.index_cast %parallel_loop3A_257 : i32 to index
        %parallel_loop3A_300 = arith.constant 48 : index
        %parallel_loop3A_301 = tpu.vector_load %arg18[%parallel_loop3A_299, %parallel_loop3A_300] {strides = array<i32>} : memref<40x128xf32, #tpu.memory_space<vmem>>, vector<16xf32>,
        %parallel_loop3A_302 = arith.index_cast %parallel_loop3A_257 : i32 to index
        %parallel_loop3A_303 = arith.constant 32 : index
        %parallel_loop3A_304 = tpu.vector_load %arg20[%parallel_loop3A_302, %parallel_loop3A_303] {strides = array<i32>} : memref<40x128xf32, #tpu.memory_space<vmem>>, vector<16xf32>,
        %parallel_loop3A_305 = arith.index_cast %parallel_loop3A_257 : i32 to index
        %parallel_loop3A_306 = arith.constant 48 : index
        %parallel_loop3A_307 = tpu.vector_load %arg20[%parallel_loop3A_305, %parallel_loop3A_306] {strides = array<i32>} : memref<40x128xf32, #tpu.memory_space<vmem>>, vector<16xf32>,
        %parallel_loop3A_308 = arith.mulf %parallel_loop3A_298, %parallel_loop3A_304 : vector<16xf32>
        %parallel_loop3A_309 = arith.mulf %parallel_loop3A_301, %parallel_loop3A_307 : vector<16xf32>
        %parallel_loop3A_310 = arith.addf %parallel_loop3A_308, %parallel_loop3A_309 : vector<16xf32>
        %parallel_loop3A_311 = arith.constant true
        %parallel_loop3A_312 = vector.broadcast %parallel_loop3A_311 : i1 to vector<16xi1>
        %parallel_loop3A_313 = tpu.scan <sum>, %parallel_loop3A_310 masked %parallel_loop3A_312 : vector<16xf32>, vector<16xi1> -> vector<16xf32>
        %parallel_loop3A_314 = vector.extract %parallel_loop3A_313[15] : f32 from vector<16xf32>
        %parallel_loop3A_315 = arith.constant 0.176776692 : f32
        %parallel_loop3A_316 = arith.mulf %parallel_loop3A_314, %parallel_loop3A_315 : f32
        %parallel_loop3A_317 = vector.broadcast %parallel_loop3A_316 : f32 to vector<16xf32>
        %parallel_loop3A_318 = math.exp %parallel_loop3A_317 : vector<16xf32>
        %parallel_loop3A_319 = arith.mulf %parallel_loop3A_298, %parallel_loop3A_318 : vector<16xf32>
        %parallel_loop3A_320 = arith.index_cast %parallel_loop3A_257 : i32 to index
        %parallel_loop3A_321 = arith.constant 32 : index
        %parallel_loop3A_322 = tpu.vector_load %arg22[%parallel_loop3A_320, %parallel_loop3A_321] {strides = array<i32>} : memref<40x128xf32, #tpu.memory_space<vmem>>, vector<16xf32>,
        tpu.vector_store %arg22[%parallel_loop3A_320, %parallel_loop3A_321], %parallel_loop3A_319 {strides = array<i32>} : memref<40x128xf32, #tpu.memory_space<vmem>>, vector<16xf32>,
        %parallel_loop3A_323 = arith.mulf %parallel_loop3A_301, %parallel_loop3A_318 : vector<16xf32>
        %parallel_loop3A_324 = arith.index_cast %parallel_loop3A_257 : i32 to index
        %parallel_loop3A_325 = arith.constant 48 : index
        %parallel_loop3A_326 = tpu.vector_load %arg22[%parallel_loop3A_324, %parallel_loop3A_325] {strides = array<i32>} : memref<40x128xf32, #tpu.memory_space<vmem>>, vector<16xf32>,
        tpu.vector_store %arg22[%parallel_loop3A_324, %parallel_loop3A_325], %parallel_loop3A_323 {strides = array<i32>} : memref<40x128xf32, #tpu.memory_space<vmem>>, vector<16xf32>,
        %parallel_loop3A_327 = arith.constant 1 : i32
        %parallel_loop3A_328 = vector.broadcast %parallel_loop3A_327 : i32 to vector<16xi32>
        %parallel_loop3A_329 = arith.cmpi eq, %iota3A, %parallel_loop3A_328 : vector<16xi32>
        %parallel_loop3A_330 = arith.constant 0.000000e+00 : f32
        %parallel_loop3A_331 = vector.broadcast %parallel_loop3A_330 : f32 to vector<16xf32>
        %parallel_loop3A_332 = arith.select %parallel_loop3A_329, %parallel_loop3A_318, %parallel_loop3A_331 : vector<16xi1>, vector<16xf32>
        %parallel_loop3A_333 = arith.addf %parallel_loop3A_295, %parallel_loop3A_332 : vector<16xf32>
        %parallel_loop3A_334 = arith.index_cast %parallel_loop3A_257 : i32 to index
        %parallel_loop3A_335 = arith.constant 64 : index
        %parallel_loop3A_336 = tpu.vector_load %arg18[%parallel_loop3A_334, %parallel_loop3A_335] {strides = array<i32>} : memref<40x128xf32, #tpu.memory_space<vmem>>, vector<16xf32>,
        %parallel_loop3A_337 = arith.index_cast %parallel_loop3A_257 : i32 to index
        %parallel_loop3A_338 = arith.constant 80 : index
        %parallel_loop3A_339 = tpu.vector_load %arg18[%parallel_loop3A_337, %parallel_loop3A_338] {strides = array<i32>} : memref<40x128xf32, #tpu.memory_space<vmem>>, vector<16xf32>,
        %parallel_loop3A_340 = arith.index_cast %parallel_loop3A_257 : i32 to index
        %parallel_loop3A_341 = arith.constant 64 : index
        %parallel_loop3A_342 = tpu.vector_load %arg20[%parallel_loop3A_340, %parallel_loop3A_341] {strides = array<i32>} : memref<40x128xf32, #tpu.memory_space<vmem>>, vector<16xf32>,
        %parallel_loop3A_343 = arith.index_cast %parallel_loop3A_257 : i32 to index
        %parallel_loop3A_344 = arith.constant 80 : index
        %parallel_loop3A_345 = tpu.vector_load %arg20[%parallel_loop3A_343, %parallel_loop3A_344] {strides = array<i32>} : memref<40x128xf32, #tpu.memory_space<vmem>>, vector<16xf32>,
        %parallel_loop3A_346 = arith.mulf %parallel_loop3A_336, %parallel_loop3A_342 : vector<16xf32>
        %parallel_loop3A_347 = arith.mulf %parallel_loop3A_339, %parallel_loop3A_345 : vector<16xf32>
        %parallel_loop3A_348 = arith.addf %parallel_loop3A_346, %parallel_loop3A_347 : vector<16xf32>
        %parallel_loop3A_349 = arith.constant true
        %parallel_loop3A_350 = vector.broadcast %parallel_loop3A_349 : i1 to vector<16xi1>
        %parallel_loop3A_351 = tpu.scan <sum>, %parallel_loop3A_348 masked %parallel_loop3A_350 : vector<16xf32>, vector<16xi1> -> vector<16xf32>
        %parallel_loop3A_352 = vector.extract %parallel_loop3A_351[15] : f32 from vector<16xf32>
        %parallel_loop3A_353 = arith.constant 0.176776692 : f32
        %parallel_loop3A_354 = arith.mulf %parallel_loop3A_352, %parallel_loop3A_353 : f32
        %parallel_loop3A_355 = vector.broadcast %parallel_loop3A_354 : f32 to vector<16xf32>
        %parallel_loop3A_356 = math.exp %parallel_loop3A_355 : vector<16xf32>
        %parallel_loop3A_357 = arith.mulf %parallel_loop3A_336, %parallel_loop3A_356 : vector<16xf32>
        %parallel_loop3A_358 = arith.index_cast %parallel_loop3A_257 : i32 to index
        %parallel_loop3A_359 = arith.constant 64 : index
        %parallel_loop3A_360 = tpu.vector_load %arg22[%parallel_loop3A_358, %parallel_loop3A_359] {strides = array<i32>} : memref<40x128xf32, #tpu.memory_space<vmem>>, vector<16xf32>,
        tpu.vector_store %arg22[%parallel_loop3A_358, %parallel_loop3A_359], %parallel_loop3A_357 {strides = array<i32>} : memref<40x128xf32, #tpu.memory_space<vmem>>, vector<16xf32>,
        %parallel_loop3A_361 = arith.mulf %parallel_loop3A_339, %parallel_loop3A_356 : vector<16xf32>
        %parallel_loop3A_362 = arith.index_cast %parallel_loop3A_257 : i32 to index
        %parallel_loop3A_363 = arith.constant 80 : index
        %parallel_loop3A_364 = tpu.vector_load %arg22[%parallel_loop3A_362, %parallel_loop3A_363] {strides = array<i32>} : memref<40x128xf32, #tpu.memory_space<vmem>>, vector<16xf32>,
        tpu.vector_store %arg22[%parallel_loop3A_362, %parallel_loop3A_363], %parallel_loop3A_361 {strides = array<i32>} : memref<40x128xf32, #tpu.memory_space<vmem>>, vector<16xf32>,
        %parallel_loop3A_365 = arith.constant 2 : i32
        %parallel_loop3A_366 = vector.broadcast %parallel_loop3A_365 : i32 to vector<16xi32>
        %parallel_loop3A_367 = arith.cmpi eq, %iota3A, %parallel_loop3A_366 : vector<16xi32>
        %parallel_loop3A_368 = arith.constant 0.000000e+00 : f32
        %parallel_loop3A_369 = vector.broadcast %parallel_loop3A_368 : f32 to vector<16xf32>
        %parallel_loop3A_370 = arith.select %parallel_loop3A_367, %parallel_loop3A_356, %parallel_loop3A_369 : vector<16xi1>, vector<16xf32>
        %parallel_loop3A_371 = arith.addf %parallel_loop3A_333, %parallel_loop3A_370 : vector<16xf32>
        %parallel_loop3A_372 = arith.index_cast %parallel_loop3A_257 : i32 to index
        %parallel_loop3A_373 = arith.constant 96 : index
        %parallel_loop3A_374 = tpu.vector_load %arg18[%parallel_loop3A_372, %parallel_loop3A_373] {strides = array<i32>} : memref<40x128xf32, #tpu.memory_space<vmem>>, vector<16xf32>,
        %parallel_loop3A_375 = arith.index_cast %parallel_loop3A_257 : i32 to index
        %parallel_loop3A_376 = arith.constant 112 : index
        %parallel_loop3A_377 = tpu.vector_load %arg18[%parallel_loop3A_375, %parallel_loop3A_376] {strides = array<i32>} : memref<40x128xf32, #tpu.memory_space<vmem>>, vector<16xf32>,
        %parallel_loop3A_378 = arith.index_cast %parallel_loop3A_257 : i32 to index
        %parallel_loop3A_379 = arith.constant 96 : index
        %parallel_loop3A_380 = tpu.vector_load %arg20[%parallel_loop3A_378, %parallel_loop3A_379] {strides = array<i32>} : memref<40x128xf32, #tpu.memory_space<vmem>>, vector<16xf32>,
        %parallel_loop3A_381 = arith.index_cast %parallel_loop3A_257 : i32 to index
        %parallel_loop3A_382 = arith.constant 112 : index
        %parallel_loop3A_383 = tpu.vector_load %arg20[%parallel_loop3A_381, %parallel_loop3A_382] {strides = array<i32>} : memref<40x128xf32, #tpu.memory_space<vmem>>, vector<16xf32>,
        %parallel_loop3A_384 = arith.mulf %parallel_loop3A_374, %parallel_loop3A_380 : vector<16xf32>
        %parallel_loop3A_385 = arith.mulf %parallel_loop3A_377, %parallel_loop3A_383 : vector<16xf32>
        %parallel_loop3A_386 = arith.addf %parallel_loop3A_384, %parallel_loop3A_385 : vector<16xf32>
        %parallel_loop3A_387 = arith.constant true
        %parallel_loop3A_388 = vector.broadcast %parallel_loop3A_387 : i1 to vector<16xi1>
        %parallel_loop3A_389 = tpu.scan <sum>, %parallel_loop3A_386 masked %parallel_loop3A_388 : vector<16xf32>, vector<16xi1> -> vector<16xf32>
        %parallel_loop3A_390 = vector.extract %parallel_loop3A_389[15] : f32 from vector<16xf32>
        %parallel_loop3A_391 = arith.constant 0.176776692 : f32
        %parallel_loop3A_392 = arith.mulf %parallel_loop3A_390, %parallel_loop3A_391 : f32
        %parallel_loop3A_393 = vector.broadcast %parallel_loop3A_392 : f32 to vector<16xf32>
        %parallel_loop3A_394 = math.exp %parallel_loop3A_393 : vector<16xf32>
        %parallel_loop3A_395 = arith.mulf %parallel_loop3A_374, %parallel_loop3A_394 : vector<16xf32>
        %parallel_loop3A_396 = arith.index_cast %parallel_loop3A_257 : i32 to index
        %parallel_loop3A_397 = arith.constant 96 : index
        %parallel_loop3A_398 = tpu.vector_load %arg22[%parallel_loop3A_396, %parallel_loop3A_397] {strides = array<i32>} : memref<40x128xf32, #tpu.memory_space<vmem>>, vector<16xf32>,
        tpu.vector_store %arg22[%parallel_loop3A_396, %parallel_loop3A_397], %parallel_loop3A_395 {strides = array<i32>} : memref<40x128xf32, #tpu.memory_space<vmem>>, vector<16xf32>,
        %parallel_loop3A_399 = arith.mulf %parallel_loop3A_377, %parallel_loop3A_394 : vector<16xf32>
        %parallel_loop3A_400 = arith.index_cast %parallel_loop3A_257 : i32 to index
        %parallel_loop3A_401 = arith.constant 112 : index
        %parallel_loop3A_402 = tpu.vector_load %arg22[%parallel_loop3A_400, %parallel_loop3A_401] {strides = array<i32>} : memref<40x128xf32, #tpu.memory_space<vmem>>, vector<16xf32>,
        tpu.vector_store %arg22[%parallel_loop3A_400, %parallel_loop3A_401], %parallel_loop3A_399 {strides = array<i32>} : memref<40x128xf32, #tpu.memory_space<vmem>>, vector<16xf32>,
        %parallel_loop3A_403 = arith.constant 3 : i32
        %parallel_loop3A_404 = vector.broadcast %parallel_loop3A_403 : i32 to vector<16xi32>
        %parallel_loop3A_405 = arith.cmpi eq, %iota3A, %parallel_loop3A_404 : vector<16xi32>
        %parallel_loop3A_406 = arith.constant 0.000000e+00 : f32
        %parallel_loop3A_407 = vector.broadcast %parallel_loop3A_406 : f32 to vector<16xf32>
        %parallel_loop3A_408 = arith.select %parallel_loop3A_405, %parallel_loop3A_394, %parallel_loop3A_407 : vector<16xi1>, vector<16xf32>
        %parallel_loop3A_409 = arith.addf %parallel_loop3A_371, %parallel_loop3A_408 : vector<16xf32>
        %parallel_loop3A_410 = arith.index_cast %parallel_loop3A_257 : i32 to index
        %parallel_loop3A_411 = arith.constant 0 : index
        %parallel_loop3A_412 = tpu.vector_load %arg24[%parallel_loop3A_410, %parallel_loop3A_411] {strides = array<i32>} : memref<40x128xf32, #tpu.memory_space<vmem>>, vector<16xf32>,
        tpu.vector_store %arg24[%parallel_loop3A_410, %parallel_loop3A_411], %broadcast_in_dim3A_12 {strides = array<i32>} : memref<40x128xf32, #tpu.memory_space<vmem>>, vector<16xf32>,
        %parallel_loop3A_413 = arith.index_cast %parallel_loop3A_257 : i32 to index
        %parallel_loop3A_414 = arith.constant 16 : index
        %parallel_loop3A_415 = tpu.vector_load %arg24[%parallel_loop3A_413, %parallel_loop3A_414] {strides = array<i32>} : memref<40x128xf32, #tpu.memory_space<vmem>>, vector<16xf32>,
        tpu.vector_store %arg24[%parallel_loop3A_413, %parallel_loop3A_414], %broadcast_in_dim3A_12 {strides = array<i32>} : memref<40x128xf32, #tpu.memory_space<vmem>>, vector<16xf32>,
        %parallel_loop3A_416 = arith.index_cast %parallel_loop3A_257 : i32 to index
        %parallel_loop3A_417 = arith.constant 32 : index
        %parallel_loop3A_418 = tpu.vector_load %arg24[%parallel_loop3A_416, %parallel_loop3A_417] {strides = array<i32>} : memref<40x128xf32, #tpu.memory_space<vmem>>, vector<16xf32>,
        tpu.vector_store %arg24[%parallel_loop3A_416, %parallel_loop3A_417], %broadcast_in_dim3A_12 {strides = array<i32>} : memref<40x128xf32, #tpu.memory_space<vmem>>, vector<16xf32>,
        %parallel_loop3A_419 = arith.index_cast %parallel_loop3A_257 : i32 to index
        %parallel_loop3A_420 = arith.constant 48 : index
        %parallel_loop3A_421 = tpu.vector_load %arg24[%parallel_loop3A_419, %parallel_loop3A_420] {strides = array<i32>} : memref<40x128xf32, #tpu.memory_space<vmem>>, vector<16xf32>,
        tpu.vector_store %arg24[%parallel_loop3A_419, %parallel_loop3A_420], %broadcast_in_dim3A_12 {strides = array<i32>} : memref<40x128xf32, #tpu.memory_space<vmem>>, vector<16xf32>,
        %parallel_loop3A_422 = arith.index_cast %parallel_loop3A_257 : i32 to index
        %parallel_loop3A_423 = arith.constant 64 : index
        %parallel_loop3A_424 = tpu.vector_load %arg24[%parallel_loop3A_422, %parallel_loop3A_423] {strides = array<i32>} : memref<40x128xf32, #tpu.memory_space<vmem>>, vector<16xf32>,
        tpu.vector_store %arg24[%parallel_loop3A_422, %parallel_loop3A_423], %broadcast_in_dim3A_12 {strides = array<i32>} : memref<40x128xf32, #tpu.memory_space<vmem>>, vector<16xf32>,
        %parallel_loop3A_425 = arith.index_cast %parallel_loop3A_257 : i32 to index
        %parallel_loop3A_426 = arith.constant 80 : index
        %parallel_loop3A_427 = tpu.vector_load %arg24[%parallel_loop3A_425, %parallel_loop3A_426] {strides = array<i32>} : memref<40x128xf32, #tpu.memory_space<vmem>>, vector<16xf32>,
        tpu.vector_store %arg24[%parallel_loop3A_425, %parallel_loop3A_426], %broadcast_in_dim3A_12 {strides = array<i32>} : memref<40x128xf32, #tpu.memory_space<vmem>>, vector<16xf32>,
        %parallel_loop3A_428 = arith.index_cast %parallel_loop3A_257 : i32 to index
        %parallel_loop3A_429 = arith.constant 96 : index
        %parallel_loop3A_430 = tpu.vector_load %arg24[%parallel_loop3A_428, %parallel_loop3A_429] {strides = array<i32>} : memref<40x128xf32, #tpu.memory_space<vmem>>, vector<16xf32>,
        tpu.vector_store %arg24[%parallel_loop3A_428, %parallel_loop3A_429], %broadcast_in_dim3A_12 {strides = array<i32>} : memref<40x128xf32, #tpu.memory_space<vmem>>, vector<16xf32>,
        %parallel_loop3A_431 = arith.index_cast %parallel_loop3A_257 : i32 to index
        %parallel_loop3A_432 = arith.constant 112 : index
        %parallel_loop3A_433 = tpu.vector_load %arg24[%parallel_loop3A_431, %parallel_loop3A_432] {strides = array<i32>} : memref<40x128xf32, #tpu.memory_space<vmem>>, vector<16xf32>,
        tpu.vector_store %arg24[%parallel_loop3A_431, %parallel_loop3A_432], %broadcast_in_dim3A_12 {strides = array<i32>} : memref<40x128xf32, #tpu.memory_space<vmem>>, vector<16xf32>,
        %parallel_loop3A_434 = arith.constant 0 : i32
        %parallel_loop3A_435 = vector.broadcast %parallel_loop3A_434 : i32 to vector<16xi32>
        %parallel_loop3A_436 = vector.broadcast %parallel_loop3A_257 : i32 to vector<16xi32>
        %parallel_loop3A_437 = tpu.vector_load_idx %arg16[%parallel_loop3A_435, %parallel_loop3A_436] : memref<1x40xi32, #tpu.memory_space<vmem>>[vector<16xi32>, vector<16xi32>], vector<16xi32>,
        %parallel_loop3A_438 = arith.constant 31 : i32
        %parallel_loop3A_439 = vector.broadcast %parallel_loop3A_438 : i32 to vector<16xi32>
        %parallel_loop3A_440 = arith.andi %parallel_loop3A_437, %parallel_loop3A_439 : vector<16xi32>
        %parallel_loop3A_441 = arith.constant 4 : i32
        %parallel_loop3A_442 = vector.broadcast %parallel_loop3A_441 : i32 to vector<16xi32>
        %parallel_loop3A_443 = arith.muli %parallel_loop3A_440, %parallel_loop3A_442 : vector<16xi32>
        %parallel_loop3A_444 = arith.addi %parallel_loop3A_443, %iota3A : vector<16xi32>
        %parallel_loop3A_445 = vector.broadcast %parallel_loop3A_257 : i32 to vector<16xi32>
        tpu.vector_store_idx %arg24[%parallel_loop3A_445, %parallel_loop3A_444], %parallel_loop3A_409 masked %lt3A_7 : memref<40x128xf32, #tpu.memory_space<vmem>>[vector<16xi32>, vector<16xi32>], vector<16xf32>, vector<16xi1>
      } {sc.loop_unroll_factor = 8 : i64, sc.parallel_access}
      %dma_start3A_196 = arith.constant 0 : i32
      %dma_start3A_197 = arith.constant 0 : i32
      %dma_start3A_198 = tpu.memref_slice %arg16[%dma_start3A_196, %dma_start3A_197] : memref<1x40xi32, #tpu.memory_space<vmem>> -> memref<1x40xi32, #tpu.memory_space<vmem>>
      %dma_start3A_199 = tpu.memref_squeeze %dma_start3A_198 : memref<1x40xi32, #tpu.memory_space<vmem>> -> memref<40xi32, #tpu.memory_space<vmem>>
      %dma_start3A_200 = arith.constant 0 : i32
      %dma_start3A_201 = arith.constant 0 : i32
      %dma_start3A_202 = tpu.memref_slice %arg26[%dma_start3A_200, %dma_start3A_201] : memref<10240x128xf32, #tpu.memory_space<vmem_shared>> -> memref<10240x128xf32, #tpu.memory_space<vmem_shared>>
      tpu.enqueue_indirect_dma source(%arg22 : memref<40x128xf32, #tpu.memory_space<vmem>>) target(%dma_start3A_202 : memref<10240x128xf32, #tpu.memory_space<vmem_shared>>) offsets(%dma_start3A_199 : memref<40xi32, #tpu.memory_space<vmem>>) semaphore(%arg34 : memref<!tpu.dma_semaphore, #tpu.memory_space<semaphore_mem>>) {add = true}
      %dma_start3A_203 = arith.constant 0 : i32
      %dma_start3A_204 = arith.constant 0 : i32
      %dma_start3A_205 = tpu.memref_slice %arg14[%dma_start3A_203, %dma_start3A_204] : memref<1x40xi32, #tpu.memory_space<vmem>> -> memref<1x40xi32, #tpu.memory_space<vmem>>
      %dma_start3A_206 = tpu.memref_squeeze %dma_start3A_205 : memref<1x40xi32, #tpu.memory_space<vmem>> -> memref<40xi32, #tpu.memory_space<vmem>>
      %dma_start3A_207 = arith.constant 0 : i32
      %dma_start3A_208 = arith.constant 0 : i32
      %dma_start3A_209 = tpu.memref_slice %arg27[%dma_start3A_207, %dma_start3A_208] : memref<320x128xf32, #tpu.memory_space<vmem_shared>> -> memref<320x128xf32, #tpu.memory_space<vmem_shared>>
      tpu.enqueue_indirect_dma source(%arg24 : memref<40x128xf32, #tpu.memory_space<vmem>>) target(%dma_start3A_209 : memref<320x128xf32, #tpu.memory_space<vmem_shared>>) offsets(%dma_start3A_206 : memref<40xi32, #tpu.memory_space<vmem>>) semaphore(%arg36 : memref<!tpu.dma_semaphore, #tpu.memory_space<semaphore_mem>>) {add = true}
      %mul3A_210 = arith.constant 2 : i32
      %mul3A_211 = arith.muli %mul3A_210, %scan3A_163 : i32
      %add3A_212 = arith.constant 1 : i32
      %add3A_213 = arith.addi %mul3A_211, %add3A_212 : i32
      %ge3A_214 = arith.constant 1 : i32
      %ge3A_215 = arith.cmpi sge, %add3A_213, %ge3A_214 : i32
      %convert_element_type3A_216 = arith.extui %ge3A_215 : i1 to i32
      %cond3A_217 = arith.constant 0 : i32
      %cond3A_218 = arith.cmpi ne, %convert_element_type3A_216, %cond3A_217 : i32
      scf.if %cond3A_218 {
        %dma_wait3A_257 = arith.constant 0 : i32
        %dma_wait3A_258 = arith.constant 0 : i32
        %dma_wait3A_259 = tpu.memref_slice %arg16[%dma_wait3A_257, %dma_wait3A_258] : memref<1x40xi32, #tpu.memory_space<vmem>> -> memref<1x40xi32, #tpu.memory_space<vmem>>
        %dma_wait3A_260 = tpu.memref_squeeze %dma_wait3A_259 : memref<1x40xi32, #tpu.memory_space<vmem>> -> memref<40xi32, #tpu.memory_space<vmem>>
        %dma_wait3A_261 = arith.constant 0 : i32
        %dma_wait3A_262 = arith.constant 0 : i32
        %dma_wait3A_263 = tpu.memref_slice %arg26[%dma_wait3A_261, %dma_wait3A_262] : memref<10240x128xf32, #tpu.memory_space<vmem_shared>> -> memref<10240x128xf32, #tpu.memory_space<vmem_shared>>
        tpu.wait_indirect_dma semaphore(%arg34 : memref<!tpu.dma_semaphore, #tpu.memory_space<semaphore_mem>>) src(%arg22 : memref<40x128xf32, #tpu.memory_space<vmem>>) dst(%dma_wait3A_263 : memref<10240x128xf32, #tpu.memory_space<vmem_shared>>)
        %dma_wait3A_264 = arith.constant 0 : i32
        %dma_wait3A_265 = arith.constant 0 : i32
        %dma_wait3A_266 = tpu.memref_slice %arg14[%dma_wait3A_264, %dma_wait3A_265] : memref<1x40xi32, #tpu.memory_space<vmem>> -> memref<1x40xi32, #tpu.memory_space<vmem>>
        %dma_wait3A_267 = tpu.memref_squeeze %dma_wait3A_266 : memref<1x40xi32, #tpu.memory_space<vmem>> -> memref<40xi32, #tpu.memory_space<vmem>>
        %dma_wait3A_268 = arith.constant 0 : i32
        %dma_wait3A_269 = arith.constant 0 : i32
        %dma_wait3A_270 = tpu.memref_slice %arg27[%dma_wait3A_268, %dma_wait3A_269] : memref<320x128xf32, #tpu.memory_space<vmem_shared>> -> memref<320x128xf32, #tpu.memory_space<vmem_shared>>
        tpu.wait_indirect_dma semaphore(%arg36 : memref<!tpu.dma_semaphore, #tpu.memory_space<semaphore_mem>>) src(%arg24 : memref<40x128xf32, #tpu.memory_space<vmem>>) dst(%dma_wait3A_270 : memref<320x128xf32, #tpu.memory_space<vmem_shared>>)
      } else {
      }
      %add3A_219 = arith.constant 1 : i32
      %add3A_220 = arith.addi %add3A_213, %add3A_219 : i32
      %lt3A_221 = arith.constant 250 : i32
      %lt3A_222 = arith.cmpi slt, %add3A_220, %lt3A_221 : i32
      %convert_element_type3A_223 = arith.extui %lt3A_222 : i1 to i32
      %cond3A_224 = arith.constant 0 : i32
      %cond3A_225 = arith.cmpi ne, %convert_element_type3A_223, %cond3A_224 : i32
      scf.if %cond3A_225 {
        %dma_wait3A_257 = arith.constant 0 : i32
        %dma_wait3A_258 = tpu.memref_slice %arg3[%dma_wait3A_257] : memref<160000xi32, #tpu.memory_space<hbm>> -> memref<40xi32, #tpu.memory_space<hbm>>
        %dma_wait3A_259 = arith.constant 0 : i32
        %dma_wait3A_260 = tpu.memref_slice %arg3[%dma_wait3A_259] : memref<160000xi32, #tpu.memory_space<hbm>> -> memref<40xi32, #tpu.memory_space<hbm>>
        tpu.wait_dma2 semaphore(%arg28 : memref<!tpu.dma_semaphore, #tpu.memory_space<semaphore_mem>>) src(%dma_wait3A_260 : memref<40xi32, #tpu.memory_space<hbm>>) dst(%arg8 : memref<40xi32, #tpu.memory_space<vmem>>)
        %dma_wait3A_261 = arith.constant 0 : i32
        %dma_wait3A_262 = arith.constant 0 : i32
        %dma_wait3A_263 = arith.constant 0 : i32
        %dma_wait3A_264 = tpu.memref_slice %arg4[%arg1, %dma_wait3A_261, %dma_wait3A_262, %dma_wait3A_263] : memref<16x250x1x40xi32, #tpu.memory_space<hbm>> -> memref<1x1x1x40xi32, #tpu.memory_space<hbm>>
        %dma_wait3A_265 = tpu.memref_squeeze %dma_wait3A_264 : memref<1x1x1x40xi32, #tpu.memory_space<hbm>> -> memref<1x40xi32, #tpu.memory_space<hbm>>
        %dma_wait3A_266 = arith.constant 0 : i32
        %dma_wait3A_267 = arith.constant 0 : i32
        %dma_wait3A_268 = tpu.memref_slice %arg4[%arg1, %dma_wait3A_261, %dma_wait3A_266, %dma_wait3A_267] : memref<16x250x1x40xi32, #tpu.memory_space<hbm>> -> memref<1x1x1x40xi32, #tpu.memory_space<hbm>>
        %dma_wait3A_269 = tpu.memref_squeeze %dma_wait3A_268 : memref<1x1x1x40xi32, #tpu.memory_space<hbm>> -> memref<1x40xi32, #tpu.memory_space<hbm>>
        tpu.wait_dma2 semaphore(%arg29 : memref<!tpu.dma_semaphore, #tpu.memory_space<semaphore_mem>>) src(%dma_wait3A_269 : memref<1x40xi32, #tpu.memory_space<hbm>>) dst(%arg12 : memref<1x40xi32, #tpu.memory_space<vmem>>)
        %get3A_270 = arith.constant 0 : index
        %get3A_271 = tpu.vector_load %arg8[%get3A_270] {strides = array<i32>} : memref<40xi32, #tpu.memory_space<vmem>>, vector<16xi32>,
        %add3A_272 = vector.broadcast %arg0 : i32 to vector<16xi32>
        %add3A_273 = arith.addi %get3A_271, %add3A_272 : vector<16xi32>
        %swap3A_274 = arith.constant 0 : index
        %swap3A_275 = tpu.vector_load %arg8[%swap3A_274] {strides = array<i32>} : memref<40xi32, #tpu.memory_space<vmem>>, vector<16xi32>,
        tpu.vector_store %arg8[%swap3A_274], %add3A_273 {strides = array<i32>} : memref<40xi32, #tpu.memory_space<vmem>>, vector<16xi32>,
        %get3A_276 = arith.constant 0 : i32
        %get3A_277 = arith.index_cast %get3A_276 : i32 to index
        %get3A_278 = arith.constant 0 : index
        %get3A_279 = tpu.vector_load %arg12[%get3A_277, %get3A_278] {strides = array<i32>} : memref<1x40xi32, #tpu.memory_space<vmem>>, vector<16xi32>,
        %mul3A_280 = arith.constant 2 : i32
        %mul3A_281 = vector.broadcast %mul3A_280 : i32 to vector<16xi32>
        %mul3A_282 = arith.muli %get3A_279, %mul3A_281 : vector<16xi32>
        %add3A_283 = vector.broadcast %arg0 : i32 to vector<16xi32>
        %add3A_284 = arith.addi %mul3A_282, %add3A_283 : vector<16xi32>
        %swap3A_285 = arith.constant 0 : index
        %swap3A_286 = tpu.vector_load %arg10[%swap3A_285] {strides = array<i32>} : memref<40xi32, #tpu.memory_space<vmem>>, vector<16xi32>,
        tpu.vector_store %arg10[%swap3A_285], %add3A_284 {strides = array<i32>} : memref<40xi32, #tpu.memory_space<vmem>>, vector<16xi32>,
        %shift_right_logical3A_287 = arith.constant 5 : i32
        %shift_right_logical3A_288 = vector.broadcast %shift_right_logical3A_287 : i32 to vector<16xi32>
        %shift_right_logical3A_289 = arith.shrui %get3A_279, %shift_right_logical3A_288 : vector<16xi32>
        %swap3A_290 = arith.constant 0 : i32
        %swap3A_291 = arith.index_cast %swap3A_290 : i32 to index
        %swap3A_292 = arith.constant 0 : index
        %swap3A_293 = tpu.vector_load %arg14[%swap3A_291, %swap3A_292] {strides = array<i32>} : memref<1x40xi32, #tpu.memory_space<vmem>>, vector<16xi32>,
        tpu.vector_store %arg14[%swap3A_291, %swap3A_292], %shift_right_logical3A_289 {strides = array<i32>} : memref<1x40xi32, #tpu.memory_space<vmem>>, vector<16xi32>,
        %swap3A_294 = arith.constant 0 : i32
        %swap3A_295 = arith.index_cast %swap3A_294 : i32 to index
        %swap3A_296 = arith.constant 0 : index
        %swap3A_297 = tpu.vector_load %arg16[%swap3A_295, %swap3A_296] {strides = array<i32>} : memref<1x40xi32, #tpu.memory_space<vmem>>, vector<16xi32>,
        tpu.vector_store %arg16[%swap3A_295, %swap3A_296], %get3A_279 {strides = array<i32>} : memref<1x40xi32, #tpu.memory_space<vmem>>, vector<16xi32>,
        %get3A_298 = arith.constant 16 : index
        %get3A_299 = tpu.vector_load %arg8[%get3A_298] {strides = array<i32>} : memref<40xi32, #tpu.memory_space<vmem>>, vector<16xi32>,
        %add3A_300 = vector.broadcast %arg0 : i32 to vector<16xi32>
        %add3A_301 = arith.addi %get3A_299, %add3A_300 : vector<16xi32>
        %swap3A_302 = arith.constant 16 : index
        %swap3A_303 = tpu.vector_load %arg8[%swap3A_302] {strides = array<i32>} : memref<40xi32, #tpu.memory_space<vmem>>, vector<16xi32>,
        tpu.vector_store %arg8[%swap3A_302], %add3A_301 {strides = array<i32>} : memref<40xi32, #tpu.memory_space<vmem>>, vector<16xi32>,
        %get3A_304 = arith.constant 0 : i32
        %get3A_305 = arith.index_cast %get3A_304 : i32 to index
        %get3A_306 = arith.constant 16 : index
        %get3A_307 = tpu.vector_load %arg12[%get3A_305, %get3A_306] {strides = array<i32>} : memref<1x40xi32, #tpu.memory_space<vmem>>, vector<16xi32>,
        %mul3A_308 = arith.constant 2 : i32
        %mul3A_309 = vector.broadcast %mul3A_308 : i32 to vector<16xi32>
        %mul3A_310 = arith.muli %get3A_307, %mul3A_309 : vector<16xi32>
        %add3A_311 = vector.broadcast %arg0 : i32 to vector<16xi32>
        %add3A_312 = arith.addi %mul3A_310, %add3A_311 : vector<16xi32>
        %swap3A_313 = arith.constant 16 : index
        %swap3A_314 = tpu.vector_load %arg10[%swap3A_313] {strides = array<i32>} : memref<40xi32, #tpu.memory_space<vmem>>, vector<16xi32>,
        tpu.vector_store %arg10[%swap3A_313], %add3A_312 {strides = array<i32>} : memref<40xi32, #tpu.memory_space<vmem>>, vector<16xi32>,
        %shift_right_logical3A_315 = arith.constant 5 : i32
        %shift_right_logical3A_316 = vector.broadcast %shift_right_logical3A_315 : i32 to vector<16xi32>
        %shift_right_logical3A_317 = arith.shrui %get3A_307, %shift_right_logical3A_316 : vector<16xi32>
        %swap3A_318 = arith.constant 0 : i32
        %swap3A_319 = arith.index_cast %swap3A_318 : i32 to index
        %swap3A_320 = arith.constant 16 : index
        %swap3A_321 = tpu.vector_load %arg14[%swap3A_319, %swap3A_320] {strides = array<i32>} : memref<1x40xi32, #tpu.memory_space<vmem>>, vector<16xi32>,
        tpu.vector_store %arg14[%swap3A_319, %swap3A_320], %shift_right_logical3A_317 {strides = array<i32>} : memref<1x40xi32, #tpu.memory_space<vmem>>, vector<16xi32>,
        %swap3A_322 = arith.constant 0 : i32
        %swap3A_323 = arith.index_cast %swap3A_322 : i32 to index
        %swap3A_324 = arith.constant 16 : index
        %swap3A_325 = tpu.vector_load %arg16[%swap3A_323, %swap3A_324] {strides = array<i32>} : memref<1x40xi32, #tpu.memory_space<vmem>>, vector<16xi32>,
        tpu.vector_store %arg16[%swap3A_323, %swap3A_324], %get3A_307 {strides = array<i32>} : memref<1x40xi32, #tpu.memory_space<vmem>>, vector<16xi32>,
        %get3A_326 = arith.constant 24 : index
        %get3A_327 = tpu.vector_load %arg8[%get3A_326] {strides = array<i32>} : memref<40xi32, #tpu.memory_space<vmem>>, vector<16xi32>,
        %add3A_328 = arith.addi %get3A_327, %select_n3A : vector<16xi32>
        %swap3A_329 = arith.constant 24 : index
        %swap3A_330 = tpu.vector_load %arg8[%swap3A_329] {strides = array<i32>} : memref<40xi32, #tpu.memory_space<vmem>>, vector<16xi32>,
        tpu.vector_store %arg8[%swap3A_329], %add3A_328 {strides = array<i32>} : memref<40xi32, #tpu.memory_space<vmem>>, vector<16xi32>,
        %get3A_331 = arith.constant 0 : i32
        %get3A_332 = arith.index_cast %get3A_331 : i32 to index
        %get3A_333 = arith.constant 24 : index
        %get3A_334 = tpu.vector_load %arg12[%get3A_332, %get3A_333] {strides = array<i32>} : memref<1x40xi32, #tpu.memory_space<vmem>>, vector<16xi32>,
        %mul3A_335 = arith.constant 2 : i32
        %mul3A_336 = vector.broadcast %mul3A_335 : i32 to vector<16xi32>
        %mul3A_337 = arith.muli %get3A_334, %mul3A_336 : vector<16xi32>
        %add3A_338 = vector.broadcast %arg0 : i32 to vector<16xi32>
        %add3A_339 = arith.addi %mul3A_337, %add3A_338 : vector<16xi32>
        %swap3A_340 = arith.constant 24 : index
        %swap3A_341 = tpu.vector_load %arg10[%swap3A_340] {strides = array<i32>} : memref<40xi32, #tpu.memory_space<vmem>>, vector<16xi32>,
        tpu.vector_store %arg10[%swap3A_340], %add3A_339 {strides = array<i32>} : memref<40xi32, #tpu.memory_space<vmem>>, vector<16xi32>,
        %shift_right_logical3A_342 = arith.constant 5 : i32
        %shift_right_logical3A_343 = vector.broadcast %shift_right_logical3A_342 : i32 to vector<16xi32>
        %shift_right_logical3A_344 = arith.shrui %get3A_334, %shift_right_logical3A_343 : vector<16xi32>
        %swap3A_345 = arith.constant 0 : i32
        %swap3A_346 = arith.index_cast %swap3A_345 : i32 to index
        %swap3A_347 = arith.constant 24 : index
        %swap3A_348 = tpu.vector_load %arg14[%swap3A_346, %swap3A_347] {strides = array<i32>} : memref<1x40xi32, #tpu.memory_space<vmem>>, vector<16xi32>,
        tpu.vector_store %arg14[%swap3A_346, %swap3A_347], %shift_right_logical3A_344 {strides = array<i32>} : memref<1x40xi32, #tpu.memory_space<vmem>>, vector<16xi32>,
        %swap3A_349 = arith.constant 0 : i32
        %swap3A_350 = arith.index_cast %swap3A_349 : i32 to index
        %swap3A_351 = arith.constant 24 : index
        %swap3A_352 = tpu.vector_load %arg16[%swap3A_350, %swap3A_351] {strides = array<i32>} : memref<1x40xi32, #tpu.memory_space<vmem>>, vector<16xi32>,
        tpu.vector_store %arg16[%swap3A_350, %swap3A_351], %get3A_334 {strides = array<i32>} : memref<1x40xi32, #tpu.memory_space<vmem>>, vector<16xi32>,
        %dma_start3A_353 = arith.constant 0 : i32
        %dma_start3A_354 = arith.constant 0 : i32
        %dma_start3A_355 = tpu.memref_slice %arg2[%dma_start3A_353, %dma_start3A_354] : memref<20000x128xf32, #tpu.memory_space<hbm>> -> memref<20000x128xf32, #tpu.memory_space<hbm>>
        tpu.enqueue_indirect_dma source(%dma_start3A_355 : memref<20000x128xf32, #tpu.memory_space<hbm>>) target(%arg18 : memref<40x128xf32, #tpu.memory_space<vmem>>) offsets(%arg8 : memref<40xi32, #tpu.memory_space<vmem>>) semaphore(%arg30 : memref<!tpu.dma_semaphore, #tpu.memory_space<semaphore_mem>>)
        %dma_start3A_356 = arith.constant 0 : i32
        %dma_start3A_357 = arith.constant 0 : i32
        %dma_start3A_358 = tpu.memref_slice %arg2[%dma_start3A_356, %dma_start3A_357] : memref<20000x128xf32, #tpu.memory_space<hbm>> -> memref<20000x128xf32, #tpu.memory_space<hbm>>
        tpu.enqueue_indirect_dma source(%dma_start3A_358 : memref<20000x128xf32, #tpu.memory_space<hbm>>) target(%arg20 : memref<40x128xf32, #tpu.memory_space<vmem>>) offsets(%arg10 : memref<40xi32, #tpu.memory_space<vmem>>) semaphore(%arg32 : memref<!tpu.dma_semaphore, #tpu.memory_space<semaphore_mem>>)
      } else {
      }
      %dma_wait3A_226 = arith.constant 0 : i32
      %dma_wait3A_227 = arith.constant 0 : i32
      %dma_wait3A_228 = tpu.memref_slice %arg2[%dma_wait3A_226, %dma_wait3A_227] : memref<20000x128xf32, #tpu.memory_space<hbm>> -> memref<20000x128xf32, #tpu.memory_space<hbm>>
      tpu.wait_indirect_dma semaphore(%arg31 : memref<!tpu.dma_semaphore, #tpu.memory_space<semaphore_mem>>) src(%dma_wait3A_228 : memref<20000x128xf32, #tpu.memory_space<hbm>>) dst(%arg19 : memref<40x128xf32, #tpu.memory_space<vmem>>)
      %dma_wait3A_229 = arith.constant 0 : i32
      %dma_wait3A_230 = arith.constant 0 : i32
      %dma_wait3A_231 = tpu.memref_slice %arg2[%dma_wait3A_229, %dma_wait3A_230] : memref<20000x128xf32, #tpu.memory_space<hbm>> -> memref<20000x128xf32, #tpu.memory_space<hbm>>
      tpu.wait_indirect_dma semaphore(%arg33 : memref<!tpu.dma_semaphore, #tpu.memory_space<semaphore_mem>>) src(%dma_wait3A_231 : memref<20000x128xf32, #tpu.memory_space<hbm>>) dst(%arg21 : memref<40x128xf32, #tpu.memory_space<vmem>>)
      %add3A_232 = arith.constant 2 : i32
      %add3A_233 = arith.addi %add3A_213, %add3A_232 : i32
      %lt3A_234 = arith.constant 250 : i32
      %lt3A_235 = arith.cmpi slt, %add3A_233, %lt3A_234 : i32
      %convert_element_type3A_236 = arith.extui %lt3A_235 : i1 to i32
      %cond3A_237 = arith.constant 0 : i32
      %cond3A_238 = arith.cmpi ne, %convert_element_type3A_236, %cond3A_237 : i32
      scf.if %cond3A_238 {
        %add3A_257 = arith.constant 2 : i32
        %add3A_258 = arith.addi %add3A_213, %add3A_257 : i32
        %mul3A_259 = arith.constant 40 : i32
        %mul3A_260 = arith.muli %add3A_258, %mul3A_259 : i32
        %add3A_261 = arith.addi %mul3A_14, %mul3A_260 : i32
        %dma_start3A_262 = tpu.memref_slice %arg3[%add3A_261] : memref<160000xi32, #tpu.memory_space<hbm>> -> memref<40xi32, #tpu.memory_space<hbm>>
        %dma_start3A_263 = tpu.memref_slice %arg3[%add3A_261] : memref<160000xi32, #tpu.memory_space<hbm>> -> memref<40xi32, #tpu.memory_space<hbm>>
        tpu.enqueue_dma source(%dma_start3A_263 : memref<40xi32, #tpu.memory_space<hbm>>) target(%arg9 : memref<40xi32, #tpu.memory_space<vmem>>) target_semaphore(%arg28 : memref<!tpu.dma_semaphore, #tpu.memory_space<semaphore_mem>>)
        %dma_start3A_264 = arith.constant 0 : i32
        %dma_start3A_265 = arith.constant 0 : i32
        %dma_start3A_266 = tpu.memref_slice %arg4[%arg1, %add3A_258, %dma_start3A_264, %dma_start3A_265] : memref<16x250x1x40xi32, #tpu.memory_space<hbm>> -> memref<1x1x1x40xi32, #tpu.memory_space<hbm>>
        %dma_start3A_267 = tpu.memref_squeeze %dma_start3A_266 : memref<1x1x1x40xi32, #tpu.memory_space<hbm>> -> memref<1x40xi32, #tpu.memory_space<hbm>>
        %dma_start3A_268 = arith.constant 0 : i32
        %dma_start3A_269 = arith.constant 0 : i32
        %dma_start3A_270 = tpu.memref_slice %arg4[%arg1, %add3A_258, %dma_start3A_268, %dma_start3A_269] : memref<16x250x1x40xi32, #tpu.memory_space<hbm>> -> memref<1x1x1x40xi32, #tpu.memory_space<hbm>>
        %dma_start3A_271 = tpu.memref_squeeze %dma_start3A_270 : memref<1x1x1x40xi32, #tpu.memory_space<hbm>> -> memref<1x40xi32, #tpu.memory_space<hbm>>
        tpu.enqueue_dma source(%dma_start3A_271 : memref<1x40xi32, #tpu.memory_space<hbm>>) target(%arg13 : memref<1x40xi32, #tpu.memory_space<vmem>>) target_semaphore(%arg29 : memref<!tpu.dma_semaphore, #tpu.memory_space<semaphore_mem>>)
      } else {
      }
      %parallel_loop3A_239 = arith.constant 0 : i32
      %parallel_loop3A_240 = arith.constant 40 : i32
      %parallel_loop3A_241 = arith.constant 1 : i32
      scf.for %parallel_loop3A_257 = %parallel_loop3A_239 to %parallel_loop3A_240 step %parallel_loop3A_241  : i32 {
        %parallel_loop3A_258 = arith.index_cast %parallel_loop3A_257 : i32 to index
        %parallel_loop3A_259 = arith.constant 0 : index
        %parallel_loop3A_260 = tpu.vector_load %arg19[%parallel_loop3A_258, %parallel_loop3A_259] {strides = array<i32>} : memref<40x128xf32, #tpu.memory_space<vmem>>, vector<16xf32>,
        %parallel_loop3A_261 = arith.index_cast %parallel_loop3A_257 : i32 to index
        %parallel_loop3A_262 = arith.constant 16 : index
        %parallel_loop3A_263 = tpu.vector_load %arg19[%parallel_loop3A_261, %parallel_loop3A_262] {strides = array<i32>} : memref<40x128xf32, #tpu.memory_space<vmem>>, vector<16xf32>,
        %parallel_loop3A_264 = arith.index_cast %parallel_loop3A_257 : i32 to index
        %parallel_loop3A_265 = arith.constant 0 : index
        %parallel_loop3A_266 = tpu.vector_load %arg21[%parallel_loop3A_264, %parallel_loop3A_265] {strides = array<i32>} : memref<40x128xf32, #tpu.memory_space<vmem>>, vector<16xf32>,
        %parallel_loop3A_267 = arith.index_cast %parallel_loop3A_257 : i32 to index
        %parallel_loop3A_268 = arith.constant 16 : index
        %parallel_loop3A_269 = tpu.vector_load %arg21[%parallel_loop3A_267, %parallel_loop3A_268] {strides = array<i32>} : memref<40x128xf32, #tpu.memory_space<vmem>>, vector<16xf32>,
        %parallel_loop3A_270 = arith.mulf %parallel_loop3A_260, %parallel_loop3A_266 : vector<16xf32>
        %parallel_loop3A_271 = arith.mulf %parallel_loop3A_263, %parallel_loop3A_269 : vector<16xf32>
        %parallel_loop3A_272 = arith.addf %parallel_loop3A_270, %parallel_loop3A_271 : vector<16xf32>
        %parallel_loop3A_273 = arith.constant true
        %parallel_loop3A_274 = vector.broadcast %parallel_loop3A_273 : i1 to vector<16xi1>
        %parallel_loop3A_275 = tpu.scan <sum>, %parallel_loop3A_272 masked %parallel_loop3A_274 : vector<16xf32>, vector<16xi1> -> vector<16xf32>
        %parallel_loop3A_276 = vector.extract %parallel_loop3A_275[15] : f32 from vector<16xf32>
        %parallel_loop3A_277 = arith.constant 0.176776692 : f32
        %parallel_loop3A_278 = arith.mulf %parallel_loop3A_276, %parallel_loop3A_277 : f32
        %parallel_loop3A_279 = vector.broadcast %parallel_loop3A_278 : f32 to vector<16xf32>
        %parallel_loop3A_280 = math.exp %parallel_loop3A_279 : vector<16xf32>
        %parallel_loop3A_281 = arith.mulf %parallel_loop3A_260, %parallel_loop3A_280 : vector<16xf32>
        %parallel_loop3A_282 = arith.index_cast %parallel_loop3A_257 : i32 to index
        %parallel_loop3A_283 = arith.constant 0 : index
        %parallel_loop3A_284 = tpu.vector_load %arg23[%parallel_loop3A_282, %parallel_loop3A_283] {strides = array<i32>} : memref<40x128xf32, #tpu.memory_space<vmem>>, vector<16xf32>,
        tpu.vector_store %arg23[%parallel_loop3A_282, %parallel_loop3A_283], %parallel_loop3A_281 {strides = array<i32>} : memref<40x128xf32, #tpu.memory_space<vmem>>, vector<16xf32>,
        %parallel_loop3A_285 = arith.mulf %parallel_loop3A_263, %parallel_loop3A_280 : vector<16xf32>
        %parallel_loop3A_286 = arith.index_cast %parallel_loop3A_257 : i32 to index
        %parallel_loop3A_287 = arith.constant 16 : index
        %parallel_loop3A_288 = tpu.vector_load %arg23[%parallel_loop3A_286, %parallel_loop3A_287] {strides = array<i32>} : memref<40x128xf32, #tpu.memory_space<vmem>>, vector<16xf32>,
        tpu.vector_store %arg23[%parallel_loop3A_286, %parallel_loop3A_287], %parallel_loop3A_285 {strides = array<i32>} : memref<40x128xf32, #tpu.memory_space<vmem>>, vector<16xf32>,
        %parallel_loop3A_289 = arith.constant 0 : i32
        %parallel_loop3A_290 = vector.broadcast %parallel_loop3A_289 : i32 to vector<16xi32>
        %parallel_loop3A_291 = arith.cmpi eq, %iota3A, %parallel_loop3A_290 : vector<16xi32>
        %parallel_loop3A_292 = arith.constant 0.000000e+00 : f32
        %parallel_loop3A_293 = vector.broadcast %parallel_loop3A_292 : f32 to vector<16xf32>
        %parallel_loop3A_294 = arith.select %parallel_loop3A_291, %parallel_loop3A_280, %parallel_loop3A_293 : vector<16xi1>, vector<16xf32>
        %parallel_loop3A_295 = arith.addf %broadcast_in_dim3A_12, %parallel_loop3A_294 : vector<16xf32>
        %parallel_loop3A_296 = arith.index_cast %parallel_loop3A_257 : i32 to index
        %parallel_loop3A_297 = arith.constant 32 : index
        %parallel_loop3A_298 = tpu.vector_load %arg19[%parallel_loop3A_296, %parallel_loop3A_297] {strides = array<i32>} : memref<40x128xf32, #tpu.memory_space<vmem>>, vector<16xf32>,
        %parallel_loop3A_299 = arith.index_cast %parallel_loop3A_257 : i32 to index
        %parallel_loop3A_300 = arith.constant 48 : index
        %parallel_loop3A_301 = tpu.vector_load %arg19[%parallel_loop3A_299, %parallel_loop3A_300] {strides = array<i32>} : memref<40x128xf32, #tpu.memory_space<vmem>>, vector<16xf32>,
        %parallel_loop3A_302 = arith.index_cast %parallel_loop3A_257 : i32 to index
        %parallel_loop3A_303 = arith.constant 32 : index
        %parallel_loop3A_304 = tpu.vector_load %arg21[%parallel_loop3A_302, %parallel_loop3A_303] {strides = array<i32>} : memref<40x128xf32, #tpu.memory_space<vmem>>, vector<16xf32>,
        %parallel_loop3A_305 = arith.index_cast %parallel_loop3A_257 : i32 to index
        %parallel_loop3A_306 = arith.constant 48 : index
        %parallel_loop3A_307 = tpu.vector_load %arg21[%parallel_loop3A_305, %parallel_loop3A_306] {strides = array<i32>} : memref<40x128xf32, #tpu.memory_space<vmem>>, vector<16xf32>,
        %parallel_loop3A_308 = arith.mulf %parallel_loop3A_298, %parallel_loop3A_304 : vector<16xf32>
        %parallel_loop3A_309 = arith.mulf %parallel_loop3A_301, %parallel_loop3A_307 : vector<16xf32>
        %parallel_loop3A_310 = arith.addf %parallel_loop3A_308, %parallel_loop3A_309 : vector<16xf32>
        %parallel_loop3A_311 = arith.constant true
        %parallel_loop3A_312 = vector.broadcast %parallel_loop3A_311 : i1 to vector<16xi1>
        %parallel_loop3A_313 = tpu.scan <sum>, %parallel_loop3A_310 masked %parallel_loop3A_312 : vector<16xf32>, vector<16xi1> -> vector<16xf32>
        %parallel_loop3A_314 = vector.extract %parallel_loop3A_313[15] : f32 from vector<16xf32>
        %parallel_loop3A_315 = arith.constant 0.176776692 : f32
        %parallel_loop3A_316 = arith.mulf %parallel_loop3A_314, %parallel_loop3A_315 : f32
        %parallel_loop3A_317 = vector.broadcast %parallel_loop3A_316 : f32 to vector<16xf32>
        %parallel_loop3A_318 = math.exp %parallel_loop3A_317 : vector<16xf32>
        %parallel_loop3A_319 = arith.mulf %parallel_loop3A_298, %parallel_loop3A_318 : vector<16xf32>
        %parallel_loop3A_320 = arith.index_cast %parallel_loop3A_257 : i32 to index
        %parallel_loop3A_321 = arith.constant 32 : index
        %parallel_loop3A_322 = tpu.vector_load %arg23[%parallel_loop3A_320, %parallel_loop3A_321] {strides = array<i32>} : memref<40x128xf32, #tpu.memory_space<vmem>>, vector<16xf32>,
        tpu.vector_store %arg23[%parallel_loop3A_320, %parallel_loop3A_321], %parallel_loop3A_319 {strides = array<i32>} : memref<40x128xf32, #tpu.memory_space<vmem>>, vector<16xf32>,
        %parallel_loop3A_323 = arith.mulf %parallel_loop3A_301, %parallel_loop3A_318 : vector<16xf32>
        %parallel_loop3A_324 = arith.index_cast %parallel_loop3A_257 : i32 to index
        %parallel_loop3A_325 = arith.constant 48 : index
        %parallel_loop3A_326 = tpu.vector_load %arg23[%parallel_loop3A_324, %parallel_loop3A_325] {strides = array<i32>} : memref<40x128xf32, #tpu.memory_space<vmem>>, vector<16xf32>,
        tpu.vector_store %arg23[%parallel_loop3A_324, %parallel_loop3A_325], %parallel_loop3A_323 {strides = array<i32>} : memref<40x128xf32, #tpu.memory_space<vmem>>, vector<16xf32>,
        %parallel_loop3A_327 = arith.constant 1 : i32
        %parallel_loop3A_328 = vector.broadcast %parallel_loop3A_327 : i32 to vector<16xi32>
        %parallel_loop3A_329 = arith.cmpi eq, %iota3A, %parallel_loop3A_328 : vector<16xi32>
        %parallel_loop3A_330 = arith.constant 0.000000e+00 : f32
        %parallel_loop3A_331 = vector.broadcast %parallel_loop3A_330 : f32 to vector<16xf32>
        %parallel_loop3A_332 = arith.select %parallel_loop3A_329, %parallel_loop3A_318, %parallel_loop3A_331 : vector<16xi1>, vector<16xf32>
        %parallel_loop3A_333 = arith.addf %parallel_loop3A_295, %parallel_loop3A_332 : vector<16xf32>
        %parallel_loop3A_334 = arith.index_cast %parallel_loop3A_257 : i32 to index
        %parallel_loop3A_335 = arith.constant 64 : index
        %parallel_loop3A_336 = tpu.vector_load %arg19[%parallel_loop3A_334, %parallel_loop3A_335] {strides = array<i32>} : memref<40x128xf32, #tpu.memory_space<vmem>>, vector<16xf32>,
        %parallel_loop3A_337 = arith.index_cast %parallel_loop3A_257 : i32 to index
        %parallel_loop3A_338 = arith.constant 80 : index
        %parallel_loop3A_339 = tpu.vector_load %arg19[%parallel_loop3A_337, %parallel_loop3A_338] {strides = array<i32>} : memref<40x128xf32, #tpu.memory_space<vmem>>, vector<16xf32>,
        %parallel_loop3A_340 = arith.index_cast %parallel_loop3A_257 : i32 to index
        %parallel_loop3A_341 = arith.constant 64 : index
        %parallel_loop3A_342 = tpu.vector_load %arg21[%parallel_loop3A_340, %parallel_loop3A_341] {strides = array<i32>} : memref<40x128xf32, #tpu.memory_space<vmem>>, vector<16xf32>,
        %parallel_loop3A_343 = arith.index_cast %parallel_loop3A_257 : i32 to index
        %parallel_loop3A_344 = arith.constant 80 : index
        %parallel_loop3A_345 = tpu.vector_load %arg21[%parallel_loop3A_343, %parallel_loop3A_344] {strides = array<i32>} : memref<40x128xf32, #tpu.memory_space<vmem>>, vector<16xf32>,
        %parallel_loop3A_346 = arith.mulf %parallel_loop3A_336, %parallel_loop3A_342 : vector<16xf32>
        %parallel_loop3A_347 = arith.mulf %parallel_loop3A_339, %parallel_loop3A_345 : vector<16xf32>
        %parallel_loop3A_348 = arith.addf %parallel_loop3A_346, %parallel_loop3A_347 : vector<16xf32>
        %parallel_loop3A_349 = arith.constant true
        %parallel_loop3A_350 = vector.broadcast %parallel_loop3A_349 : i1 to vector<16xi1>
        %parallel_loop3A_351 = tpu.scan <sum>, %parallel_loop3A_348 masked %parallel_loop3A_350 : vector<16xf32>, vector<16xi1> -> vector<16xf32>
        %parallel_loop3A_352 = vector.extract %parallel_loop3A_351[15] : f32 from vector<16xf32>
        %parallel_loop3A_353 = arith.constant 0.176776692 : f32
        %parallel_loop3A_354 = arith.mulf %parallel_loop3A_352, %parallel_loop3A_353 : f32
        %parallel_loop3A_355 = vector.broadcast %parallel_loop3A_354 : f32 to vector<16xf32>
        %parallel_loop3A_356 = math.exp %parallel_loop3A_355 : vector<16xf32>
        %parallel_loop3A_357 = arith.mulf %parallel_loop3A_336, %parallel_loop3A_356 : vector<16xf32>
        %parallel_loop3A_358 = arith.index_cast %parallel_loop3A_257 : i32 to index
        %parallel_loop3A_359 = arith.constant 64 : index
        %parallel_loop3A_360 = tpu.vector_load %arg23[%parallel_loop3A_358, %parallel_loop3A_359] {strides = array<i32>} : memref<40x128xf32, #tpu.memory_space<vmem>>, vector<16xf32>,
        tpu.vector_store %arg23[%parallel_loop3A_358, %parallel_loop3A_359], %parallel_loop3A_357 {strides = array<i32>} : memref<40x128xf32, #tpu.memory_space<vmem>>, vector<16xf32>,
        %parallel_loop3A_361 = arith.mulf %parallel_loop3A_339, %parallel_loop3A_356 : vector<16xf32>
        %parallel_loop3A_362 = arith.index_cast %parallel_loop3A_257 : i32 to index
        %parallel_loop3A_363 = arith.constant 80 : index
        %parallel_loop3A_364 = tpu.vector_load %arg23[%parallel_loop3A_362, %parallel_loop3A_363] {strides = array<i32>} : memref<40x128xf32, #tpu.memory_space<vmem>>, vector<16xf32>,
        tpu.vector_store %arg23[%parallel_loop3A_362, %parallel_loop3A_363], %parallel_loop3A_361 {strides = array<i32>} : memref<40x128xf32, #tpu.memory_space<vmem>>, vector<16xf32>,
        %parallel_loop3A_365 = arith.constant 2 : i32
        %parallel_loop3A_366 = vector.broadcast %parallel_loop3A_365 : i32 to vector<16xi32>
        %parallel_loop3A_367 = arith.cmpi eq, %iota3A, %parallel_loop3A_366 : vector<16xi32>
        %parallel_loop3A_368 = arith.constant 0.000000e+00 : f32
        %parallel_loop3A_369 = vector.broadcast %parallel_loop3A_368 : f32 to vector<16xf32>
        %parallel_loop3A_370 = arith.select %parallel_loop3A_367, %parallel_loop3A_356, %parallel_loop3A_369 : vector<16xi1>, vector<16xf32>
        %parallel_loop3A_371 = arith.addf %parallel_loop3A_333, %parallel_loop3A_370 : vector<16xf32>
        %parallel_loop3A_372 = arith.index_cast %parallel_loop3A_257 : i32 to index
        %parallel_loop3A_373 = arith.constant 96 : index
        %parallel_loop3A_374 = tpu.vector_load %arg19[%parallel_loop3A_372, %parallel_loop3A_373] {strides = array<i32>} : memref<40x128xf32, #tpu.memory_space<vmem>>, vector<16xf32>,
        %parallel_loop3A_375 = arith.index_cast %parallel_loop3A_257 : i32 to index
        %parallel_loop3A_376 = arith.constant 112 : index
        %parallel_loop3A_377 = tpu.vector_load %arg19[%parallel_loop3A_375, %parallel_loop3A_376] {strides = array<i32>} : memref<40x128xf32, #tpu.memory_space<vmem>>, vector<16xf32>,
        %parallel_loop3A_378 = arith.index_cast %parallel_loop3A_257 : i32 to index
        %parallel_loop3A_379 = arith.constant 96 : index
        %parallel_loop3A_380 = tpu.vector_load %arg21[%parallel_loop3A_378, %parallel_loop3A_379] {strides = array<i32>} : memref<40x128xf32, #tpu.memory_space<vmem>>, vector<16xf32>,
        %parallel_loop3A_381 = arith.index_cast %parallel_loop3A_257 : i32 to index
        %parallel_loop3A_382 = arith.constant 112 : index
        %parallel_loop3A_383 = tpu.vector_load %arg21[%parallel_loop3A_381, %parallel_loop3A_382] {strides = array<i32>} : memref<40x128xf32, #tpu.memory_space<vmem>>, vector<16xf32>,
        %parallel_loop3A_384 = arith.mulf %parallel_loop3A_374, %parallel_loop3A_380 : vector<16xf32>
        %parallel_loop3A_385 = arith.mulf %parallel_loop3A_377, %parallel_loop3A_383 : vector<16xf32>
        %parallel_loop3A_386 = arith.addf %parallel_loop3A_384, %parallel_loop3A_385 : vector<16xf32>
        %parallel_loop3A_387 = arith.constant true
        %parallel_loop3A_388 = vector.broadcast %parallel_loop3A_387 : i1 to vector<16xi1>
        %parallel_loop3A_389 = tpu.scan <sum>, %parallel_loop3A_386 masked %parallel_loop3A_388 : vector<16xf32>, vector<16xi1> -> vector<16xf32>
        %parallel_loop3A_390 = vector.extract %parallel_loop3A_389[15] : f32 from vector<16xf32>
        %parallel_loop3A_391 = arith.constant 0.176776692 : f32
        %parallel_loop3A_392 = arith.mulf %parallel_loop3A_390, %parallel_loop3A_391 : f32
        %parallel_loop3A_393 = vector.broadcast %parallel_loop3A_392 : f32 to vector<16xf32>
        %parallel_loop3A_394 = math.exp %parallel_loop3A_393 : vector<16xf32>
        %parallel_loop3A_395 = arith.mulf %parallel_loop3A_374, %parallel_loop3A_394 : vector<16xf32>
        %parallel_loop3A_396 = arith.index_cast %parallel_loop3A_257 : i32 to index
        %parallel_loop3A_397 = arith.constant 96 : index
        %parallel_loop3A_398 = tpu.vector_load %arg23[%parallel_loop3A_396, %parallel_loop3A_397] {strides = array<i32>} : memref<40x128xf32, #tpu.memory_space<vmem>>, vector<16xf32>,
        tpu.vector_store %arg23[%parallel_loop3A_396, %parallel_loop3A_397], %parallel_loop3A_395 {strides = array<i32>} : memref<40x128xf32, #tpu.memory_space<vmem>>, vector<16xf32>,
        %parallel_loop3A_399 = arith.mulf %parallel_loop3A_377, %parallel_loop3A_394 : vector<16xf32>
        %parallel_loop3A_400 = arith.index_cast %parallel_loop3A_257 : i32 to index
        %parallel_loop3A_401 = arith.constant 112 : index
        %parallel_loop3A_402 = tpu.vector_load %arg23[%parallel_loop3A_400, %parallel_loop3A_401] {strides = array<i32>} : memref<40x128xf32, #tpu.memory_space<vmem>>, vector<16xf32>,
        tpu.vector_store %arg23[%parallel_loop3A_400, %parallel_loop3A_401], %parallel_loop3A_399 {strides = array<i32>} : memref<40x128xf32, #tpu.memory_space<vmem>>, vector<16xf32>,
        %parallel_loop3A_403 = arith.constant 3 : i32
        %parallel_loop3A_404 = vector.broadcast %parallel_loop3A_403 : i32 to vector<16xi32>
        %parallel_loop3A_405 = arith.cmpi eq, %iota3A, %parallel_loop3A_404 : vector<16xi32>
        %parallel_loop3A_406 = arith.constant 0.000000e+00 : f32
        %parallel_loop3A_407 = vector.broadcast %parallel_loop3A_406 : f32 to vector<16xf32>
        %parallel_loop3A_408 = arith.select %parallel_loop3A_405, %parallel_loop3A_394, %parallel_loop3A_407 : vector<16xi1>, vector<16xf32>
        %parallel_loop3A_409 = arith.addf %parallel_loop3A_371, %parallel_loop3A_408 : vector<16xf32>
        %parallel_loop3A_410 = arith.index_cast %parallel_loop3A_257 : i32 to index
        %parallel_loop3A_411 = arith.constant 0 : index
        %parallel_loop3A_412 = tpu.vector_load %arg25[%parallel_loop3A_410, %parallel_loop3A_411] {strides = array<i32>} : memref<40x128xf32, #tpu.memory_space<vmem>>, vector<16xf32>,
        tpu.vector_store %arg25[%parallel_loop3A_410, %parallel_loop3A_411], %broadcast_in_dim3A_12 {strides = array<i32>} : memref<40x128xf32, #tpu.memory_space<vmem>>, vector<16xf32>,
        %parallel_loop3A_413 = arith.index_cast %parallel_loop3A_257 : i32 to index
        %parallel_loop3A_414 = arith.constant 16 : index
        %parallel_loop3A_415 = tpu.vector_load %arg25[%parallel_loop3A_413, %parallel_loop3A_414] {strides = array<i32>} : memref<40x128xf32, #tpu.memory_space<vmem>>, vector<16xf32>,
        tpu.vector_store %arg25[%parallel_loop3A_413, %parallel_loop3A_414], %broadcast_in_dim3A_12 {strides = array<i32>} : memref<40x128xf32, #tpu.memory_space<vmem>>, vector<16xf32>,
        %parallel_loop3A_416 = arith.index_cast %parallel_loop3A_257 : i32 to index
        %parallel_loop3A_417 = arith.constant 32 : index
        %parallel_loop3A_418 = tpu.vector_load %arg25[%parallel_loop3A_416, %parallel_loop3A_417] {strides = array<i32>} : memref<40x128xf32, #tpu.memory_space<vmem>>, vector<16xf32>,
        tpu.vector_store %arg25[%parallel_loop3A_416, %parallel_loop3A_417], %broadcast_in_dim3A_12 {strides = array<i32>} : memref<40x128xf32, #tpu.memory_space<vmem>>, vector<16xf32>,
        %parallel_loop3A_419 = arith.index_cast %parallel_loop3A_257 : i32 to index
        %parallel_loop3A_420 = arith.constant 48 : index
        %parallel_loop3A_421 = tpu.vector_load %arg25[%parallel_loop3A_419, %parallel_loop3A_420] {strides = array<i32>} : memref<40x128xf32, #tpu.memory_space<vmem>>, vector<16xf32>,
        tpu.vector_store %arg25[%parallel_loop3A_419, %parallel_loop3A_420], %broadcast_in_dim3A_12 {strides = array<i32>} : memref<40x128xf32, #tpu.memory_space<vmem>>, vector<16xf32>,
        %parallel_loop3A_422 = arith.index_cast %parallel_loop3A_257 : i32 to index
        %parallel_loop3A_423 = arith.constant 64 : index
        %parallel_loop3A_424 = tpu.vector_load %arg25[%parallel_loop3A_422, %parallel_loop3A_423] {strides = array<i32>} : memref<40x128xf32, #tpu.memory_space<vmem>>, vector<16xf32>,
        tpu.vector_store %arg25[%parallel_loop3A_422, %parallel_loop3A_423], %broadcast_in_dim3A_12 {strides = array<i32>} : memref<40x128xf32, #tpu.memory_space<vmem>>, vector<16xf32>,
        %parallel_loop3A_425 = arith.index_cast %parallel_loop3A_257 : i32 to index
        %parallel_loop3A_426 = arith.constant 80 : index
        %parallel_loop3A_427 = tpu.vector_load %arg25[%parallel_loop3A_425, %parallel_loop3A_426] {strides = array<i32>} : memref<40x128xf32, #tpu.memory_space<vmem>>, vector<16xf32>,
        tpu.vector_store %arg25[%parallel_loop3A_425, %parallel_loop3A_426], %broadcast_in_dim3A_12 {strides = array<i32>} : memref<40x128xf32, #tpu.memory_space<vmem>>, vector<16xf32>,
        %parallel_loop3A_428 = arith.index_cast %parallel_loop3A_257 : i32 to index
        %parallel_loop3A_429 = arith.constant 96 : index
        %parallel_loop3A_430 = tpu.vector_load %arg25[%parallel_loop3A_428, %parallel_loop3A_429] {strides = array<i32>} : memref<40x128xf32, #tpu.memory_space<vmem>>, vector<16xf32>,
        tpu.vector_store %arg25[%parallel_loop3A_428, %parallel_loop3A_429], %broadcast_in_dim3A_12 {strides = array<i32>} : memref<40x128xf32, #tpu.memory_space<vmem>>, vector<16xf32>,
        %parallel_loop3A_431 = arith.index_cast %parallel_loop3A_257 : i32 to index
        %parallel_loop3A_432 = arith.constant 112 : index
        %parallel_loop3A_433 = tpu.vector_load %arg25[%parallel_loop3A_431, %parallel_loop3A_432] {strides = array<i32>} : memref<40x128xf32, #tpu.memory_space<vmem>>, vector<16xf32>,
        tpu.vector_store %arg25[%parallel_loop3A_431, %parallel_loop3A_432], %broadcast_in_dim3A_12 {strides = array<i32>} : memref<40x128xf32, #tpu.memory_space<vmem>>, vector<16xf32>,
        %parallel_loop3A_434 = arith.constant 0 : i32
        %parallel_loop3A_435 = vector.broadcast %parallel_loop3A_434 : i32 to vector<16xi32>
        %parallel_loop3A_436 = vector.broadcast %parallel_loop3A_257 : i32 to vector<16xi32>
        %parallel_loop3A_437 = tpu.vector_load_idx %arg17[%parallel_loop3A_435, %parallel_loop3A_436] : memref<1x40xi32, #tpu.memory_space<vmem>>[vector<16xi32>, vector<16xi32>], vector<16xi32>,
        %parallel_loop3A_438 = arith.constant 31 : i32
        %parallel_loop3A_439 = vector.broadcast %parallel_loop3A_438 : i32 to vector<16xi32>
        %parallel_loop3A_440 = arith.andi %parallel_loop3A_437, %parallel_loop3A_439 : vector<16xi32>
        %parallel_loop3A_441 = arith.constant 4 : i32
        %parallel_loop3A_442 = vector.broadcast %parallel_loop3A_441 : i32 to vector<16xi32>
        %parallel_loop3A_443 = arith.muli %parallel_loop3A_440, %parallel_loop3A_442 : vector<16xi32>
        %parallel_loop3A_444 = arith.addi %parallel_loop3A_443, %iota3A : vector<16xi32>
        %parallel_loop3A_445 = vector.broadcast %parallel_loop3A_257 : i32 to vector<16xi32>
        tpu.vector_store_idx %arg25[%parallel_loop3A_445, %parallel_loop3A_444], %parallel_loop3A_409 masked %lt3A_7 : memref<40x128xf32, #tpu.memory_space<vmem>>[vector<16xi32>, vector<16xi32>], vector<16xf32>, vector<16xi1>
      } {sc.loop_unroll_factor = 8 : i64, sc.parallel_access}
      %dma_start3A_242 = arith.constant 0 : i32
      %dma_start3A_243 = arith.constant 0 : i32
      %dma_start3A_244 = tpu.memref_slice %arg17[%dma_start3A_242, %dma_start3A_243] : memref<1x40xi32, #tpu.memory_space<vmem>> -> memref<1x40xi32, #tpu.memory_space<vmem>>
      %dma_start3A_245 = tpu.memref_squeeze %dma_start3A_244 : memref<1x40xi32, #tpu.memory_space<vmem>> -> memref<40xi32, #tpu.memory_space<vmem>>
      %dma_start3A_246 = arith.constant 0 : i32
      %dma_start3A_247 = arith.constant 0 : i32
      %dma_start3A_248 = tpu.memref_slice %arg26[%dma_start3A_246, %dma_start3A_247] : memref<10240x128xf32, #tpu.memory_space<vmem_shared>> -> memref<10240x128xf32, #tpu.memory_space<vmem_shared>>
      tpu.enqueue_indirect_dma source(%arg23 : memref<40x128xf32, #tpu.memory_space<vmem>>) target(%dma_start3A_248 : memref<10240x128xf32, #tpu.memory_space<vmem_shared>>) offsets(%dma_start3A_245 : memref<40xi32, #tpu.memory_space<vmem>>) semaphore(%arg35 : memref<!tpu.dma_semaphore, #tpu.memory_space<semaphore_mem>>) {add = true}
      %dma_start3A_249 = arith.constant 0 : i32
      %dma_start3A_250 = arith.constant 0 : i32
      %dma_start3A_251 = tpu.memref_slice %arg15[%dma_start3A_249, %dma_start3A_250] : memref<1x40xi32, #tpu.memory_space<vmem>> -> memref<1x40xi32, #tpu.memory_space<vmem>>
      %dma_start3A_252 = tpu.memref_squeeze %dma_start3A_251 : memref<1x40xi32, #tpu.memory_space<vmem>> -> memref<40xi32, #tpu.memory_space<vmem>>
      %dma_start3A_253 = arith.constant 0 : i32
      %dma_start3A_254 = arith.constant 0 : i32
      %dma_start3A_255 = tpu.memref_slice %arg27[%dma_start3A_253, %dma_start3A_254] : memref<320x128xf32, #tpu.memory_space<vmem_shared>> -> memref<320x128xf32, #tpu.memory_space<vmem_shared>>
      tpu.enqueue_indirect_dma source(%arg25 : memref<40x128xf32, #tpu.memory_space<vmem>>) target(%dma_start3A_255 : memref<320x128xf32, #tpu.memory_space<vmem_shared>>) offsets(%dma_start3A_252 : memref<40xi32, #tpu.memory_space<vmem>>) semaphore(%arg37 : memref<!tpu.dma_semaphore, #tpu.memory_space<semaphore_mem>>) {add = true}
      %scan3A_256 = arith.constant 0 : i32
      scf.yield %scan3A_256 : i32
    }
    %scan3A_142 = arith.constant 125 : i32
    %dma_wait3A_143 = arith.constant 0 : i32
    %dma_wait3A_144 = arith.constant 0 : i32
    %dma_wait3A_145 = tpu.memref_slice %arg17[%dma_wait3A_143, %dma_wait3A_144] : memref<1x40xi32, #tpu.memory_space<vmem>> -> memref<1x40xi32, #tpu.memory_space<vmem>>
    %dma_wait3A_146 = tpu.memref_squeeze %dma_wait3A_145 : memref<1x40xi32, #tpu.memory_space<vmem>> -> memref<40xi32, #tpu.memory_space<vmem>>
    %dma_wait3A_147 = arith.constant 0 : i32
    %dma_wait3A_148 = arith.constant 0 : i32
    %dma_wait3A_149 = tpu.memref_slice %arg26[%dma_wait3A_147, %dma_wait3A_148] : memref<10240x128xf32, #tpu.memory_space<vmem_shared>> -> memref<10240x128xf32, #tpu.memory_space<vmem_shared>>
    tpu.wait_indirect_dma semaphore(%arg35 : memref<!tpu.dma_semaphore, #tpu.memory_space<semaphore_mem>>) src(%arg23 : memref<40x128xf32, #tpu.memory_space<vmem>>) dst(%dma_wait3A_149 : memref<10240x128xf32, #tpu.memory_space<vmem_shared>>)
    %dma_wait3A_150 = arith.constant 0 : i32
    %dma_wait3A_151 = arith.constant 0 : i32
    %dma_wait3A_152 = tpu.memref_slice %arg15[%dma_wait3A_150, %dma_wait3A_151] : memref<1x40xi32, #tpu.memory_space<vmem>> -> memref<1x40xi32, #tpu.memory_space<vmem>>
    %dma_wait3A_153 = tpu.memref_squeeze %dma_wait3A_152 : memref<1x40xi32, #tpu.memory_space<vmem>> -> memref<40xi32, #tpu.memory_space<vmem>>
    %dma_wait3A_154 = arith.constant 0 : i32
    %dma_wait3A_155 = arith.constant 0 : i32
    %dma_wait3A_156 = tpu.memref_slice %arg27[%dma_wait3A_154, %dma_wait3A_155] : memref<320x128xf32, #tpu.memory_space<vmem_shared>> -> memref<320x128xf32, #tpu.memory_space<vmem_shared>>
    tpu.wait_indirect_dma semaphore(%arg37 : memref<!tpu.dma_semaphore, #tpu.memory_space<semaphore_mem>>) src(%arg25 : memref<40x128xf32, #tpu.memory_space<vmem>>) dst(%dma_wait3A_156 : memref<320x128xf32, #tpu.memory_space<vmem_shared>>)
    %barrier3A_157 = arith.constant 0 : index
    tpu.barrier barrier_id(%barrier3A_157)
    "tpu.region"() ({
      %run_scoped3A = tpu.sem_alloc : memref<!tpu.dma_semaphore, #tpu.memory_space<semaphore_mem>>
      %dma_start3A_163 = arith.constant 0 : i32
      %dma_start3A_164 = tpu.memref_slice %arg6[%arg0, %mul3A_0, %dma_start3A_163] : memref<2x10240x128xf32, #tpu.memory_space<hbm>> -> memref<1x640x128xf32, #tpu.memory_space<hbm>>
      %dma_start3A_165 = tpu.memref_squeeze %dma_start3A_164 : memref<1x640x128xf32, #tpu.memory_space<hbm>> -> memref<640x128xf32, #tpu.memory_space<hbm>>
      %dma_start3A_166 = arith.constant 0 : i32
      %dma_start3A_167 = tpu.memref_slice %arg26[%mul3A_0, %dma_start3A_166] : memref<10240x128xf32, #tpu.memory_space<vmem_shared>> -> memref<640x128xf32, #tpu.memory_space<vmem_shared>>
      tpu.enqueue_dma source(%dma_start3A_167 : memref<640x128xf32, #tpu.memory_space<vmem_shared>>) target(%dma_start3A_165 : memref<640x128xf32, #tpu.memory_space<hbm>>) target_semaphore(%run_scoped3A : memref<!tpu.dma_semaphore, #tpu.memory_space<semaphore_mem>>)
      %dma_wait3A_168 = arith.constant 0 : i32
      %dma_wait3A_169 = tpu.memref_slice %arg6[%arg0, %mul3A_0, %dma_wait3A_168] : memref<2x10240x128xf32, #tpu.memory_space<hbm>> -> memref<1x640x128xf32, #tpu.memory_space<hbm>>
      %dma_wait3A_170 = tpu.memref_squeeze %dma_wait3A_169 : memref<1x640x128xf32, #tpu.memory_space<hbm>> -> memref<640x128xf32, #tpu.memory_space<hbm>>
      %dma_wait3A_171 = arith.constant 0 : i32
      %dma_wait3A_172 = tpu.memref_slice %arg26[%mul3A_0, %dma_wait3A_171] : memref<10240x128xf32, #tpu.memory_space<vmem_shared>> -> memref<640x128xf32, #tpu.memory_space<vmem_shared>>
      tpu.wait_dma2 semaphore(%run_scoped3A : memref<!tpu.dma_semaphore, #tpu.memory_space<semaphore_mem>>) src(%dma_wait3A_172 : memref<640x128xf32, #tpu.memory_space<vmem_shared>>) dst(%dma_wait3A_170 : memref<640x128xf32, #tpu.memory_space<hbm>>)
      tpu.yield
    }) : () -> ()
    %lt3A_158 = arith.constant 10 : i32
    %lt3A_159 = arith.cmpi slt, %arg1, %lt3A_158 : i32
    %convert_element_type3A_160 = arith.extui %lt3A_159 : i1 to i32
    %cond3A_161 = arith.constant 0 : i32
    %cond3A_162 = arith.cmpi ne, %convert_element_type3A_160, %cond3A_161 : i32
    scf.if %cond3A_162 {
      "tpu.region"() ({
        %run_scoped3A = tpu.sem_alloc : memref<!tpu.dma_semaphore, #tpu.memory_space<semaphore_mem>>
        %dma_start3A_163 = arith.constant 0 : i32
        %dma_start3A_164 = tpu.memref_slice %arg7[%arg0, %mul3A_2, %dma_start3A_163] : memref<2x320x128xf32, #tpu.memory_space<hbm>> -> memref<1x32x128xf32, #tpu.memory_space<hbm>>
        %dma_start3A_165 = tpu.memref_squeeze %dma_start3A_164 : memref<1x32x128xf32, #tpu.memory_space<hbm>> -> memref<32x128xf32, #tpu.memory_space<hbm>>
        %dma_start3A_166 = arith.constant 0 : i32
        %dma_start3A_167 = tpu.memref_slice %arg27[%mul3A_2, %dma_start3A_166] : memref<320x128xf32, #tpu.memory_space<vmem_shared>> -> memref<32x128xf32, #tpu.memory_space<vmem_shared>>
        tpu.enqueue_dma source(%dma_start3A_167 : memref<32x128xf32, #tpu.memory_space<vmem_shared>>) target(%dma_start3A_165 : memref<32x128xf32, #tpu.memory_space<hbm>>) target_semaphore(%run_scoped3A : memref<!tpu.dma_semaphore, #tpu.memory_space<semaphore_mem>>)
        %dma_wait3A_168 = arith.constant 0 : i32
        %dma_wait3A_169 = tpu.memref_slice %arg7[%arg0, %mul3A_2, %dma_wait3A_168] : memref<2x320x128xf32, #tpu.memory_space<hbm>> -> memref<1x32x128xf32, #tpu.memory_space<hbm>>
        %dma_wait3A_170 = tpu.memref_squeeze %dma_wait3A_169 : memref<1x32x128xf32, #tpu.memory_space<hbm>> -> memref<32x128xf32, #tpu.memory_space<hbm>>
        %dma_wait3A_171 = arith.constant 0 : i32
        %dma_wait3A_172 = tpu.memref_slice %arg27[%mul3A_2, %dma_wait3A_171] : memref<320x128xf32, #tpu.memory_space<vmem_shared>> -> memref<32x128xf32, #tpu.memory_space<vmem_shared>>
        tpu.wait_dma2 semaphore(%run_scoped3A : memref<!tpu.dma_semaphore, #tpu.memory_space<semaphore_mem>>) src(%dma_wait3A_172 : memref<32x128xf32, #tpu.memory_space<vmem_shared>>) dst(%dma_wait3A_170 : memref<32x128xf32, #tpu.memory_space<hbm>>)
        tpu.yield
      }) : () -> ()
    } else {
    }
    return
  }
}

module attributes {stable_mosaic.version = 14 : i64} {
  func.func @_tc1_body(%arg0: i32, %arg1: memref<1000x256xf32, #tpu.memory_space<vmem>>, %arg2: memref<256x256xf32, #tpu.memory_space<vmem>>, %arg3: memref<1x256xf32, #tpu.memory_space<vmem>>, %arg4: memref<1x256xf32, #tpu.memory_space<vmem>>, %arg5: memref<1000x256xf32, #tpu.memory_space<vmem>>, %arg6: memref<2000x128xf32, #tpu.memory_space<vmem>>) attributes {dimension_semantics = [#tpu.dimension_semantics<arbitrary>], iteration_bounds = array<i64: 10>, scalar_prefetch = 0 : i64, scratch_operands = 0 : i64, tpu.core_type = #tpu.core_type<tc>, window_params = [{transform_indices = @transform_0, window_bounds = array<i64: 1000, 256>}, {pipeline_mode = #tpu.pipeline_mode<synchronous>, transform_indices = @transform_1, window_bounds = array<i64: 256, 256>}, {pipeline_mode = #tpu.pipeline_mode<synchronous>, transform_indices = @transform_2, window_bounds = array<i64: 1, 256>}, {pipeline_mode = #tpu.pipeline_mode<synchronous>, transform_indices = @transform_3, window_bounds = array<i64: 1, 256>}, {transform_indices = @transform_4, window_bounds = array<i64: 1000, 256>}, {transform_indices = @transform_5, window_bounds = array<i64: 2000, 128>}]} {
    %get3A = arith.constant 0 : index
    %get3A_0 = arith.constant 0 : index
    %get3A_1 = vector.load %arg1[%get3A, %get3A_0] : memref<1000x256xf32, #tpu.memory_space<vmem>>, vector<1000x256xf32>
    %reduce_sum3A = arith.constant dense<0.000000e+00> : vector<1000xf32>
    %reduce_sum3A_2 = vector.multi_reduction <add>, %get3A_1, %reduce_sum3A [1] : vector<1000x256xf32> to vector<1000xf32>
    %broadcast_in_dim3A = vector.shape_cast %reduce_sum3A_2 : vector<1000xf32> to vector<1000x1xf32>
    %div3A = arith.constant 2.560000e+02 : f32
    %div3A_3 = vector.broadcast %div3A : f32 to vector<1000x1xf32>
    %div3A_4 = arith.divf %broadcast_in_dim3A, %div3A_3 : vector<1000x1xf32>
    %sub3A = vector.broadcast %div3A_4 : vector<1000x1xf32> to vector<1000x256xf32>
    %sub3A_5 = arith.subf %get3A_1, %sub3A : vector<1000x256xf32>
    %integer_pow3A = arith.mulf %sub3A_5, %sub3A_5 : vector<1000x256xf32>
    %reduce_sum3A_6 = arith.constant dense<0.000000e+00> : vector<1000xf32>
    %reduce_sum3A_7 = vector.multi_reduction <add>, %integer_pow3A, %reduce_sum3A_6 [1] : vector<1000x256xf32> to vector<1000xf32>
    %broadcast_in_dim3A_8 = vector.shape_cast %reduce_sum3A_7 : vector<1000xf32> to vector<1000x1xf32>
    %div3A_9 = arith.constant 2.560000e+02 : f32
    %div3A_10 = vector.broadcast %div3A_9 : f32 to vector<1000x1xf32>
    %div3A_11 = arith.divf %broadcast_in_dim3A_8, %div3A_10 : vector<1000x1xf32>
    %sub3A_12 = vector.broadcast %div3A_4 : vector<1000x1xf32> to vector<1000x256xf32>
    %sub3A_13 = arith.subf %get3A_1, %sub3A_12 : vector<1000x256xf32>
    %add3A = arith.constant 9.99999974E-6 : f32
    %add3A_14 = vector.broadcast %add3A : f32 to vector<1000x1xf32>
    %add3A_15 = arith.addf %div3A_11, %add3A_14 : vector<1000x1xf32>
    %sqrt3A = math.sqrt %add3A_15 : vector<1000x1xf32>
    %div3A_16 = vector.broadcast %sqrt3A : vector<1000x1xf32> to vector<1000x256xf32>
    %div3A_17 = arith.divf %sub3A_13, %div3A_16 : vector<1000x256xf32>
    %get3A_18 = arith.constant 0 : index
    %get3A_19 = arith.constant 0 : index
    %get3A_20 = vector.load %arg3[%get3A_18, %get3A_19] : memref<1x256xf32, #tpu.memory_space<vmem>>, vector<1x256xf32>
    %mul3A = vector.broadcast %get3A_20 : vector<1x256xf32> to vector<1000x256xf32>
    %mul3A_21 = arith.mulf %div3A_17, %mul3A : vector<1000x256xf32>
    %get3A_22 = arith.constant 0 : index
    %get3A_23 = arith.constant 0 : index
    %get3A_24 = vector.load %arg4[%get3A_22, %get3A_23] : memref<1x256xf32, #tpu.memory_space<vmem>>, vector<1x256xf32>
    %add3A_25 = vector.broadcast %get3A_24 : vector<1x256xf32> to vector<1000x256xf32>
    %add3A_26 = arith.addf %mul3A_21, %add3A_25 : vector<1000x256xf32>
    %swap3A = arith.constant 0 : index
    %swap3A_27 = arith.constant 0 : index
    %swap3A_28 = vector.load %arg5[%swap3A, %swap3A_27] : memref<1000x256xf32, #tpu.memory_space<vmem>>, vector<1000x256xf32>
    tpu.vector_store %arg5[%swap3A, %swap3A_27], %add3A_26 {strides = array<i32>} : memref<1000x256xf32, #tpu.memory_space<vmem>>, vector<1000x256xf32>,
    %get3A_29 = arith.constant 0 : index
    %get3A_30 = arith.constant 0 : index
    %get3A_31 = vector.load %arg2[%get3A_29, %get3A_30] : memref<256x256xf32, #tpu.memory_space<vmem>>, vector<256x256xf32>
    %dot_general3A = arith.constant dense<0.000000e+00> : vector<1000x256xf32>
    %dot_general3A_32 = tpu.matmul %add3A_26, %get3A_31, %dot_general3A {dimension_numbers = #tpu.dot_dimension_numbers<[1], [0], [0], [1], [0, 0, 1, 1], [], []>, transpose_lhs_hint = false} : vector<1000x256xf32>, vector<256x256xf32>, vector<1000x256xf32> -> vector<1000x256xf32>
    %reshape3A = vector.shape_cast %dot_general3A_32 : vector<1000x256xf32> to vector<2000x128xf32>
    %swap3A_33 = arith.constant 0 : index
    %swap3A_34 = arith.constant 0 : index
    %swap3A_35 = vector.load %arg6[%swap3A_33, %swap3A_34] : memref<2000x128xf32, #tpu.memory_space<vmem>>, vector<2000x128xf32>
    tpu.vector_store %arg6[%swap3A_33, %swap3A_34], %reshape3A {strides = array<i32>} : memref<2000x128xf32, #tpu.memory_space<vmem>>, vector<2000x128xf32>,
    return
  }
  func.func @transform_0(%arg0: i32) -> (i32, i32) {
    %c0_i32 = arith.constant 0 : i32
    %c0_i32_0 = arith.constant 0 : i32
    return %arg0, %c0_i32 : i32, i32
  }
  func.func @transform_1(%arg0: i32) -> (i32, i32) {
    %c0_i32 = arith.constant 0 : i32
    %c0_i32_0 = arith.constant 0 : i32
    %c0_i32_1 = arith.constant 0 : i32
    return %c0_i32, %c0_i32_0 : i32, i32
  }
  func.func @transform_2(%arg0: i32) -> (i32, i32) {
    %c0_i32 = arith.constant 0 : i32
    %c0_i32_0 = arith.constant 0 : i32
    %c0_i32_1 = arith.constant 0 : i32
    return %c0_i32, %c0_i32_0 : i32, i32
  }
  func.func @transform_3(%arg0: i32) -> (i32, i32) {
    %c0_i32 = arith.constant 0 : i32
    %c0_i32_0 = arith.constant 0 : i32
    %c0_i32_1 = arith.constant 0 : i32
    return %c0_i32, %c0_i32_0 : i32, i32
  }
  func.func @transform_4(%arg0: i32) -> (i32, i32) {
    %c0_i32 = arith.constant 0 : i32
    %c0_i32_0 = arith.constant 0 : i32
    return %arg0, %c0_i32 : i32, i32
  }
  func.func @transform_5(%arg0: i32) -> (i32, i32) {
    %c0_i32 = arith.constant 0 : i32
    %c0_i32_0 = arith.constant 0 : i32
    return %arg0, %c0_i32 : i32, i32
  }
}

module attributes {stable_mosaic.version = 14 : i64} {
  func.func @_tc2_body(%arg0: i32, %arg1: memref<1x1000x128xf32, #tpu.memory_space<vmem>>, %arg2: memref<1x1000x128xf32, #tpu.memory_space<vmem>>, %arg3: memref<1x1000x4xf32, #tpu.memory_space<vmem>>, %arg4: memref<1x1000x4xf32, #tpu.memory_space<vmem>>, %arg5: memref<1000x256xf32, #tpu.memory_space<vmem>>, %arg6: memref<4x128xf32, #tpu.memory_space<vmem>>, %arg7: memref<256x256xf32, #tpu.memory_space<vmem>>, %arg8: memref<1x256xf32, #tpu.memory_space<vmem>>, %arg9: memref<1x256xf32, #tpu.memory_space<vmem>>, %arg10: memref<1x256xf32, #tpu.memory_space<vmem>>, %arg11: memref<256x1024xf32, #tpu.memory_space<vmem>>, %arg12: memref<1x1024xf32, #tpu.memory_space<vmem>>, %arg13: memref<1024x256xf32, #tpu.memory_space<vmem>>, %arg14: memref<1x256xf32, #tpu.memory_space<vmem>>, %arg15: memref<1000x256xf32, #tpu.memory_space<vmem>>) attributes {dimension_semantics = [#tpu.dimension_semantics<arbitrary>], iteration_bounds = array<i64: 10>, scalar_prefetch = 0 : i64, scratch_operands = 0 : i64, tpu.core_type = #tpu.core_type<tc>, window_params = [{transform_indices = @transform_0, window_bounds = array<i64: 1, 1000, 128>}, {transform_indices = @transform_1, window_bounds = array<i64: 1, 1000, 128>}, {transform_indices = @transform_2, window_bounds = array<i64: 1, 1000, 4>}, {transform_indices = @transform_3, window_bounds = array<i64: 1, 1000, 4>}, {transform_indices = @transform_4, window_bounds = array<i64: 1000, 256>}, {pipeline_mode = #tpu.pipeline_mode<synchronous>, transform_indices = @transform_5, window_bounds = array<i64: 4, 128>}, {pipeline_mode = #tpu.pipeline_mode<synchronous>, transform_indices = @transform_6, window_bounds = array<i64: 256, 256>}, {pipeline_mode = #tpu.pipeline_mode<synchronous>, transform_indices = @transform_7, window_bounds = array<i64: 1, 256>}, {pipeline_mode = #tpu.pipeline_mode<synchronous>, transform_indices = @transform_8, window_bounds = array<i64: 1, 256>}, {pipeline_mode = #tpu.pipeline_mode<synchronous>, transform_indices = @transform_9, window_bounds = array<i64: 1, 256>}, {pipeline_mode = #tpu.pipeline_mode<synchronous>, transform_indices = @transform_10, window_bounds = array<i64: 256, 1024>}, {pipeline_mode = #tpu.pipeline_mode<synchronous>, transform_indices = @transform_11, window_bounds = array<i64: 1, 1024>}, {pipeline_mode = #tpu.pipeline_mode<synchronous>, transform_indices = @transform_12, window_bounds = array<i64: 1024, 256>}, {pipeline_mode = #tpu.pipeline_mode<synchronous>, transform_indices = @transform_13, window_bounds = array<i64: 1, 256>}, {transform_indices = @transform_14, window_bounds = array<i64: 1000, 256>}]} {
    %get3A = arith.constant 0 : index
    %get3A_0 = arith.constant 0 : index
    %get3A_1 = vector.load %arg6[%get3A, %get3A_0] : memref<4x128xf32, #tpu.memory_space<vmem>>, vector<4x128xf32>
    %get3A_2 = arith.constant 0 : index
    %get3A_3 = arith.constant 0 : index
    %get3A_4 = arith.constant 0 : index
    %get3A_5 = vector.load %arg3[%get3A_2, %get3A_3, %get3A_4] : memref<1x1000x4xf32, #tpu.memory_space<vmem>>, vector<1x1000x4xf32>
    %get3A_6 = vector.shape_cast %get3A_5 : vector<1x1000x4xf32> to vector<1000x4xf32>
    %dot_general3A = arith.constant dense<0.000000e+00> : vector<1000x128xf32>
    %dot_general3A_7 = tpu.matmul %get3A_6, %get3A_1, %dot_general3A {dimension_numbers = #tpu.dot_dimension_numbers<[1], [0], [0], [1], [0, 0, 1, 1], [], []>, transpose_lhs_hint = false} : vector<1000x4xf32>, vector<4x128xf32>, vector<1000x128xf32> -> vector<1000x128xf32>
    %get3A_8 = arith.constant 0 : index
    %get3A_9 = arith.constant 0 : index
    %get3A_10 = arith.constant 0 : index
    %get3A_11 = vector.load %arg4[%get3A_8, %get3A_9, %get3A_10] : memref<1x1000x4xf32, #tpu.memory_space<vmem>>, vector<1x1000x4xf32>
    %get3A_12 = vector.shape_cast %get3A_11 : vector<1x1000x4xf32> to vector<1000x4xf32>
    %dot_general3A_13 = arith.constant dense<0.000000e+00> : vector<1000x128xf32>
    %dot_general3A_14 = tpu.matmul %get3A_12, %get3A_1, %dot_general3A_13 {dimension_numbers = #tpu.dot_dimension_numbers<[1], [0], [0], [1], [0, 0, 1, 1], [], []>, transpose_lhs_hint = false} : vector<1000x4xf32>, vector<4x128xf32>, vector<1000x128xf32> -> vector<1000x128xf32>
    %get3A_15 = arith.constant 0 : index
    %get3A_16 = arith.constant 0 : index
    %get3A_17 = arith.constant 0 : index
    %get3A_18 = vector.load %arg1[%get3A_15, %get3A_16, %get3A_17] : memref<1x1000x128xf32, #tpu.memory_space<vmem>>, vector<1x1000x128xf32>
    %get3A_19 = vector.shape_cast %get3A_18 : vector<1x1000x128xf32> to vector<1000x128xf32>
    %add3A = arith.constant 9.99999971E-10 : f32
    %add3A_20 = vector.broadcast %add3A : f32 to vector<1000x128xf32>
    %add3A_21 = arith.addf %dot_general3A_7, %add3A_20 : vector<1000x128xf32>
    %div3A = arith.divf %get3A_19, %add3A_21 : vector<1000x128xf32>
    %get3A_22 = arith.constant 0 : index
    %get3A_23 = arith.constant 0 : index
    %get3A_24 = arith.constant 0 : index
    %get3A_25 = vector.load %arg2[%get3A_22, %get3A_23, %get3A_24] : memref<1x1000x128xf32, #tpu.memory_space<vmem>>, vector<1x1000x128xf32>
    %get3A_26 = vector.shape_cast %get3A_25 : vector<1x1000x128xf32> to vector<1000x128xf32>
    %add3A_27 = arith.constant 9.99999971E-10 : f32
    %add3A_28 = vector.broadcast %add3A_27 : f32 to vector<1000x128xf32>
    %add3A_29 = arith.addf %dot_general3A_14, %add3A_28 : vector<1000x128xf32>
    %div3A_30 = arith.divf %get3A_26, %add3A_29 : vector<1000x128xf32>
    %concatenate3A = tpu.concatenate %div3A, %div3A_30 in 1 : vector<1000x128xf32>, vector<1000x128xf32> -> vector<1000x256xf32>
    %get3A_31 = arith.constant 0 : index
    %get3A_32 = arith.constant 0 : index
    %get3A_33 = vector.load %arg7[%get3A_31, %get3A_32] : memref<256x256xf32, #tpu.memory_space<vmem>>, vector<256x256xf32>
    %dot_general3A_34 = arith.constant dense<0.000000e+00> : vector<1000x256xf32>
    %dot_general3A_35 = tpu.matmul %concatenate3A, %get3A_33, %dot_general3A_34 {dimension_numbers = #tpu.dot_dimension_numbers<[1], [0], [0], [1], [0, 0, 1, 1], [], []>, transpose_lhs_hint = false} : vector<1000x256xf32>, vector<256x256xf32>, vector<1000x256xf32> -> vector<1000x256xf32>
    %get3A_36 = arith.constant 0 : index
    %get3A_37 = arith.constant 0 : index
    %get3A_38 = vector.load %arg8[%get3A_36, %get3A_37] : memref<1x256xf32, #tpu.memory_space<vmem>>, vector<1x256xf32>
    %add3A_39 = vector.broadcast %get3A_38 : vector<1x256xf32> to vector<1000x256xf32>
    %add3A_40 = arith.addf %dot_general3A_35, %add3A_39 : vector<1000x256xf32>
    %get3A_41 = arith.constant 0 : index
    %get3A_42 = arith.constant 0 : index
    %get3A_43 = vector.load %arg5[%get3A_41, %get3A_42] : memref<1000x256xf32, #tpu.memory_space<vmem>>, vector<1000x256xf32>
    %add3A_44 = arith.addf %add3A_40, %get3A_43 : vector<1000x256xf32>
    %reduce_sum3A = arith.constant dense<0.000000e+00> : vector<1000xf32>
    %reduce_sum3A_45 = vector.multi_reduction <add>, %add3A_44, %reduce_sum3A [1] : vector<1000x256xf32> to vector<1000xf32>
    %broadcast_in_dim3A = vector.shape_cast %reduce_sum3A_45 : vector<1000xf32> to vector<1000x1xf32>
    %div3A_46 = arith.constant 2.560000e+02 : f32
    %div3A_47 = vector.broadcast %div3A_46 : f32 to vector<1000x1xf32>
    %div3A_48 = arith.divf %broadcast_in_dim3A, %div3A_47 : vector<1000x1xf32>
    %sub3A = vector.broadcast %div3A_48 : vector<1000x1xf32> to vector<1000x256xf32>
    %sub3A_49 = arith.subf %add3A_44, %sub3A : vector<1000x256xf32>
    %integer_pow3A = arith.mulf %sub3A_49, %sub3A_49 : vector<1000x256xf32>
    %reduce_sum3A_50 = arith.constant dense<0.000000e+00> : vector<1000xf32>
    %reduce_sum3A_51 = vector.multi_reduction <add>, %integer_pow3A, %reduce_sum3A_50 [1] : vector<1000x256xf32> to vector<1000xf32>
    %broadcast_in_dim3A_52 = vector.shape_cast %reduce_sum3A_51 : vector<1000xf32> to vector<1000x1xf32>
    %div3A_53 = arith.constant 2.560000e+02 : f32
    %div3A_54 = vector.broadcast %div3A_53 : f32 to vector<1000x1xf32>
    %div3A_55 = arith.divf %broadcast_in_dim3A_52, %div3A_54 : vector<1000x1xf32>
    %sub3A_56 = vector.broadcast %div3A_48 : vector<1000x1xf32> to vector<1000x256xf32>
    %sub3A_57 = arith.subf %add3A_44, %sub3A_56 : vector<1000x256xf32>
    %add3A_58 = arith.constant 9.99999974E-6 : f32
    %add3A_59 = vector.broadcast %add3A_58 : f32 to vector<1000x1xf32>
    %add3A_60 = arith.addf %div3A_55, %add3A_59 : vector<1000x1xf32>
    %sqrt3A = math.sqrt %add3A_60 : vector<1000x1xf32>
    %div3A_61 = vector.broadcast %sqrt3A : vector<1000x1xf32> to vector<1000x256xf32>
    %div3A_62 = arith.divf %sub3A_57, %div3A_61 : vector<1000x256xf32>
    %get3A_63 = arith.constant 0 : index
    %get3A_64 = arith.constant 0 : index
    %get3A_65 = vector.load %arg9[%get3A_63, %get3A_64] : memref<1x256xf32, #tpu.memory_space<vmem>>, vector<1x256xf32>
    %mul3A = vector.broadcast %get3A_65 : vector<1x256xf32> to vector<1000x256xf32>
    %mul3A_66 = arith.mulf %div3A_62, %mul3A : vector<1000x256xf32>
    %get3A_67 = arith.constant 0 : index
    %get3A_68 = arith.constant 0 : index
    %get3A_69 = vector.load %arg10[%get3A_67, %get3A_68] : memref<1x256xf32, #tpu.memory_space<vmem>>, vector<1x256xf32>
    %add3A_70 = vector.broadcast %get3A_69 : vector<1x256xf32> to vector<1000x256xf32>
    %add3A_71 = arith.addf %mul3A_66, %add3A_70 : vector<1000x256xf32>
    %get3A_72 = arith.constant 0 : index
    %get3A_73 = arith.constant 0 : index
    %get3A_74 = vector.load %arg11[%get3A_72, %get3A_73] : memref<256x1024xf32, #tpu.memory_space<vmem>>, vector<256x1024xf32>
    %dot_general3A_75 = arith.constant dense<0.000000e+00> : vector<1000x1024xf32>
    %dot_general3A_76 = tpu.matmul %add3A_71, %get3A_74, %dot_general3A_75 {dimension_numbers = #tpu.dot_dimension_numbers<[1], [0], [0], [1], [0, 0, 1, 1], [], []>, transpose_lhs_hint = false} : vector<1000x256xf32>, vector<256x1024xf32>, vector<1000x1024xf32> -> vector<1000x1024xf32>
    %get3A_77 = arith.constant 0 : index
    %get3A_78 = arith.constant 0 : index
    %get3A_79 = vector.load %arg12[%get3A_77, %get3A_78] : memref<1x1024xf32, #tpu.memory_space<vmem>>, vector<1x1024xf32>
    %add3A_80 = vector.broadcast %get3A_79 : vector<1x1024xf32> to vector<1000x1024xf32>
    %add3A_81 = arith.addf %dot_general3A_76, %add3A_80 : vector<1000x1024xf32>
    %gt3A = arith.constant 0.000000e+00 : f32
    %gt3A_82 = vector.broadcast %gt3A : f32 to vector<1000x1024xf32>
    %gt3A_83 = arith.cmpf ogt, %add3A_81, %gt3A_82 : vector<1000x1024xf32>
    %gt3A_84 = arith.constant 0.000000e+00 : f32
    %gt3A_85 = vector.broadcast %gt3A_84 : f32 to vector<1000x1024xf32>
    %gt3A_86 = arith.cmpf ogt, %add3A_81, %gt3A_85 : vector<1000x1024xf32>
    %jit3A = arith.constant 0.000000e+00 : f32
    %broadcast_in_dim3A_87 = vector.broadcast %jit3A : f32 to vector<1000x1024xf32>
    %select_n3A = arith.select %gt3A_86, %broadcast_in_dim3A_87, %add3A_81 : vector<1000x1024xi1>, vector<1000x1024xf32>
    %exp3A = math.exp %select_n3A : vector<1000x1024xf32>
    %sub3A_88 = arith.constant 1.000000e+00 : f32
    %sub3A_89 = vector.broadcast %sub3A_88 : f32 to vector<1000x1024xf32>
    %sub3A_90 = arith.subf %exp3A, %sub3A_89 : vector<1000x1024xf32>
    %select_n3A_91 = arith.select %gt3A_83, %add3A_81, %sub3A_90 : vector<1000x1024xi1>, vector<1000x1024xf32>
    %get3A_92 = arith.constant 0 : index
    %get3A_93 = arith.constant 0 : index
    %get3A_94 = vector.load %arg13[%get3A_92, %get3A_93] : memref<1024x256xf32, #tpu.memory_space<vmem>>, vector<1024x256xf32>
    %dot_general3A_95 = arith.constant dense<0.000000e+00> : vector<1000x256xf32>
    %dot_general3A_96 = tpu.matmul %select_n3A_91, %get3A_94, %dot_general3A_95 {dimension_numbers = #tpu.dot_dimension_numbers<[1], [0], [0], [1], [0, 0, 1, 1], [], []>, transpose_lhs_hint = false} : vector<1000x1024xf32>, vector<1024x256xf32>, vector<1000x256xf32> -> vector<1000x256xf32>
    %get3A_97 = arith.constant 0 : index
    %get3A_98 = arith.constant 0 : index
    %get3A_99 = vector.load %arg14[%get3A_97, %get3A_98] : memref<1x256xf32, #tpu.memory_space<vmem>>, vector<1x256xf32>
    %add3A_100 = vector.broadcast %get3A_99 : vector<1x256xf32> to vector<1000x256xf32>
    %add3A_101 = arith.addf %dot_general3A_96, %add3A_100 : vector<1000x256xf32>
    %gt3A_102 = arith.constant 0.000000e+00 : f32
    %gt3A_103 = vector.broadcast %gt3A_102 : f32 to vector<1000x256xf32>
    %gt3A_104 = arith.cmpf ogt, %add3A_101, %gt3A_103 : vector<1000x256xf32>
    %gt3A_105 = arith.constant 0.000000e+00 : f32
    %gt3A_106 = vector.broadcast %gt3A_105 : f32 to vector<1000x256xf32>
    %gt3A_107 = arith.cmpf ogt, %add3A_101, %gt3A_106 : vector<1000x256xf32>
    %jit3A_108 = arith.constant 0.000000e+00 : f32
    %broadcast_in_dim3A_109 = vector.broadcast %jit3A_108 : f32 to vector<1000x256xf32>
    %select_n3A_110 = arith.select %gt3A_107, %broadcast_in_dim3A_109, %add3A_101 : vector<1000x256xi1>, vector<1000x256xf32>
    %exp3A_111 = math.exp %select_n3A_110 : vector<1000x256xf32>
    %sub3A_112 = arith.constant 1.000000e+00 : f32
    %sub3A_113 = vector.broadcast %sub3A_112 : f32 to vector<1000x256xf32>
    %sub3A_114 = arith.subf %exp3A_111, %sub3A_113 : vector<1000x256xf32>
    %select_n3A_115 = arith.select %gt3A_104, %add3A_101, %sub3A_114 : vector<1000x256xi1>, vector<1000x256xf32>
    %add3A_116 = arith.addf %select_n3A_115, %add3A_71 : vector<1000x256xf32>
    %swap3A = arith.constant 0 : index
    %swap3A_117 = arith.constant 0 : index
    %swap3A_118 = vector.load %arg15[%swap3A, %swap3A_117] : memref<1000x256xf32, #tpu.memory_space<vmem>>, vector<1000x256xf32>
    tpu.vector_store %arg15[%swap3A, %swap3A_117], %add3A_116 {strides = array<i32>} : memref<1000x256xf32, #tpu.memory_space<vmem>>, vector<1000x256xf32>,
    return
  }
  func.func @transform_0(%arg0: i32) -> (i32, i32, i32) {
    %c0_i32 = arith.constant 0 : i32
    %c0_i32_0 = arith.constant 0 : i32
    %c0_i32_1 = arith.constant 0 : i32
    return %c0_i32, %arg0, %c0_i32_0 : i32, i32, i32
  }
  func.func @transform_1(%arg0: i32) -> (i32, i32, i32) {
    %c1_i32 = arith.constant 1 : i32
    %c0_i32 = arith.constant 0 : i32
    %c0_i32_0 = arith.constant 0 : i32
    return %c1_i32, %arg0, %c0_i32 : i32, i32, i32
  }
  func.func @transform_2(%arg0: i32) -> (i32, i32, i32) {
    %c0_i32 = arith.constant 0 : i32
    %c0_i32_0 = arith.constant 0 : i32
    %c0_i32_1 = arith.constant 0 : i32
    return %c0_i32, %arg0, %c0_i32_0 : i32, i32, i32
  }
  func.func @transform_3(%arg0: i32) -> (i32, i32, i32) {
    %c1_i32 = arith.constant 1 : i32
    %c0_i32 = arith.constant 0 : i32
    %c0_i32_0 = arith.constant 0 : i32
    return %c1_i32, %arg0, %c0_i32 : i32, i32, i32
  }
  func.func @transform_4(%arg0: i32) -> (i32, i32) {
    %c0_i32 = arith.constant 0 : i32
    %c0_i32_0 = arith.constant 0 : i32
    return %arg0, %c0_i32 : i32, i32
  }
  func.func @transform_5(%arg0: i32) -> (i32, i32) {
    %c0_i32 = arith.constant 0 : i32
    %c0_i32_0 = arith.constant 0 : i32
    %c0_i32_1 = arith.constant 0 : i32
    return %c0_i32, %c0_i32_0 : i32, i32
  }
  func.func @transform_6(%arg0: i32) -> (i32, i32) {
    %c0_i32 = arith.constant 0 : i32
    %c0_i32_0 = arith.constant 0 : i32
    %c0_i32_1 = arith.constant 0 : i32
    return %c0_i32, %c0_i32_0 : i32, i32
  }
  func.func @transform_7(%arg0: i32) -> (i32, i32) {
    %c0_i32 = arith.constant 0 : i32
    %c0_i32_0 = arith.constant 0 : i32
    %c0_i32_1 = arith.constant 0 : i32
    return %c0_i32, %c0_i32_0 : i32, i32
  }
  func.func @transform_8(%arg0: i32) -> (i32, i32) {
    %c0_i32 = arith.constant 0 : i32
    %c0_i32_0 = arith.constant 0 : i32
    %c0_i32_1 = arith.constant 0 : i32
    return %c0_i32, %c0_i32_0 : i32, i32
  }
  func.func @transform_9(%arg0: i32) -> (i32, i32) {
    %c0_i32 = arith.constant 0 : i32
    %c0_i32_0 = arith.constant 0 : i32
    %c0_i32_1 = arith.constant 0 : i32
    return %c0_i32, %c0_i32_0 : i32, i32
  }
  func.func @transform_10(%arg0: i32) -> (i32, i32) {
    %c0_i32 = arith.constant 0 : i32
    %c0_i32_0 = arith.constant 0 : i32
    %c0_i32_1 = arith.constant 0 : i32
    return %c0_i32, %c0_i32_0 : i32, i32
  }
  func.func @transform_11(%arg0: i32) -> (i32, i32) {
    %c0_i32 = arith.constant 0 : i32
    %c0_i32_0 = arith.constant 0 : i32
    %c0_i32_1 = arith.constant 0 : i32
    return %c0_i32, %c0_i32_0 : i32, i32
  }
  func.func @transform_12(%arg0: i32) -> (i32, i32) {
    %c0_i32 = arith.constant 0 : i32
    %c0_i32_0 = arith.constant 0 : i32
    %c0_i32_1 = arith.constant 0 : i32
    return %c0_i32, %c0_i32_0 : i32, i32
  }
  func.func @transform_13(%arg0: i32) -> (i32, i32) {
    %c0_i32 = arith.constant 0 : i32
    %c0_i32_0 = arith.constant 0 : i32
    %c0_i32_1 = arith.constant 0 : i32
    return %c0_i32, %c0_i32_0 : i32, i32
  }
  func.func @transform_14(%arg0: i32) -> (i32, i32) {
    %c0_i32 = arith.constant 0 : i32
    %c0_i32_0 = arith.constant 0 : i32
    return %arg0, %c0_i32 : i32, i32
  }
}

</mosaic_0001>

<sc_bundles>
// kernel: kernel.5.cloned.1.call-start
scs
__scs_entry_jumppad:
0x0: {  	(pc) =	sbr.rel $0x88, $3  }
0x1: {  	(tag) =	ssettag $0x0;
	lr =	simm.s32 $0x1  }
0x2: {  	[smem:$0x3F94] =	sst lr;
	_ =	strace $0xD0000000  }
0x3: {  	_ = 	snop  }
0x4: {  	_ = 	snop  }
0x5: {  	_ = 	snop  }
0x6: {  	_ = 	snop  }
0x7: {  	_ = 	snop  }
__scs_overlays_trampoline_lowered:
0x8: {  	[smem:$0x3FA3] =	sst s0  }
0x9: {  	[smem:$0x3FA4] =	sst s1  }
0xa: {  	[smem:$0x3FA5] =	sst s2  }
0xb: {  	[smem:$0x3FA6] =	sst s3  }
0xc: {  	[smem:$0x3FA7] =	sst s4  }
0xd: {  	[smem:$0x3FA8] =	sst s5  }
0xe: {  	[smem:$0x3FA9] =	sst s6  }
0xf: {  	[smem:$0x3FAA] =	sst s7  }
0x10: {  	[smem:$0x3FAB] =	sst s8  }
0x11: {  	[smem:$0x3FAC] =	sst s9;
	s0 =	simm.s32 @!p0 $0x0  }
0x12: {  	s1 =	sld [smem:$0x3F92];
	s0 =	simm.s32 @p0 $0x1  }
0x13: {  	[smem:$0x3FAD] =	sst s0;
	s0 =	simm.s32 @!p1 $0x0  }
0x14: {  	s2 =	sld [smem:$0x3F91];
	s0 =	simm.s32 @p1 $0x1  }
0x15: {  	[smem:$0x3FAE] =	sst s0;
	s0 =	simm.s32 @!p2 $0x0  }
0x16: {  	s3 =	sld [smem:$0x3FDB];
	s0 =	simm.s32 @p2 $0x1  }
0x17: {  	s4 =	simm.s32 $0x1BF5;
	[smem:$0x3FB0] =	sst s0  }
0x18: {  	s0 =	sld [smem:$0x3F93];
	_ =	swait.ge [sflag:s4], $0x0  }
0x19: {  	s7 =	sld [smem:$0x3F94]  }
0x1a: {  	s8 =	sadd.s32 $0xFFFFE003, lr  }
0x1b: {  	s9 =	sadd.s32 $0xFFFFFEF7, lr;
	s5 =	simm.s32 $0xFFFFFFFF;
	p2 =	slt.u32 s8, $0xFFFFF086  }
0x1c: {  	p1 =	slt.u32 s9, $0xF7A;
	s5 =	simm.s32 @!p2 $0x0  }
0x1d: {  	s5 =	simm.s32 @p1 $0x1;
	p0 =	seq.s32 s7, s2  }
0x1e: {  	s7 =	smul.u32 @!p0 $0xF7A, s2;
	p2 =	seq.s32 @!p0 s5, $0x0  }
0x1f: {  	s9 =	smul.u32 $0xF7A, s1;
	s8 =	simm.s32 @!p0 $0x1BF5;
	p2 =	por !p2, p0  }
0x20: {  	[sflag:s8] =	ssyncset.s32 @!p0 $0xFFFFF086;
	s6 =	sadd.s32 @!p0 s3, s7;
	s7 =	simm.s32 @!p0 $0x108  }
0x21: {  	s3 =	sadd.s32 s3, s9;
	s6 =	sadd.s32 @!p0 $0x88, s6;
	s7 =	simm.s32 @p2 $0x1082  }
0x22: {  	[simem:s7], [sflag:s8] =	dma.local @!p0 [hbm:s6], $0xF7A  }
0x23: {  	s9 =	sor.u32 $0xD0000000, s2;
	s6 =	simm.s32 $0x108;
	_ =	swait.ge @!p0 [sflag:s8], $0x0  }
0x24: {  	s3 =	sadd.s32 $0x88, s3;
	s6 =	simm.s32 @!p1 $0x1082;
	[sflag:s4] =	ssyncset.s32 $0xFFFFF086  }
0x25: {  	[simem:s6], [sflag:s4] =	dma.local [hbm:s3], $0xF7A  }
0x26: {  	[smem:$0x3F94] =	sst s1;
	(tag) =	ssettag s2;
	_ =	strace s9  }
0x27: {  	s1 =	sld [smem:$0x3FA4]  }
0x28: {  	s2 =	sld [smem:$0x3FA5]  }
0x29: {  	s4 =	sld [smem:$0x3FA7]  }
0x2a: {  	p0 =	seq.s32 s5, $0x0;
	s5 =	sld [smem:$0x3FA8]  }
0x2b: {  	s6 =	sld [smem:$0x3FA9]  }
0x2c: {  	s7 =	sld [smem:$0x3FAA]  }
0x2d: {  	s3 =	simm.s32 $0x108;
	s8 =	sld [smem:$0x3FAB]  }
0x2e: {  	s3 =	simm.s32 @!p0 $0x1082;
	s9 =	sld [smem:$0x3FAC]  }
0x2f: {  	lr =	sadd.s32 s0, s3;
	s0 =	sld [smem:$0x3FA3]  }
0x30: {  	s3 =	sld [smem:$0x3FA6]  }
0x31: {  	[smem:$0x3FAF] =	sst s10  }
0x32: {  	s10 =	sld [smem:$0x3FAD];
	_ =	sdelay $0x3  }
0x33: {  	p0 =	seq.s32 s10, $0x1;
	s10 =	sld [smem:$0x3FAF];
	_ =	sdelay $0x3  }
0x34: {  	[smem:$0x3FAF] =	sst s10  }
0x35: {  	s10 =	sld [smem:$0x3FAE];
	_ =	sdelay $0x3  }
0x36: {  	p1 =	seq.s32 s10, $0x1;
	s10 =	sld [smem:$0x3FAF];
	_ =	sdelay $0x3  }
0x37: {  	[smem:$0x3FAF] =	sst s10  }
0x38: {  	s10 =	sld [smem:$0x3FB0]  }
0x39: {  	_ = 	snop;
	(pc) =	sbr.ind lr, $3  }
0x3a: {  	_ = 	snop  }
0x3b: {  	_ = 	snop  }
0x3c: {  	p2 =	seq.s32 s10, $0x1;
	s10 =	sld [smem:$0x3FAF]  }
0x3d: {  	_ =	shalt  }
0x3e: {  	_ =	shalt  }
0x3f: {  	_ =	shalt  }
0x40: {  	_ =	shalt  }
0x41: {  	_ =	shalt  }
0x42: {  	_ =	shalt  }
0x43: {  	_ =	shalt  }
0x44: {  	_ =	shalt  }
0x45: {  	_ =	shalt  }
0x46: {  	_ =	shalt  }
0x47: {  	_ =	shalt  }
0x48: {  	_ =	shalt  }
0x49: {  	_ =	shalt  }
0x4a: {  	_ =	shalt  }
0x4b: {  	_ =	shalt  }
0x4c: {  	_ =	shalt  }
0x4d: {  	_ =	shalt  }
0x4e: {  	_ =	shalt  }
0x4f: {  	_ =	shalt  }
0x50: {  	_ =	shalt  }
0x51: {  	_ =	shalt  }
0x52: {  	_ =	shalt  }
0x53: {  	_ =	shalt  }
0x54: {  	_ =	shalt  }
0x55: {  	_ =	shalt  }
0x56: {  	_ =	shalt  }
0x57: {  	_ =	shalt  }
0x58: {  	_ =	shalt  }
0x59: {  	_ =	shalt  }
0x5a: {  	_ =	shalt  }
0x5b: {  	_ =	shalt  }
0x5c: {  	_ =	shalt  }
0x5d: {  	_ =	shalt  }
0x5e: {  	_ =	shalt  }
0x5f: {  	_ =	shalt  }
0x60: {  	_ =	shalt  }
0x61: {  	_ =	shalt  }
0x62: {  	_ =	shalt  }
0x63: {  	_ =	shalt  }
0x64: {  	_ =	shalt  }
0x65: {  	_ =	shalt  }
0x66: {  	_ =	shalt  }
0x67: {  	_ =	shalt  }
0x68: {  	_ =	shalt  }
0x69: {  	_ =	shalt  }
0x6a: {  	_ =	shalt  }
0x6b: {  	_ =	shalt  }
0x6c: {  	_ =	shalt  }
0x6d: {  	_ =	shalt  }
0x6e: {  	_ =	shalt  }
0x6f: {  	_ =	shalt  }
0x70: {  	_ =	shalt  }
0x71: {  	_ =	shalt  }
0x72: {  	_ =	shalt  }
0x73: {  	_ =	shalt  }
0x74: {  	_ =	shalt  }
0x75: {  	_ =	shalt  }
0x76: {  	_ =	shalt  }
0x77: {  	_ =	shalt  }
0x78: {  	_ =	shalt  }
0x79: {  	_ =	shalt  }
0x7a: {  	_ =	shalt  }
0x7b: {  	_ =	shalt  }
0x7c: {  	_ =	shalt  }
0x7d: {  	_ =	shalt  }
0x7e: {  	_ =	shalt  }
0x7f: {  	_ =	shalt  }
0x80: {  	_ =	shalt  }
0x81: {  	_ =	shalt  }
0x82: {  	_ =	shalt  }
0x83: {  	_ =	shalt  }
0x84: {  	_ =	shalt  }
0x85: {  	_ =	shalt  }
0x86: {  	_ =	shalt  }
0x87: {  	_ =	shalt  }
.Lfunc_end0:
.L_simem_size_0:
called_computation_lowered:
.L_overlay_start_0:
0x88: {  	s2 =	sld [smem:$0x3FD9]  }
0x89: {  	s3 =	sld [smem:$0x3FFE];
	_ =	sdelay $0x1  }
0x8a: {  	s1 =	srdreg.scid  }
0x8b: {  	s0 =	sand.u32 $0x1, s1  }
0x8c: {  	s17 =	sshll.u32 s0, $0xA;
	s2 =	sadd.s32 s3, s2  }
0x8d: {  	s2 =	sadd.s32 s2, s17  }
0x8e: {  	[smem:$0x3FBB] =	sst s2  }
0x8f: {  	_ = 	snop  }
0x90: {  	s2 =	sld [smem:$0x3FD0];
	(tm) =	ssettm $0x1  }
0x91: {  	s18 =	sld [smem:$0x3FFB];
	_ =	sdelay $0x3  }
0x92: {  	_ =	strace s18  }
0x93: {  	s3 =	sld [smem:$0x3FFC];
	_ =	sdelay $0x3  }
0x94: {  	_ =	strace s3  }
0x95: {  	s3 =	sld [smem:$0x3FFD];
	_ =	sdelay $0x3  }
0x96: {  	_ =	strace s3  }
0x97: {  	_ =	strace $0x8FFFFFFF  }
0x98: {  	s19 =	sld [smem:$0x3FDB];
	_ =	sdelay $0x1  }
0x99: {  	s4 =	simm.s32 $_scs_section_size  }
0x9a: {  	s5 =	simm.s32 $_size__tile_overlayer_lowered;
	s6 =	simm.s32 $_tile_overlayer_lowered  }
0x9b: {  	s22 =	simm.s32 $0x1BFF;
	s21 =	sshll.u32 s6, $0x1;
	s3 =	sadd.s32 s4, s19  }
0x9c: {  	s7 =	simm.s32 $0x0;
	s20 =	sshll.u32 s5, $0x1;
	s5 =	sadd.s32 s21, s3  }
0x9d: {  	[timem:s7], [sflag:s22] =	dma.local [hbm:s5], s20  }
0x9e: {  	_ =	swait.ge [sflag:s22], s20  }
0x9f: {  	s4 =	ssub.s32 $0x0, s20;
	[sflag:s22] =	ssyncset.done $0x0  }
0xa0: {  	[sflag:s22] =	ssyncadd.s32 s4;
	_ =	sdelay $0x1  }
0xa1: {  	s23 =	simm.s32 $0x1B8B  }
0xa2: {  	_ =	swait.ge [sflag:s23], $0x1  }
0xa3: {  	[sflag:s23] =	ssyncset.done $0x0  }
0xa4: {  	s25 =	simm.s32 $0x1B8E;
	s24 =	sld [smem:$0x3FFE];
	[sflag:s23] =	ssyncadd.s32 $0xFFFFFFFF  }
0xa5: {  	s26 =	simm.s32 $execute0_lowered;
	[smem:$0x3FD2] =	sst s25  }
0xa6: {  	s5 =	sshll.u32 s26, $0x1;
	_ =	strace $0x80000046;
	[dreg:$0x1] =	wrdreg $0xFFFFFFFF  }
0xa7: {  	s28 =	simm.s32 $_size_execute0_lowered;
	s3 =	sadd.s32 s3, s5;
	[dreg:$0x0] =	wrdreg $0x0  }
0xa8: {  	s5 =	sshll.u32 s28, $0x1;
	[dreg:$0x2] =	wrdreg s3  }
0xa9: {  	[dreg:$0x3] =	wrdreg s5  }
0xaa: {  	[dreg:$0x4] =	wrdreg $0xC0  }
0xab: {  	_ =	task [dreg:s7], $0x5FFFF  }
0xac: {  	[dreg:$0x1] =	wrdreg $0xFFFFFFFF  }
0xad: {  	[dreg:$0x0] =	wrdreg $0x60  }
0xae: {  	[dreg:$0x2] =	wrdreg s2  }
0xaf: {  	[dreg:$0x3] =	wrdreg s24  }
0xb0: {  	[dreg:$0x4] =	wrdreg $0xA5000  }
0xb1: {  	[dreg:$0x5] =	wrdreg $0x1E5000  }
0xb2: {  	[dreg:$0x6] =	wrdreg $0x9  }
0xb3: {  	_ =	task.clear_ibuf [dreg:s7], $0x7FFFF;
	_ =	strace $0x90000046  }
0xb4: {  	s29 =	simm.s32 $0x9;
	_ =	strace $0x80000048  }
0xb5: {  	_ =	swait.ge [sflag:s29], $0x1  }
0xb6: {  	[sflag:s29] =	ssyncadd.s32 $0xFFFFFFFF  }
0xb7: {  	_ =	strace $0x90000048  }
0xb8: {  	_ =	sfence  }
0xb9: {  	s30 =	sld [smem:$0x0];
	_ =	sdelay $0x2  }
0xba: {  	s31 =	sshll.u32 s1, $0xD;
	s1 =	sshrl.u32 s1, $0x2  }
0xbb: {  	s3 =	sand.u32 $0x4000, s31;
	s1 =	sadd.s32 s1, s30  }
0xbc: {  	s0 =	sor.u32 s3, s0;
	s1 =	sshll.u32 s1, $0x11  }
0xbd: {  	s0 =	sor.u32 s1, s0  }
0xbe: {  	s0 =	sadd.s32 $0x8F2B, s0  }
0xbf: {  	[sflag:s0] =	ssyncadd.remote.s32 $0x1  }
0xc0: {  	_ =	sfence.sel $0xFFFF  }
0xc1: {  	[dreg:$0x0] =	wrdreg $0xFFFFFFFF;
	(pc) =	sbr.abs _section_cstart, $3  }
0xc2: {  	[dreg:$0x1] =	wrdreg $0xFFFFFFFF  }
0xc3: {  	_ =	task.clear_ibuf [dreg:s7], $0x2FFFF;
	_ =	strace $0x9FFFFFFF  }
0xc4: {  	(tm) =	ssettm $0x7FFFFFFF  }
0xc5: {  	_ =	shalt  }
tec
execute0_lowered:
.L_overlay_start_1:
0x0: {  	(tag) =	ssettag $0x1  }
0x1: {  	s2 =	rddreg [dreg:$0x1]  }
0x2: {  	s31 =	rddreg [dreg:$0x2]  }
0x3: {  	s1 =	rddreg [dreg:$0x3];
	s0 =	srdreg.scid  }
0x4: {  	s11 =	stileid.u32;
	s4 =	simm.s32 $0x0;
	s0 =	sand.u32 $0x1, s0  }
0x5: {  	s3 =	smul.u32 $0x14000, s11;
	[smem:$0x7FF] =	sst s4;
	s12 =	sadd.s32 $0x1800, s2  }
0x6: {  	s13 =	sadd.s32 $0x6800, s2;
	s6 =	sadd.s32 $0x16200, s2;
	s9 =	smul.u32 $0x50000, s11  }
0x7: {  	s7 =	sshll.u32 s11, $0xC;
	s16 =	smul.u32 $0x2710, s11;
	s18 =	sshll.u32 s11, $0x6  }
0x8: {  	s19 =	smul.u32 $0x7D00, s11;
	s20 =	sshll.u32 s11, $0x9;
	p0 =	sgt.u32 s11, $0x9  }
0x9: {  	s11 =	simm.s32 $0x9100;
	s10 =	smul.u32 $0x140000, s0;
	_ =	strace $0x80000047  }
0xa: {  	s5 =	smul.u32 $0xA000, s0;
	s8 =	ssub.s32 $0x2, s0;
	[dreg:$0x6] =	wrdreg s13  }
0xb: {  	s17 =	sor.u32 $0x1C0B, s18;
	s21 =	sadd.s32 s6, s20;
	[dreg:$0x5] =	wrdreg s12  }
0xc: {  	s20 =	simm.s32 $0x4;
	s15 =	sshrl.u32 s9, $0x2;
	[dreg:$0xb] =	wrdreg s21  }
0xd: {  	[dreg:$0x9] =	wrdreg s19;
	s22 =	sshrl.u32 s19, $0x3;
	s23 =	sadd.s32 $0x28, s16  }
0xe: {  	[dreg:$0x7] =	wrdreg s16;
	s9 =	sshrl.u32 s16, $0x3;
	s16 =	simm.s32 $0x7D00  }
0xf: {  	s19 =	simm.s32 $0x7;
	s21 =	simm.s32 $0x480;
	[dreg:$0xa] =	wrdreg s17  }
0x10: {  	s4 =	sadd.s32 s3, s10;
	s5 =	sadd.s32 s7, s5;
	s10 =	sshrl.u32 s8, $0x1  }
0x11: {  	s3 =	sshrl.u32 s3, $0x3;
	s24 =	sadd.s32 s13, s22;
	s25 =	sshrl.u32 s23, $0x3  }
0x12: {  	s26 =	sadd.s32 s12, s9;
	s13 =	simm.s32 $0x9;
	s22 =	simm.s32 $0x6  }
0x13: {  	s4 =	sshrl.u32 s4, $0x3;
	s5 =	sshrl.u32 s5, $0x3;
	s14 =	ssub.s32 s8, s10  }
0x14: {  	s8 =	sadd.s32 s15, s31;
	s3 =	sadd.s32 s6, s3;
	[dreg:$0xd] =	wrdreg s26  }
0x15: {  	s6 =	sadd.s32 s12, s25;
	[dreg:$0xc] =	wrdreg s24;
	s25 =	simm.s32 $0x2  }
0x16: {  	s26 =	simm.s32 $0x28;
	s12 =	simm.s32 $0x3;
	[dreg:$0x8] =	wrdreg s3  }
0x17: {  	s3 =	sadd.s32 s7, s1;
	[dreg:$0xe] =	wrdreg s6;
	s1 =	sadd.s32 $0x10, s24  }
0x18: {  	s4 =	sadd.s32 s4, s2;
	s30 =	smax.u32 s14, $0x1;
	[dreg:$0xf] =	wrdreg s1  }
0x19: {  	s2 =	sadd.s32 s5, s2;
	s28 =	sadd.s32 $0x40A00, s4;
	[dreg:$0x12] =	wrdreg s30  }
0x1a: {  	s15 =	simm.s32 $0x400;
	s29 =	sadd.s32 $0x3E200, s2;
	[dreg:$0x10] =	wrdreg s28  }
0x1b: {  	vm0 =	vcmask $0x3F20;
	vm1 =	vcmask $0x308;
	vm2 =	vcmask $0x70C;
	s24 =	simm.s32 $0x1;
	s2 =	sshrl.u32 s8, $0x3;
	[dreg:$0x11] =	wrdreg s29  }
0x1c: {  	vm3 =	vcmask $0xB10;
	v2 =	vimm.f32 $0.0e+00;
	v0 =	vmov s0;
	s14 =	simm.s32 $0x5;
	s3 =	sshrl.u32 @!p0 s3, $0x3;
	[dreg:$0x13] =	wrdreg s2  }
0x1d: {  	v3 =	vlaneseq.u32;
	v1 =	vnsel vm0, $0x0, v0;
	vm0 =	vmmov $0x1;
	s5 =	simm.s32 $0x0;
	s4 =	simm.s32 $0xB;
	[dreg:$0x14] =	wrdreg s3  }
.LBB2_1:
0x1e: {  	[dreg:$0x15] =	wrdreg s5  }
0x1f: {  	s0 =	rddreg [dreg:$0x8]  }
0x20: {  	[spmem:s2], [sflag:s17] =	dma.local [hbm:s0], $0x2800  }
0x21: {  	_ =	swait.ge [sflag:s4], $0x2800  }
0x22: {  	[sflag:s4] =	ssyncset.done $0x0  }
0x23: {  	s0 =	rddreg [dreg:$0xb];
	[sflag:s4] =	ssyncadd.s32 $0xFFFFD800  }
0x24: {  	[spmem:s3], [sflag:s17] =	dma.local @!p0 [hbm:s0], $0x200  }
0x25: {  	s0 =	simm.s32 @!p0 $0xB  }
0x26: {  	_ =	swait.ge @!p0 [sflag:s0], $0x200  }
0x27: {  	[sflag:s0] =	ssyncset.done @!p0 $0x0  }
0x28: {  	[sflag:s0] =	ssyncadd.s32 @!p0 $0xFFFFFE00  }
0x29: {  	[bflag:$0x0] =	sbarrier.arrive $0xFFFF  }
0x2a: {  	s1 =	simm.s32 $0x0;
	s5 =	rddreg [dreg:$0xd]  }
0x2b: {  	[tilespmem:s1], [sflag:$0x1] =	stream.linear.gather [hbm4b:s5+s1], $0x28, $0x38;
	[tilespmem:$0x1EF00] =	vst v63  }
0x2c: {  	s7 =	simm.s32 $0x200;
	s6 =	rddreg [dreg:$0xc]  }
0x2d: {  	[tilespmem:s7], [sflag:$0x2] =	stream.linear.gather [hbm4b:s6+s1], $0x80, $0x38;
	[tilespmem:$0x1EF00] =	vst v63  }
0x2e: {  	_ =	swait.ge [sflag:s24], $0x28  }
0x2f: {  	[sflag:s24] =	ssyncset.done $0x0  }
0x30: {  	[sflag:s24] =	ssyncadd.s32 $0xFFFFFFD8  }
0x31: {  	_ =	swait.ge [sflag:s25], $0x80  }
0x32: {  	[sflag:s25] =	ssyncset.done $0x0  }
0x33: {  	[sflag:s25] =	ssyncadd.s32 $0xFFFFFF80  }
0x34: {  	v5 =	vld [tilespmem:$0x10]  }
0x35: {  	v6 =	vld [tilespmem:$0x200]  }
0x36: {  	v7 =	vld [tilespmem:$0x210]  }
0x37: {  	v4 =	vld [tilespmem:$0x0];
	_ =	sdelay $0x2  }
0x38: {  	[tilespmem:$0x400] =	vst v6  }
0x39: {  	v63 =	vld [tilespmem:$0x218];
	v5 =	vadd.s32 v0, v5;
	[tilespmem:$0x410] =	vst v7  }
0x3a: {  	v4 =	vadd.s32 v0, v4;
	v8 =	vshll.u32 v6, $0x1;
	[tilespmem:$0x10] =	vst v5  }
0x3b: {  	[tilespmem:$0x0] =	vst v4;
	v4 =	vor.u32 v0, v8;
	v5 =	vld [tilespmem:$0x18]  }
0x3c: {  	[tilespmem:$0x100] =	vst v4;
	v4 =	vshrl.u32 v6, $0x5  }
0x3d: {  	[tilespmem:$0x300] =	vst v4;
	v4 =	vshll.u32 v7, $0x1  }
0x3e: {  	[tilespmem:$0x418] =	vst v63;
	v4 =	vor.u32 v0, v4  }
0x3f: {  	[tilespmem:$0x110] =	vst v4;
	v4 =	vshrl.u32 v7, $0x5  }
0x40: {  	[tilespmem:$0x310] =	vst v4;
	v4 =	vadd.s32 v1, v5;
	v5 =	vshll.u32 v63, $0x1  }
0x41: {  	[tilespmem:$0x18] =	vst v4;
	v4 =	vor.u32 v0, v5  }
0x42: {  	[tilespmem:$0x118] =	vst v4;
	v4 =	vshrl.u32 v63, $0x5  }
0x43: {  	s9 =	simm.s32 $0x500;
	s8 =	rddreg [dreg:$0x0];
	[tilespmem:$0x318] =	vst v4  }
0x44: {  	[tilespmem:s9], [sflag:$0x3] =	stream.indirect.gather [hbm4b:s8+s26], $0x80, s1, s26, $0xb8;
	[tilespmem:$0x1EF00] =	vst v63  }
0x45: {  	s10 =	simm.s32 $0x100;
	s17 =	simm.s32 $0x2D00  }
0x46: {  	[tilespmem:s17], [sflag:$0x5] =	stream.indirect.gather [hbm4b:s8+s26], $0x80, s10, s26, $0xb8;
	[tilespmem:$0x1EF00] =	vst v63  }
0x47: {  	s23 =	simm.s32 $0x80;
	s18 =	rddreg [dreg:$0xe]  }
0x48: {  	[tilespmem:s23], [sflag:$0x1] =	stream.linear.gather [hbm4b:s18+s1], $0x28, $0x38;
	[tilespmem:$0x1EF00] =	vst v63  }
0x49: {  	s29 =	simm.s32 $0x280;
	s30 =	simm.s32 $0x0;
	s28 =	rddreg [dreg:$0xf]  }
0x4a: {  	[tilespmem:s29], [sflag:$0x2] =	stream.linear.gather [hbm4b:s28+s1], $0x80, $0x38;
	[tilespmem:$0x1EF00] =	vst v63  }
.LBB2_2:
0x4b: {  	p1 =	seq.s32 s30, $0x0  }
0x4c: {  	s0 =	simm.s32 @!p1 $0x8  }
0x4d: {  	_ =	swait.ge @!p1 [sflag:s0], $0x1400  }
0x4e: {  	[sflag:s0] =	ssyncset.done @!p1 $0x0  }
0x4f: {  	[sflag:s0] =	ssyncadd.s32 @!p1 $0xFFFFEC00;
	s0 =	simm.s32 @!p1 $0xA  }
0x50: {  	_ =	swait.ge @!p1 [sflag:s0], $0x1400  }
0x51: {  	[sflag:s0] =	ssyncset.done @!p1 $0x0  }
0x52: {  	[sflag:s0] =	ssyncadd.s32 @!p1 $0xFFFFEC00  }
0x53: {  	_ =	swait.ge [sflag:s24], $0x28  }
0x54: {  	[sflag:s24] =	ssyncset.done $0x0  }
0x55: {  	[sflag:s24] =	ssyncadd.s32 $0xFFFFFFD8  }
0x56: {  	_ =	swait.ge [sflag:s25], $0x80  }
0x57: {  	[sflag:s25] =	ssyncset.done $0x0  }
0x58: {  	[sflag:s25] =	ssyncadd.s32 $0xFFFFFF80  }
0x59: {  	v5 =	vld [tilespmem:$0x90]  }
0x5a: {  	v6 =	vld [tilespmem:$0x280]  }
0x5b: {  	v7 =	vld [tilespmem:$0x290]  }
0x5c: {  	v4 =	vld [tilespmem:$0x80];
	_ =	sdelay $0x2  }
0x5d: {  	[tilespmem:$0x480] =	vst v6  }
0x5e: {  	v63 =	vld [tilespmem:$0x298];
	v5 =	vadd.s32 v0, v5;
	[tilespmem:$0x490] =	vst v7  }
0x5f: {  	v4 =	vadd.s32 v0, v4;
	v8 =	vshll.u32 v6, $0x1;
	[tilespmem:$0x90] =	vst v5  }
0x60: {  	[tilespmem:$0x80] =	vst v4;
	v4 =	vor.u32 v0, v8;
	v5 =	vld [tilespmem:$0x98]  }
0x61: {  	[tilespmem:$0x180] =	vst v4;
	v4 =	vshrl.u32 v6, $0x5  }
0x62: {  	[tilespmem:$0x380] =	vst v4;
	v4 =	vshll.u32 v7, $0x1  }
0x63: {  	[tilespmem:$0x498] =	vst v63;
	v4 =	vor.u32 v0, v4  }
0x64: {  	[tilespmem:$0x190] =	vst v4;
	v4 =	vshrl.u32 v7, $0x5  }
0x65: {  	[tilespmem:$0x390] =	vst v4;
	v4 =	vadd.s32 v1, v5;
	v5 =	vshll.u32 v63, $0x1  }
0x66: {  	[tilespmem:$0x98] =	vst v4;
	v4 =	vor.u32 v0, v5  }
0x67: {  	[tilespmem:$0x198] =	vst v4;
	v4 =	vshrl.u32 v63, $0x5  }
0x68: {  	s2 =	simm.s32 $0x80;
	s3 =	simm.s32 $0x1900;
	s28 =	rddreg [dreg:$0x0];
	[tilespmem:$0x398] =	vst v4  }
0x69: {  	[tilespmem:s3], [sflag:$0x4] =	stream.indirect.gather [hbm4b:s28+s26], $0x80, s2, s26, $0xb8;
	[tilespmem:$0x1EF00] =	vst v63  }
0x6a: {  	s1 =	smov.u32 s31;
	s29 =	simm.s32 $0x180;
	s31 =	simm.s32 $0x4100  }
0x6b: {  	[tilespmem:s31], [sflag:$0x6] =	stream.indirect.gather [hbm4b:s28+s26], $0x80, s29, s26, $0xb8;
	[tilespmem:$0x1EF00] =	vst v63  }
0x6c: {  	_ =	swait.ge [sflag:s12], $0x1400  }
0x6d: {  	s0 =	sshll.u32 s30, $0x1;
	p1 =	seq.s32 s30, $0x7C;
	[sflag:s12] =	ssyncset.done $0x0  }
0x6e: {  	s2 =	sadd.s32 @!p1 $0x2, s0;
	[sflag:s12] =	ssyncadd.s32 $0xFFFFEC00  }
0x6f: {  	s3 =	smul.u32 @!p1 $0x28, s2;
	_ =	swait.ge [sflag:s14], $0x1400  }
0x70: {  	s4 =	rddreg [dreg:$0x7]  }
0x71: {  	s3 =	sadd.s32 @!p1 s4, s3  }
0x72: {  	[sflag:s14] =	ssyncset.done $0x0;
	s4 =	rddreg [dreg:$0x5];
	s3 =	sshrl.u32 @!p1 s3, $0x3  }
0x73: {  	[sflag:s14] =	ssyncadd.s32 $0xFFFFEC00;
	s3 =	sadd.s32 @!p1 s4, s3;
	s4 =	simm.s32 @!p1 $0x0  }
0x74: {  	[tilespmem:s4], [sflag:$0x1] =	stream.linear.gather @!p1 [hbm4b:s3+s4], $0x28, $0x38;
	[tilespmem:$0x1EF00] =	vst v63  }
0x75: {  	s2 =	sshll.u32 @!p1 s2, $0x7;
	s3 =	rddreg [dreg:$0x9]  }
0x76: {  	s2 =	sadd.s32 @!p1 s3, s2  }
0x77: {  	s3 =	rddreg [dreg:$0x6];
	s2 =	sshrl.u32 @!p1 s2, $0x3  }
0x78: {  	s2 =	sadd.s32 @!p1 s3, s2;
	s3 =	simm.s32 @!p1 $0x200  }
0x79: {  	[tilespmem:s3], [sflag:$0x2] =	stream.linear.gather @!p1 [hbm4b:s2+s4], $0x80, $0x38;
	[tilespmem:$0x1EF00] =	vst v63  }
0x7a: {  	s2 =	simm.s32 $0x0  }
.LBB2_3:
0x7b: {  	s7 =	sshll.u32 s2, $0x7  }
0x7c: {  	v5 =	vld [tilespmem:s7+$0x500]  }
0x7d: {  	v6 =	vld [tilespmem:s7+$0x510]  }
0x7e: {  	v7 =	vld [tilespmem:s7+$0x2D00]  }
0x7f: {  	v8 =	vld [tilespmem:s7+$0x2D10]  }
0x80: {  	v18 =	vld [tilespmem:s7+$0x520]  }
0x81: {  	v4 =	vld [tilespmem:s7+$0x530]  }
0x82: {  	v9 =	vld [tilespmem:s7+$0x2D20]  }
0x83: {  	v11 =	vld [tilespmem:s7+$0x2D30]  }
0x84: {  	v16 =	vld [tilespmem:s7+$0x540]  }
0x85: {  	v17 =	vld [tilespmem:s7+$0x550]  }
0x86: {  	v12 =	vld [tilespmem:s7+$0x2D40]  }
0x87: {  	v14 =	vld [tilespmem:s7+$0x2D50]  }
0x88: {  	v15 =	vld [tilespmem:s7+$0x560]  }
0x89: {  	v10 =	vld [tilespmem:s7+$0x570]  }
0x8a: {  	s23 =	sor.u32 $0x1, s2;
	v19 =	vld [tilespmem:s7+$0x2D60]  }
0x8b: {  	v20 =	vld [tilespmem:s7+$0x2D70];
	s6 =	sshll.u32 s23, $0x7  }
0x8c: {  	v30 =	vld [tilespmem:s6+$0x500]  }
0x8d: {  	v13 =	vld [tilespmem:s6+$0x510]  }
0x8e: {  	v21 =	vld [tilespmem:s6+$0x2D00]  }
0x8f: {  	v22 =	vld [tilespmem:s6+$0x2D10];
	v7 =	vmul.f32 v7, v5;
	v8 =	vmul.f32 v8, v6  }
0x90: {  	v45 =	vld [tilespmem:s6+$0x2D20]  }
0x91: {  	v46 =	vld [tilespmem:s6+$0x2D30];
	v7 =	vadd.f32 v8, v7  }
0x92: {  	v47 =	vld [tilespmem:s6+$0x2D40];
	v39 =	vmul.f32 v9, v18;
	v40 =	vmul.f32 v11, v4  }
0x93: {  	v23 =	vld [tilespmem:s6+$0x2D50];
	(xrf2) =	vadd.scan.msk.f32 $0xffff, v7  }
0x94: {  	s9 =	sor.u32 $0x2, s2;
	v24 =	vld [tilespmem:s6+$0x2D60];
	v41 =	vmul.f32 v12, v16;
	v42 =	vmul.f32 v14, v17;
	v7 =	vadd.f32 v40, v39  }
0x95: {  	s28 =	sshll.u32 s9, $0x7;
	v25 =	vld [tilespmem:s6+$0x2D70];
	v43 =	vmul.f32 v19, v15;
	v44 =	vmul.f32 v20, v10  }
0x96: {  	v32 =	vld [tilespmem:s28+$0x510];
	v11 =	vadd.f32 v42, v41;
	(xrf2) =	vadd.scan.msk.f32 $0xffff, v7  }
0x97: {  	v51 =	vld [tilespmem:s28+$0x2D00];
	v7 =	vadd.f32 v44, v43  }
0x98: {  	v26 =	vld [tilespmem:s28+$0x2D10];
	(xrf2) =	vadd.scan.msk.f32 $0xffff, v11  }
0x99: {  	v54 =	vld [tilespmem:s28+$0x2D20];
	(xrf2) =	vadd.scan.msk.f32 $0xffff, v7  }
0x9a: {  	v27 =	vld [tilespmem:s28+$0x2D30]  }
0x9b: {  	v31 =	vld [tilespmem:s28+$0x540];
	v21 =	vmul.f32 v21, v30;
	v22 =	vmul.f32 v22, v13  }
0x9c: {  	v9 =	vld [tilespmem:s6+$0x530]  }
0x9d: {  	v12 =	vld [tilespmem:s6+$0x570];
	v50 =	vadd.f32 v22, v21;
	v48, _, _ =	vpop (xrf2)  }
0x9e: {  	v8 =	vld [tilespmem:s6+$0x520];
	(v2sf) =	vpush v48, $0xF  }
0x9f: {  	v39 =	vld [tilespmem:s6+$0x540];
	(xrf2) =	vadd.scan.msk.f32 $0xffff, v50  }
0xa0: {  	v11 =	vld [tilespmem:s6+$0x550];
	v49, _, _ =	vpop (xrf2)  }
0xa1: {  	v40 =	vld [tilespmem:s6+$0x560];
	(v2sf) =	vpush v49, $0xF  }
0xa2: {  	v28 =	vld [tilespmem:s28+$0x2D40];
	v52, _, _ =	vpop (xrf2)  }
0xa3: {  	v42 =	vld [tilespmem:s28+$0x500];
	(v2sf) =	vpush v52, $0xF;
	v53, _, _ =	vpop (xrf2)  }
0xa4: {  	v57 =	vld [tilespmem:s28+$0x2D50];
	v20 =	vmul.f32 v46, v9;
	v19 =	vmul.f32 v45, v8;
	(v2sf) =	vpush v53, $0xF  }
0xa5: {  	v14 =	vld [tilespmem:s28+$0x530];
	v7 =	vmul.f32 v47, v39;
	v23 =	vmul.f32 v23, v11  }
0xa6: {  	v25 =	vmul.f32 v25, v12;
	v43 =	vld [tilespmem:s28+$0x520];
	v19 =	vadd.f32 v20, v19;
	v24 =	vmul.f32 v24, v40  }
0xa7: {  	v20 =	vld [tilespmem:s28+$0x550];
	v7 =	vadd.f32 v23, v7  }
0xa8: {  	s17 =	sor.u32 $0x3, s2;
	v62 =	vld [tilespmem:s28+$0x2D60];
	v56 =	vmul.f32 v26, v32;
	v55 =	vmul.f32 v51, v42;
	v25 =	vadd.f32 v25, v24;
	(xrf2) =	vadd.scan.msk.f32 $0xffff, v19  }
0xa9: {  	s29 =	sshll.u32 s17, $0x7;
	v63 =	vld [tilespmem:s28+$0x2D70];
	(xrf2) =	vadd.scan.msk.f32 $0xffff, v7;
	v59, _, _ =	vpop (xrf2)  }
0xaa: {  	v35 =	vld [tilespmem:s29+$0x520];
	v58 =	vadd.f32 v56, v55;
	(xrf2) =	vadd.scan.msk.f32 $0xffff, v25;
	(v2sf) =	vpush v59, $0xF  }
0xab: {  	v37 =	vld [tilespmem:s29+$0x530];
	v61 =	vmul.f32 v27, v14;
	v60 =	vmul.f32 v54, v43  }
0xac: {  	v36 =	vld [tilespmem:s29+$0x540];
	v44 =	vmul.f32 v28, v31;
	v45 =	vmul.f32 v57, v20;
	(xrf2) =	vadd.scan.msk.f32 $0xffff, v58  }
0xad: {  	v38 =	vld [tilespmem:s29+$0x550];
	v41 =	vadd.f32 v61, v60;
	s3 =	spop (v2sf)  }
0xae: {  	v27 =	vld [tilespmem:s29+$0x570];
	v47 =	vadd.f32 v45, v44;
	s3 =	smul.f32 $1.767766920e-01, s3  }
0xaf: {  	v23 =	vld [tilespmem:s28+$0x560];
	(xrf2) =	vadd.scan.msk.f32 $0xffff, v41  }
0xb0: {  	v51 =	vld [tilespmem:s29+$0x2D10];
	(xrf2) =	vadd.scan.msk.f32 $0xffff, v47;
	s10 =	spop (v2sf);
	v29 =	vmov s3  }
0xb1: {  	v24 =	vld [tilespmem:s28+$0x570];
	s3 =	smul.f32 $1.767766920e-01, s10;
	v46 =	vmul.f32 $1.442695020e+00, v29  }
0xb2: {  	[tilespmem:s7+$0x7D00] =	vst v2;
	v48 =	vld [tilespmem:s29+$0x2D00];
	v52, _, _ =	vpop (xrf2);
	s18 =	spop (v2sf)  }
0xb3: {  	[tilespmem:s7+$0x7D10] =	vst v2;
	v25 =	vld [tilespmem:s29+$0x500];
	v34, _, _ =	vpop (xrf2);
	s4 =	spop (v2sf);
	(v2sf) =	vpush v52, $0xF;
	v50 =	vmov s3;
	s3 =	smul.f32 $1.767766920e-01, s18;
	v49 =	vbroadcast v46, $0x0  }
0xb4: {  	v55 =	vld [tilespmem:s29+$0x2D20];
	v62 =	vmul.f32 v62, v23;
	v57, _, _ =	vpop (xrf2);
	s4 =	smul.f32 $1.767766920e-01, s4;
	(v2sf) =	vpush v34, $0xF;
	v26 =	vmul.f32 $1.442695020e+00, v50  }
0xb5: {  	[tilespmem:s7+$0x7D20] =	vst v2;
	v29 =	vld [tilespmem:s29+$0x510];
	(v2sf) =	vpush v57, $0xF;
	v54 =	vmov s3;
	(erf) = vpow2.f32 v49  }
0xb6: {  	[tilespmem:s7+$0x7D30] =	vst v2;
	v44 =	vld [tilespmem:s29+$0x2D30];
	v58, _, _ =	vpop (xrf2);
	v33 =	vmov s4;
	v53 =	vbroadcast v26, $0x0;
	v26 =	vmul.f32 $1.442695020e+00, v54  }
0xb7: {  	[tilespmem:s7+$0x7D40] =	vst v2;
	v59 =	vld [tilespmem:s29+$0x2D40];
	v41 =	vmul.f32 v63, v24;
	(v2sf) =	vpush v58, $0xF;
	v56 =	vmul.f32 $1.442695020e+00, v33  }
0xb8: {  	[tilespmem:s7+$0x7D50] =	vst v2;
	v21 =	vmul.f32 v48, v25;
	v34 =	vld [tilespmem:s29+$0x560];
	v26 =	vbroadcast v26, $0x0  }
0xb9: {  	[tilespmem:s7+$0x7D60] =	vst v2;
	v61, _, _ =	vpop (xrf2);
	s31 =	spop (v2sf);
	v46 =	vld [tilespmem:s29+$0x2D60];
	(erf) = vpow2.f32 v53;
	v22 =	vbroadcast v56, $0x0  }
0xba: {  	[tilespmem:s7+$0x7D70] =	vst v2;
	v60 =	vld [tilespmem:s29+$0x2D50];
	v45, _, _ =	vpop (xrf2);
	s18 =	sor.u32 $0x4, s2;
	s3 =	smul.f32 $1.767766920e-01, s31;
	(v2sf) =	vpush v61, $0xF;
	v28 =	vmul.f32 v51, v29;
	(erf) = vpow2.f32 v26  }
0xbb: {  	[tilespmem:s6+$0x7D00] =	vst v2;
	v63 =	vld [tilespmem:s29+$0x2D70];
	s5 =	sshll.u32 s18, $0x7;
	(v2sf) =	vpush v45, $0xF;
	(erf) = vpow2.f32 v22;
	v22 =	vadd.f32 v41, v62  }
0xbc: {  	[tilespmem:s6+$0x7D10] =	vst v2;
	v19 =	vmul.f32 v55, v35;
	v54 =	vld [tilespmem:s5+$0x2D00];
	v53 =	vmov s3;
	v28 =	vadd.f32 v28, v21  }
0xbd: {  	[tilespmem:s6+$0x7D20] =	vst v2;
	v52 =	vmul.f32 v44, v37;
	v56 =	vld [tilespmem:s5+$0x2D10];
	v44 =	vmul.f32 $1.442695020e+00, v53;
	(xrf2) =	vadd.scan.msk.f32 $0xffff, v22  }
0xbe: {  	[tilespmem:s6+$0x7D30] =	vst v2;
	v55 =	vmul.f32 v59, v36;
	v21 =	vld [tilespmem:s5+$0x510];
	v61 =	vmul.f32 v46, v34;
	(xrf2) =	vadd.scan.msk.f32 $0xffff, v28  }
0xbf: {  	[tilespmem:s6+$0x7D40] =	vst v2;
	v26 =	vmul.f32 v60, v38;
	v41 =	vld [tilespmem:s5+$0x500];
	v60 =	vbroadcast v44, $0x0;
	v7 =	vpop (erf)  }
0xc0: {  	[tilespmem:s6+$0x7D50] =	vst v2;
	v19 =	vadd.f32 v52, v19;
	v62 =	vmul.f32 v63, v27;
	v6 =	vmul.f32 v7, v6  }
0xc1: {  	[tilespmem:s6+$0x7D60] =	vst v2;
	v58 =	vadd.f32 v26, v55  }
0xc2: {  	[tilespmem:s6+$0x7D70] =	vst v2;
	v45 =	vld [tilespmem:s5+$0x2D20];
	v22 =	vadd.f32 v62, v61;
	(erf) = vpow2.f32 v60;
	(xrf2) =	vadd.scan.msk.f32 $0xffff, v19;
	s4 =	spop (v2sf)  }
0xc3: {  	[tilespmem:s28+$0x7D00] =	vst v2;
	v46 =	vld [tilespmem:s5+$0x2D30];
	v33 =	vmul.f32 v56, v21;
	v47 =	vmul.f32 v7, v5;
	(xrf2) =	vadd.scan.msk.f32 $0xffff, v58;
	v5 =	vpop (erf);
	s3 =	smul.f32 $1.767766920e-01, s4;
	s8 =	spop (v2sf)  }
0xc4: {  	v26 =	vld [tilespmem:s5+$0x560];
	v28 =	vmul.f32 v54, v41;
	(xrf2) =	vadd.scan.msk.f32 $0xffff, v22;
	v18 =	vmul.f32 v5, v18;
	[tilespmem:s7+$0x5510] =	vst v6;
	s31 =	spop (v2sf);
	v6 =	vpop (erf)  }
0xc5: {  	v22 =	vld [tilespmem:s5+$0x550];
	[tilespmem:s7+$0x5500] =	vst v47;
	v57 =	vmul.f32 v5, v4;
	v63 =	vmov s3;
	s4 =	smul.f32 $1.767766920e-01, s31;
	v48 =	vmul.f32 v6, v16  }
0xc6: {  	v49 =	vadd.f32 v33, v28;
	v47 =	vld [tilespmem:s5+$0x2D40];
	s10 =	smul.f32 $1.767766920e-01, s8;
	[tilespmem:s7+$0x5520] =	vst v18;
	s8 =	spop (v2sf);
	v17 =	vmul.f32 v6, v17;
	v4 =	vpop (erf);
	v44 =	vmul.f32 $1.442695020e+00, v63  }
0xc7: {  	v16 =	vld [tilespmem:s5+$0x530];
	s8 =	smul.f32 $1.767766920e-01, s8;
	v59 =	vmul.f32 v4, v15;
	v10 =	vmul.f32 v4, v10;
	v51 =	vmov s4;
	[tilespmem:s7+$0x5540] =	vst v48;
	v52, _, _ =	vpop (xrf2)  }
0xc8: {  	v33 =	vld [tilespmem:s5+$0x2D50];
	v48 =	vmov s10;
	v50 =	vbroadcast v44, $0x0;
	v28 =	vmul.f32 $1.442695020e+00, v51;
	v54, _, _ =	vpop (xrf2);
	(xrf2) =	vadd.scan.msk.f32 $0xffff, v49  }
0xc9: {  	[tilespmem:s7+$0x5530] =	vst v57;
	v15 =	vld [tilespmem:s5+$0x520];
	v53 =	vmov s8;
	s10 =	spop (v2sf);
	v18 =	vmul.f32 $1.442695020e+00, v48;
	(v2sf) =	vpush v52, $0xF  }
0xca: {  	v63 =	vld [tilespmem:s5+$0x2D70];
	v55 =	vmul.f32 $1.442695020e+00, v53;
	s3 =	smul.f32 $1.767766920e-01, s10;
	s31 =	spop (v2sf);
	(v2sf) =	vpush v54, $0xF;
	(erf) = vpow2.f32 v50  }
0xcb: {  	[tilespmem:s7+$0x5550] =	vst v17;
	v17 =	vld [tilespmem:s5+$0x540];
	v56 =	vbroadcast v28, $0x0;
	s8 =	smul.f32 $1.767766920e-01, s31;
	v18 =	vbroadcast v18, $0x0  }
0xcc: {  	s4 =	sor.u32 $0x5, s2;
	v44 =	vld [tilespmem:s5+$0x2D60];
	[tilespmem:s7+$0x5560] =	vst v59;
	v57 =	vbroadcast v55, $0x0;
	v58 =	vmov s3;
	v59, _, _ =	vpop (xrf2);
	v46 =	vmul.f32 v46, v16  }
0xcd: {  	[tilespmem:s28+$0x7D10] =	vst v2;
	v28 =	vld [tilespmem:s5+$0x570];
	s3 =	sshll.u32 s4, $0x7;
	v60 =	vmul.f32 $1.442695020e+00, v58;
	(v2sf) =	vpush v59, $0xF;
	v61 =	vmov s8;
	v62, _, _ =	vpop (xrf2)  }
0xce: {  	[tilespmem:s28+$0x7D20] =	vst v2;
	v45 =	vmul.f32 v45, v15;
	v19 =	vld [tilespmem:s3+$0x510];
	(erf) = vpow2.f32 v18;
	(v2sf) =	vpush v62, $0xF  }
0xcf: {  	[tilespmem:s28+$0x7D30] =	vst v2;
	v51 =	vld [tilespmem:s3+$0x2D00];
	v50 =	vmul.f32 $1.442695020e+00, v61;
	(erf) = vpow2.f32 v56  }
0xd0: {  	[tilespmem:s28+$0x7D40] =	vst v2;
	v59 =	vmul.f32 v33, v22;
	v33 =	vld [tilespmem:s3+$0x530];
	v55, _, _ =	vpop (xrf2);
	v49 =	vbroadcast v60, $0x0;
	v45 =	vadd.f32 v46, v45  }
0xd1: {  	[tilespmem:s7+$0x5570] =	vst v10;
	v10 =	vpop (erf);
	v18 =	vld [tilespmem:s3+$0x500];
	(v2sf) =	vpush v55, $0xF;
	(erf) = vpow2.f32 v57;
	v50 =	vbroadcast v50, $0x0  }
0xd2: {  	[tilespmem:s28+$0x7D50] =	vst v2;
	v58 =	vmul.f32 v47, v17;
	v47 =	vld [tilespmem:s3+$0x2D30];
	(erf) = vpow2.f32 v49;
	v57, _, _ =	vpop (xrf2)  }
0xd3: {  	v56 =	vmul.f32 v10, v13;
	v49 =	vld [tilespmem:s3+$0x2D10];
	(xrf2) =	vadd.scan.msk.f32 $0xffff, v45;
	(erf) = vpow2.f32 v50;
	v13 =	vpop (erf);
	(v2sf) =	vpush v57, $0xF  }
0xd4: {  	[tilespmem:s28+$0x7D60] =	vst v2;
	v8 =	vmul.f32 v13, v8  }
0xd5: {  	[tilespmem:s28+$0x7D70] =	vst v2;
	v52 =	vmul.f32 v10, v30;
	v30 =	vld [tilespmem:s3+$0x520]  }
0xd6: {  	[tilespmem:s29+$0x7D00] =	vst v2;
	v48 =	vld [tilespmem:s3+$0x2D40];
	v44 =	vmul.f32 v44, v26;
	v63 =	vmul.f32 v63, v28  }
0xd7: {  	v54 =	vld [tilespmem:s3+$0x2D50];
	[tilespmem:s6+$0x5500] =	vst v52;
	v51 =	vmul.f32 v51, v18;
	v60 =	vmul.f32 v13, v9;
	v9 =	vpop (erf)  }
0xd8: {  	v46 =	vld [tilespmem:s3+$0x560];
	v45 =	vadd.f32 v59, v58;
	v47 =	vmul.f32 v47, v33;
	v49 =	vmul.f32 v49, v19;
	[tilespmem:s6+$0x5520] =	vst v8;
	v8 =	vpop (erf);
	s10 =	spop (v2sf)  }
0xd9: {  	[tilespmem:s6+$0x5510] =	vst v56;
	v56 =	vld [tilespmem:s3+$0x2D60];
	v44 =	vadd.f32 v63, v44;
	v61 =	vmul.f32 v9, v39;
	v53 =	vmul.f32 v8, v40;
	s7 =	smul.f32 $1.767766920e-01, s10;
	s31 =	spop (v2sf)  }
0xda: {  	v50 =	vld [tilespmem:s3+$0x2D20];
	(xrf2) =	vadd.scan.msk.f32 $0xffff, v45;
	[tilespmem:s6+$0x5530] =	vst v60;
	v62 =	vmul.f32 v9, v11;
	v11 =	vpop (erf);
	v57 =	vmul.f32 v8, v12;
	s8 =	smul.f32 $1.767766920e-01, s31  }
0xdb: {  	v45 =	vld [tilespmem:s3+$0x570];
	(xrf2) =	vadd.scan.msk.f32 $0xffff, v44;
	v42 =	vmul.f32 v11, v42;
	v12 =	vpop (erf);
	[tilespmem:s6+$0x5560] =	vst v53;
	v53 =	vmul.f32 v11, v32  }
0xdc: {  	v39 =	vld [tilespmem:s3+$0x540];
	[tilespmem:s6+$0x5540] =	vst v61;
	v58 =	vmov s7;
	v55 =	vmul.f32 v12, v14;
	v14 =	vpop (erf);
	v59 =	vmov s8;
	s8 =	spop (v2sf)  }
0xdd: {  	v40 =	vld [tilespmem:s3+$0x550];
	s31 =	sor.u32 $0x6, s2;
	[tilespmem:s6+$0x5570] =	vst v57;
	v52 =	vmul.f32 v12, v43;
	v61, _, _ =	vpop (xrf2);
	v32 =	vmul.f32 $1.442695020e+00, v58;
	s8 =	smul.f32 $1.767766920e-01, s8;
	s10 =	spop (v2sf)  }
0xde: {  	s7 =	sshll.u32 s31, $0x7;
	v57 =	vmul.f32 v14, v31;
	v58 =	vld [tilespmem:s3+$0x2D70];
	(v2sf) =	vpush v61, $0xF;
	v43 =	vmul.f32 $1.442695020e+00, v59;
	s10 =	smul.f32 $1.767766920e-01, s10  }
0xdf: {  	[tilespmem:s6+$0x5550] =	vst v62;
	v31 =	vld [tilespmem:s7+$0x510];
	v59 =	vmul.f32 v14, v20;
	v60 =	vbroadcast v32, $0x0;
	v62 =	vmov s8  }
0xe0: {  	[tilespmem:s29+$0x7D10] =	vst v2;
	v61 =	vld [tilespmem:s7+$0x2D10];
	v43 =	vbroadcast v43, $0x0;
	v44 =	vmul.f32 $1.442695020e+00, v62;
	v20 =	vmov s10;
	s10 =	spop (v2sf)  }
0xe1: {  	[tilespmem:s28+$0x5500] =	vst v42;
	v42 =	vadd.f32 v49, v51;
	v51 =	vld [tilespmem:s7+$0x2D20];
	(erf) = vpow2.f32 v60;
	v20 =	vmul.f32 $1.442695020e+00, v20;
	s8 =	smul.f32 $1.767766920e-01, s10  }
0xe2: {  	[tilespmem:s28+$0x5510] =	vst v53;
	v53 =	vld [tilespmem:s7+$0x2D30];
	(erf) = vpow2.f32 v43;
	v44 =	vbroadcast v44, $0x0;
	s10 =	spop (v2sf)  }
0xe3: {  	v49 =	vmul.f32 v50, v30;
	[tilespmem:s28+$0x5530] =	vst v55;
	v55 =	vld [tilespmem:s7+$0x2D40];
	v20 =	vbroadcast v20, $0x0;
	v63 =	vmov s8;
	s10 =	smul.f32 $1.767766920e-01, s10  }
0xe4: {  	[tilespmem:s28+$0x5520] =	vst v52;
	v52 =	vld [tilespmem:s7+$0x2D60];
	(erf) = vpow2.f32 v44  }
0xe5: {  	[tilespmem:s29+$0x7D20] =	vst v2;
	v32 =	vld [tilespmem:s7+$0x500];
	v49 =	vadd.f32 v47, v49;
	v43, _, _ =	vpop (xrf2);
	(erf) = vpow2.f32 v20;
	v62 =	vmov s10  }
0xe6: {  	v47 =	vld [tilespmem:s7+$0x540];
	(xrf2) =	vadd.scan.msk.f32 $0xffff, v42;
	(v2sf) =	vpush v43, $0xF;
	v20 =	vmul.f32 $1.442695020e+00, v63;
	v63, _, _ =	vpop (xrf2);
	v50 =	vmul.f32 $1.442695020e+00, v62  }
0xe7: {  	[tilespmem:s28+$0x5540] =	vst v57;
	v57 =	vld [tilespmem:s7+$0x2D50];
	(v2sf) =	vpush v63, $0xF;
	v62 =	vmul.f32 v48, v39;
	v63 =	vmul.f32 v54, v40  }
0xe8: {  	[tilespmem:s29+$0x7D30] =	vst v2;
	v43 =	vld [tilespmem:s7+$0x520];
	(xrf2) =	vadd.scan.msk.f32 $0xffff, v49;
	v54 =	vbroadcast v20, $0x0  }
0xe9: {  	[tilespmem:s29+$0x7D40] =	vst v2;
	v44 =	vld [tilespmem:s7+$0x530];
	v42 =	vadd.f32 v63, v62;
	v62 =	vmul.f32 v56, v46  }
0xea: {  	[tilespmem:s29+$0x7D50] =	vst v2;
	v49 =	vld [tilespmem:s7+$0x560];
	v20 =	vpop (erf);
	v63 =	vmul.f32 v58, v45;
	(erf) = vpow2.f32 v54  }
0xeb: {  	[tilespmem:s28+$0x5550] =	vst v59;
	v60 =	vld [tilespmem:s7+$0x2D00];
	v23 =	vmul.f32 v20, v23;
	v58 =	vmul.f32 v20, v24;
	v24 =	vpop (erf)  }
0xec: {  	v48 =	vld [tilespmem:s7+$0x550];
	v50 =	vbroadcast v50, $0x0;
	(xrf2) =	vadd.scan.msk.f32 $0xffff, v42;
	v59 =	vadd.f32 v63, v62;
	v25 =	vmul.f32 v24, v25  }
0xed: {  	[tilespmem:s29+$0x7D60] =	vst v2;
	s8 =	sor.u32 $0x7, s2;
	v54 =	vld [tilespmem:s7+$0x2D70];
	v29 =	vmul.f32 v24, v29  }
0xee: {  	s6 =	sshll.u32 s8, $0x7;
	v51 =	vmul.f32 v51, v43;
	(erf) = vpow2.f32 v50;
	v50 =	vld [tilespmem:s7+$0x570];
	s10 =	spop (v2sf);
	[tilespmem:s28+$0x5560] =	vst v23;
	(xrf2) =	vadd.scan.msk.f32 $0xffff, v59  }
0xef: {  	v53 =	vmul.f32 v53, v44;
	v52 =	vmul.f32 v52, v49;
	v42 =	vld [tilespmem:s6+$0x500];
	[tilespmem:s28+$0x5570] =	vst v58;
	s10 =	smul.f32 $1.767766920e-01, s10;
	v23 =	vpop (erf)  }
0xf0: {  	v62 =	vld [tilespmem:s6+$0x2D10];
	[tilespmem:s29+$0x5500] =	vst v25;
	v59 =	vmul.f32 v60, v32;
	v60 =	vmul.f32 v61, v31;
	v25, _, _ =	vpop (xrf2)  }
0xf1: {  	v61 =	vld [tilespmem:s6+$0x2D00];
	[tilespmem:s29+$0x5510] =	vst v29;
	v58 =	vmov s10;
	v56 =	vmul.f32 v23, v35;
	v37 =	vmul.f32 v23, v37;
	v29 =	vpop (erf)  }
0xf2: {  	[tilespmem:s29+$0x7D70] =	vst v2;
	v35 =	vld [tilespmem:s6+$0x510];
	v59 =	vadd.f32 v60, v59;
	v58 =	vmul.f32 $1.442695020e+00, v58;
	(v2sf) =	vpush v25, $0xF;
	v63, _, _ =	vpop (xrf2)  }
0xf3: {  	v51 =	vadd.f32 v53, v51;
	[tilespmem:s29+$0x5520] =	vst v56;
	v56 =	vmul.f32 v29, v36;
	v36 =	vld [tilespmem:s6+$0x520];
	(v2sf) =	vpush v63, $0xF  }
0xf4: {  	v38 =	vmul.f32 v29, v38;
	v54 =	vmul.f32 v54, v50;
	[tilespmem:s29+$0x5530] =	vst v37;
	v37 =	vld [tilespmem:s6+$0x530];
	(xrf2) =	vadd.scan.msk.f32 $0xffff, v59;
	v25 =	vpop (erf)  }
0xf5: {  	[tilespmem:s5+$0x7D00] =	vst v2;
	v59 =	vld [tilespmem:s6+$0x2D20];
	(xrf2) =	vadd.scan.msk.f32 $0xffff, v51;
	s10 =	spop (v2sf);
	v51 =	vmul.f32 v25, v27  }
0xf6: {  	[tilespmem:s29+$0x5550] =	vst v38;
	v38 =	vbroadcast v58, $0x0;
	v52 =	vadd.f32 v54, v52;
	v54 =	vld [tilespmem:s6+$0x2D60];
	s10 =	smul.f32 $1.767766920e-01, s10;
	v58, _, _ =	vpop (xrf2)  }
0xf7: {  	v27 =	vld [tilespmem:s6+$0x540];
	[tilespmem:s29+$0x5570] =	vst v51;
	v51 =	vmul.f32 v55, v47;
	v55 =	vmul.f32 v57, v48;
	(v2sf) =	vpush v58, $0xF  }
0xf8: {  	[tilespmem:s29+$0x5540] =	vst v56;
	v53 =	vmul.f32 v25, v34;
	(erf) = vpow2.f32 v38;
	v38 =	vld [tilespmem:s6+$0x550];
	v60 =	vmov s10;
	s10 =	spop (v2sf);
	v63, _, _ =	vpop (xrf2)  }
0xf9: {  	v34 =	vpop (erf);
	v56 =	vmul.f32 $1.442695020e+00, v60;
	v60 =	vld [tilespmem:s6+$0x2D30];
	s10 =	smul.f32 $1.767766920e-01, s10;
	v55 =	vadd.f32 v55, v51;
	(v2sf) =	vpush v63, $0xF  }
0xfa: {  	v41 =	vmul.f32 v34, v41;
	[tilespmem:s29+$0x5560] =	vst v53;
	v57 =	vld [tilespmem:s6+$0x2D50];
	v21 =	vmul.f32 v34, v21  }
0xfb: {  	v53 =	vbroadcast v56, $0x0;
	v56 =	vld [tilespmem:s6+$0x2D40];
	v63 =	vmov s10;
	(xrf2) =	vadd.scan.msk.f32 $0xffff, v55;
	v55 =	vmul.f32 v62, v35  }
0xfc: {  	[tilespmem:s5+$0x5500] =	vst v41;
	v41 =	vld [tilespmem:s6+$0x560];
	v63 =	vmul.f32 $1.442695020e+00, v63;
	(xrf2) =	vadd.scan.msk.f32 $0xffff, v52;
	v52 =	vmul.f32 v61, v42  }
0xfd: {  	[tilespmem:s5+$0x7D10] =	vst v2;
	v58 =	vld [tilespmem:s6+$0x2D70];
	v59 =	vmul.f32 v59, v36;
	(erf) = vpow2.f32 v53  }
0xfe: {  	v51 =	vld [tilespmem:s6+$0x570];
	[tilespmem:s5+$0x5510] =	vst v21;
	v21, _, _ =	vpop (xrf2);
	v53 =	vbroadcast v63, $0x0;
	v60 =	vmul.f32 v60, v37;
	v62 =	vadd.f32 v55, v52  }
0xff: {  	[tilespmem:s5+$0x7D20] =	vst v2;
	(v2sf) =	vpush v21, $0xF  }
0x100: {  	(erf) = vpow2.f32 v53;
	v63, _, _ =	vpop (xrf2);
	v61 =	vadd.f32 v60, v59;
	(xrf2) =	vadd.scan.msk.f32 $0xffff, v62;
	v62 =	vmul.f32 v56, v27  }
0x101: {  	[tilespmem:s5+$0x7D30] =	vst v2;
	(v2sf) =	vpush v63, $0xF;
	s28 =	spop (v2sf);
	v63 =	vmul.f32 v57, v38;
	v57 =	vmul.f32 v54, v41  }
0x102: {  	[tilespmem:s5+$0x7D40] =	vst v2;
	s10 =	smul.f32 $1.767766920e-01, s28;
	(xrf2) =	vadd.scan.msk.f32 $0xffff, v61;
	s28 =	spop (v2sf)  }
0x103: {  	[tilespmem:s5+$0x7D50] =	vst v2;
	v21 =	vpop (erf);
	v59 =	vmul.f32 v58, v51;
	v53 =	vadd.f32 v63, v62;
	s28 =	smul.f32 $1.767766920e-01, s28  }
0x104: {  	v7 =	vnsel vm0, $0x0, v7;
	[tilespmem:s5+$0x7D60] =	vst v2;
	v15 =	vmul.f32 v21, v15;
	v60 =	vmov s10  }
0x105: {  	v52 =	vadd.f32 v59, v57;
	v61 =	vmul.f32 $1.442695020e+00, v60;
	(xrf2) =	vadd.scan.msk.f32 $0xffff, v53;
	v62 =	vmov s28;
	v57, _, _ =	vpop (xrf2)  }
0x106: {  	[tilespmem:s5+$0x7D70] =	vst v2;
	v16 =	vmul.f32 v21, v16;
	v53 =	vmul.f32 $1.442695020e+00, v62;
	v58, _, _ =	vpop (xrf2);
	(v2sf) =	vpush v57, $0xF;
	s28 =	spop (v2sf)  }
0x107: {  	[tilespmem:s3+$0x7D00] =	vst v2;
	(xrf2) =	vadd.scan.msk.f32 $0xffff, v52;
	v63 =	vbroadcast v61, $0x0;
	(v2sf) =	vpush v58, $0xF;
	s10 =	smul.f32 $1.767766920e-01, s28  }
0x108: {  	v5 =	vsel vm1, $0x0, v5;
	v6 =	vsel vm2, $0x0, v6;
	[tilespmem:s3+$0x7D10] =	vst v2;
	v53 =	vbroadcast v53, $0x0;
	s28 =	spop (v2sf)  }
0x109: {  	v10 =	vnsel vm0, $0x0, v10;
	[tilespmem:s5+$0x5520] =	vst v15;
	v15 =	vpop (erf);
	(erf) = vpow2.f32 v63;
	v59 =	vmov s10;
	s28 =	smul.f32 $1.767766920e-01, s28  }
0x10a: {  	v13 =	vsel vm1, $0x0, v13;
	[tilespmem:s5+$0x5530] =	vst v16;
	v16 =	vpop (erf);
	(erf) = vpow2.f32 v53;
	v54 =	vmul.f32 $1.442695020e+00, v59  }
0x10b: {  	v11 =	vnsel vm0, $0x0, v11;
	[tilespmem:s3+$0x7D20] =	vst v2;
	v60 =	vmul.f32 v16, v28;
	v63, _, _ =	vpop (xrf2);
	v61 =	vmov s28  }
0x10c: {  	[tilespmem:s3+$0x7D30] =	vst v2;
	v53, _, _ =	vpop (xrf2);
	(v2sf) =	vpush v63, $0xF;
	v62 =	vbroadcast v54, $0x0;
	v28 =	vmul.f32 $1.442695020e+00, v61  }
0x10d: {  	[tilespmem:s3+$0x7D40] =	vst v2;
	v11 =	vadd.f32 $0.0e+00, v11;
	v22 =	vmul.f32 v15, v22;
	(v2sf) =	vpush v53, $0xF  }
0x10e: {  	v12 =	vsel vm1, $0x0, v12;
	[tilespmem:s3+$0x7D50] =	vst v2;
	(erf) = vpow2.f32 v62;
	v52 =	vbroadcast v28, $0x0  }
0x10f: {  	[tilespmem:s3+$0x7D60] =	vst v2;
	v14 =	vsel vm2, $0x0, v14;
	v11 =	vadd.f32 v12, v11;
	v26 =	vmul.f32 v16, v26;
	v54, _, _ =	vpop (xrf2)  }
0x110: {  	[tilespmem:s3+$0x7D70] =	vst v2;
	v24 =	vnsel vm0, $0x0, v24;
	s10 =	spop (v2sf);
	(v2sf) =	vpush v54, $0xF;
	(erf) = vpow2.f32 v52  }
0x111: {  	v8 =	vsel vm3, $0x0, v8;
	v11 =	vadd.f32 v14, v11;
	[tilespmem:s7+$0x7D00] =	vst v2;
	v24 =	vadd.f32 $0.0e+00, v24;
	s10 =	smul.f32 $1.767766920e-01, s10;
	v55, _, _ =	vpop (xrf2)  }
0x112: {  	v25 =	vsel vm3, $0x0, v25;
	v21 =	vsel vm1, $0x0, v21;
	[tilespmem:s5+$0x5550] =	vst v22;
	(v2sf) =	vpush v55, $0xF;
	v22 =	vpop (erf)  }
0x113: {  	v17 =	vmul.f32 v15, v17;
	v15 =	vsel vm2, $0x0, v15;
	[tilespmem:s5+$0x5560] =	vst v26;
	s29 =	spop (v2sf);
	v58 =	vmov s10;
	v26 =	vpop (erf)  }
0x114: {  	[tilespmem:s7+$0x7D10] =	vst v2;
	v16 =	vsel vm3, $0x0, v16;
	s28 =	smul.f32 $1.767766920e-01, s29;
	v57 =	vmul.f32 v26, v30;
	v30 =	vmul.f32 $1.442695020e+00, v58  }
0x115: {  	[tilespmem:s5+$0x5540] =	vst v17;
	v28 =	vmov s17;
	v56 =	vmul.f32 v22, v18;
	v19 =	vmul.f32 v22, v19;
	s10 =	spop (v2sf)  }
0x116: {  	[tilespmem:s5+$0x5570] =	vst v60;
	v59 =	vmov s28;
	v33 =	vmul.f32 v26, v33;
	s5 =	smul.f32 $1.767766920e-01, s10;
	s29 =	spop (v2sf);
	v30 =	vbroadcast v30, $0x0  }
0x117: {  	v61 =	vmul.f32 $1.442695020e+00, v59;
	[tilespmem:s3+$0x5500] =	vst v56;
	v56 =	vadd.f32 $0.0e+00, v7;
	v7 =	vmov s4;
	s10 =	smul.f32 $1.767766920e-01, s29;
	v18 =	vpop (erf)  }
0x118: {  	[tilespmem:s3+$0x5530] =	vst v33;
	v33 =	vmov s9;
	(erf) = vpow2.f32 v30;
	v60 =	vmul.f32 v18, v39  }
0x119: {  	[tilespmem:s7+$0x7D20] =	vst v2;
	v62 =	vmul.f32 v18, v40;
	v39 =	vbroadcast v61, $0x0;
	v54 =	vmov s10;
	v17 =	vpop (erf)  }
0x11a: {  	[tilespmem:s7+$0x7D30] =	vst v2;
	v40 =	vmov s2;
	v63 =	vmul.f32 v17, v46;
	v46 =	vmov s5  }
0x11b: {  	[tilespmem:s7+$0x7D40] =	vst v2;
	v18 =	vsel vm2, $0x0, v18;
	v30 =	vmul.f32 $1.442695020e+00, v54;
	s28 =	spop (v2sf);
	v52 =	vmul.f32 $1.442695020e+00, v46  }
0x11c: {  	[tilespmem:s3+$0x5510] =	vst v19;
	v53 =	vmul.f32 v17, v45;
	(erf) = vpow2.f32 v39;
	v39 =	vadd.f32 v5, v56;
	s29 =	spop (v2sf);
	s5 =	smul.f32 $1.767766920e-01, s28  }
0x11d: {  	[tilespmem:s3+$0x5520] =	vst v57;
	v55 =	vbroadcast v30, $0x0;
	v30 =	vmov s23;
	s10 =	smul.f32 $1.767766920e-01, s29;
	v19 =	vbroadcast v52, $0x0  }
0x11e: {  	[tilespmem:s3+$0x5540] =	vst v60;
	v60 =	vadd.f32 $0.0e+00, v10;
	v39 =	vadd.f32 v6, v39;
	v57 =	vmov s5  }
0x11f: {  	[tilespmem:s7+$0x7D50] =	vst v2;
	v59 =	vld.idx.msk [tilespmem:v40+s15+$0x0], $0xffff;
	s23 =	spop (v2sf);
	v58 =	vmov s10;
	v45 =	vmul.f32 $1.442695020e+00, v57;
	(erf) = vpow2.f32 v19  }
0x120: {  	[tilespmem:s7+$0x7D60] =	vst v2;
	v13 =	vadd.f32 v13, v60;
	v40 =	vshll.u32 v40, $0x7;
	s9 =	smul.f32 $1.767766920e-01, s23;
	v46 =	vmul.f32 $1.442695020e+00, v58  }
0x121: {  	[tilespmem:s7+$0x7D70] =	vst v2;
	s28 =	spop (v2sf);
	v19 =	vmov s18;
	(erf) = vpow2.f32 v55;
	v5 =	vpop (erf);
	v45 =	vbroadcast v45, $0x0  }
0x122: {  	[tilespmem:s6+$0x7D00] =	vst v2;
	s29 =	smul.f32 $1.767766920e-01, s28;
	v57 =	vld.idx.msk [tilespmem:v30+s15+$0x0], $0xffff;
	v30 =	vshll.u32 v30, $0x7;
	v52 =	vmov s9;
	v32 =	vmul.f32 v5, v32  }
0x123: {  	[tilespmem:s3+$0x5550] =	vst v62;
	v31 =	vmul.f32 v5, v31;
	v62 =	vbroadcast v46, $0x0;
	v5 =	vnsel vm0, $0x0, v5  }
0x124: {  	[tilespmem:s3+$0x5570] =	vst v53;
	v53 =	vmov s29;
	(erf) = vpow2.f32 v45;
	v56 =	vshll.u32 v59, $0x2;
	v45 =	vld.idx.msk [tilespmem:v33+s15+$0x0], $0xffff  }
0x125: {  	[tilespmem:s6+$0x7D10] =	vst v2;
	v59 =	vmul.f32 $1.442695020e+00, v52;
	v52 =	vld.idx.msk [tilespmem:v28+s15+$0x0], $0xffff;
	v33 =	vshll.u32 v33, $0x7;
	v28 =	vshll.u32 v28, $0x7  }
0x126: {  	v5 =	vadd.f32 $0.0e+00, v5;
	v6 =	vpop (erf);
	[tilespmem:s7+$0x5510] =	vst v31;
	v31 =	vsel vm3, $0x0, v4;
	(erf) = vpow2.f32 v62  }
0x127: {  	[tilespmem:s6+$0x7D20] =	vst v2;
	v60 =	vand.u32 $0x7C, v56;
	v62 =	vsel vm2, $0x0, v9;
	v43 =	vmul.f32 v6, v43  }
0x128: {  	[tilespmem:s6+$0x7D30] =	vst v2;
	v61 =	vmul.f32 v6, v44;
	v46 =	vbroadcast v59, $0x0;
	v9 =	vadd.f32 v31, v39;
	v10 =	vpop (erf)  }
0x129: {  	[tilespmem:s3+$0x5560] =	vst v63;
	v31 =	vor.u32 v40, v60;
	v13 =	vadd.f32 v62, v13;
	v63 =	vmul.f32 v10, v47  }
0x12a: {  	[tilespmem:s7+$0x5500] =	vst v32;
	v60 =	vnsel vm0, $0x0, v34;
	v39 =	vmov s8;
	v6 =	vsel vm1, $0x0, v6  }
0x12b: {  	v32 =	vshll.u32 v57, $0x2;
	v57 =	vsel vm2, $0x0, v29;
	[tilespmem:s7+$0x5540] =	vst v63;
	v63 =	vmul.f32 $1.442695020e+00, v53  }
0x12c: {  	[tilespmem:s6+$0x7D40] =	vst v2;
	v62 =	vadd.f32 $0.0e+00, v60;
	v5 =	vadd.f32 v6, v5;
	v32 =	vand.u32 $0x7C, v32  }
0x12d: {  	[tilespmem:s6+$0x7D50] =	vst v2;
	v8 =	vadd.f32 v8, v13;
	(erf) = vpow2.f32 v46;
	v44 =	vbroadcast v63, $0x0  }
0x12e: {  	[tilespmem:s7+$0x5520] =	vst v43;
	v43 =	vsel vm1, $0x0, v26;
	v59 =	vshll.u32 v52, $0x2;
	v21 =	vadd.f32 v21, v62  }
0x12f: {  	[tilespmem:s6+$0x7D60] =	vst v2;
	v46 =	vadd.s32 v3, v32;
	v55 =	vmul.f32 v10, v48;
	v4 =	vpop (erf);
	(erf) = vpow2.f32 v44  }
0x130: {  	[tilespmem:s6+$0x7D70] =	vst v2;
	v47 =	vand.u32 $0x80, v46;
	v13 =	vand.u32 $0x7F, v46;
	v48 =	vsel vm3, $0x0, v20  }
0x131: {  	[tilespmem:s7+$0x5530] =	vst v61;
	v15 =	vadd.f32 v15, v21;
	v10 =	vsel vm2, $0x0, v10;
	v58 =	vmul.f32 v4, v49  }
0x132: {  	v61 =	vmul.f32 v4, v50;
	v12 =	vadd.s32 v30, v47;
	v11 =	vadd.f32 v48, v11;
	[tilespmem:s7+$0x5550] =	vst v55;
	v32 =	vpop (erf)  }
0x133: {  	v50 =	vshll.u32 v45, $0x2;
	v47 =	vadd.s32 v3, v31;
	[tilespmem:s7+$0x5560] =	vst v58;
	v49 =	vmul.f32 v32, v42  }
0x134: {  	v5 =	vadd.f32 v10, v5;
	v4 =	vsel vm3, $0x0, v4;
	[tilespmem:s7+$0x5570] =	vst v61;
	v20 =	vpop (erf);
	v35 =	vmul.f32 v32, v35  }
0x135: {  	v12 =	vor.u32 v13, v12;
	v13 =	vand.u32 $0x7C, v50;
	v53 =	vmul.f32 v20, v36;
	[tilespmem:s6+$0x5500] =	vst v49  }
0x136: {  	v55 =	vsel vm1, $0x0, v23;
	v54 =	vmul.f32 v20, v37;
	v37 =	vmov s31;
	[tilespmem:s6+$0x5510] =	vst v35;
	v36 =	vpop (erf)  }
0x137: {  	v15 =	vadd.f32 v16, v15;
	v13 =	vor.u32 v33, v13;
	[tilespmem:s6+$0x5520] =	vst v53;
	v56 =	vmul.f32 v36, v27  }
0x138: {  	v23 =	vand.u32 $0x7C, v59;
	v14 =	vadd.f32 v55, v24;
	v33 =	vld.idx.msk [tilespmem:v19+s15+$0x0], $0xffff;
	[tilespmem:s6+$0x5530] =	vst v54;
	v58 =	vmul.f32 v36, v38;
	v29 =	vpop (erf)  }
0x139: {  	v23 =	vadd.s32 v3, v23;
	v19 =	vshll.u32 v19, $0x7;
	v35 =	vld.idx.msk [tilespmem:v7+s15+$0x0], $0xffff;
	[tilespmem:s6+$0x5540] =	vst v56;
	v61 =	vmul.f32 v29, v41  }
0x13a: {  	v52 =	vnsel vm0, $0x0, v32;
	v34 =	vand.u32 $0x80, v23;
	[tilespmem:s6+$0x5550] =	vst v58;
	v63 =	vmul.f32 v29, v51  }
0x13b: {  	v23 =	vand.u32 $0x7F, v23;
	v20 =	vsel vm1, $0x0, v20;
	v14 =	vadd.f32 v57, v14;
	v44 =	vld.idx.msk [tilespmem:v37+s15+$0x0], $0xffff;
	[tilespmem:s6+$0x5560] =	vst v61  }
0x13c: {  	v7 =	vshll.u32 v7, $0x7;
	v49 =	vadd.s32 v3, v13;
	v54 =	vadd.f32 $0.0e+00, v52;
	[tilespmem:s6+$0x5570] =	vst v63  }
0x13d: {  	v14 =	vadd.f32 v25, v14;
	v27 =	vadd.s32 v28, v34;
	v38 =	vshll.u32 v33, $0x2;
	v46 =	vld.idx.msk [tilespmem:v39+s15+$0x0], $0xffff  }
0x13e: {  	v23 =	vor.u32 v23, v27;
	v16 =	vand.u32 $0x7C, v38;
	v40 =	vshll.u32 v35, $0x2  }
0x13f: {  	v16 =	vor.u32 v19, v16;
	v42 =	vand.u32 $0x7C, v40;
	v56 =	vadd.f32 v20, v54  }
0x140: {  	v58 =	vshll.u32 v39, $0x7;
	v16 =	vadd.s32 v3, v16;
	v48 =	vshll.u32 v44, $0x2  }
0x141: {  	v50 =	vand.u32 $0x7C, v48;
	v41 =	vnsel vm0, $0x0, v22;
	v22 =	vadd.s32 v3, v42  }
0x142: {  	v51 =	vshll.u32 v37, $0x7;
	v19 =	vadd.f32 $0.0e+00, v41;
	v53 =	vshll.u32 v46, $0x2  }
0x143: {  	v45 =	vand.u32 $0x80, v22;
	v22 =	vand.u32 $0x7F, v22;
	v55 =	vand.u32 $0x7C, v53  }
0x144: {  	v13 =	vor.u32 v51, v50;
	v7 =	vadd.s32 v7, v45;
	v21 =	vadd.s32 v3, v55  }
0x145: {  	[tilespmem:v47+s16+$0x0] =	vst.idx.msk $0xf, v9;
	v60 =	vadd.s32 v3, v13;
	v19 =	vadd.f32 v43, v19;
	v57 =	vand.u32 $0x80, v21  }
0x146: {  	[tilespmem:v12+s16+$0x0] =	vst.idx.msk $0xf, v8;
	v7 =	vor.u32 v22, v7;
	v61 =	vand.u32 $0x7F, v21;
	v59 =	vadd.s32 v58, v57  }
0x147: {  	p2 =	slt.u32 s2, $0x20;
	[tilespmem:v49+s16+$0x0] =	vst.idx.msk $0xf, v11;
	v63 =	vsel vm2, $0x0, v36;
	v18 =	vadd.f32 v18, v19;
	v8 =	vor.u32 v61, v59  }
.Ltmp0:
0x148: {  	v62 =	vsel vm3, $0x0, v17;
	v4 =	vadd.f32 v4, v5;
	[tilespmem:v23+s16+$0x0] =	vst.idx.msk $0xf, v14;
	v6 =	vadd.f32 v63, v56;
	(pc) =	sbr.rel @p2 .LBB2_3-.Ltmp0, $4  }
0x149: {  	v5 =	vsel vm3, $0x0, v29;
	[tilespmem:v16+s16+$0x0] =	vst.idx.msk $0xf, v15;
	v10 =	vadd.f32 v62, v18  }
0x14a: {  	v5 =	vadd.f32 v5, v6;
	[tilespmem:v60+s16+$0x0] =	vst.idx.msk $0xf, v4  }
0x14b: {  	s31 =	sadd.s32 $0x8, s2;
	[tilespmem:v7+s16+$0x0] =	vst.idx.msk $0xf, v10  }
0x14c: {  	s2 =	smov.u32 s31;
	[tilespmem:v8+s16+$0x0] =	vst.idx.msk $0xf, v5  }
0x14d: {  	s31 =	smov.u32 s1;
	s28 =	simm.s32 $0x5500  }
0x14e: {  	[spmem:s31] =	stream.indirect.scatter.add.f32 [tilespmem:s28], [sflag:$0x7], $0x80, s15, s26, $0xb8;
	[tilespmem:$0x1EF00] =	vst v63  }
0x14f: {  	s29 =	rddreg [dreg:$0x3];
	s2 =	simm.s32 $0x300  }
0x150: {  	[spmem:s29] =	stream.indirect.scatter.add.f32 [tilespmem:s16], [sflag:$0x9], $0x80, s2, s26, $0xb8;
	[tilespmem:$0x1EF00] =	vst v63  }
0x151: {  	_ =	swait.ge [sflag:s19], $0x1400  }
.Ltmp1:
0x152: {  	[sflag:s19] =	ssyncset.done $0x0;
	(pc) =	sbr.rel @!p1 .LBB2_5-.Ltmp1, $4  }
0x153: {  	[sflag:s19] =	ssyncadd.s32 $0xFFFFEC00  }
0x154: {  	_ =	swait.ge [sflag:s13], $0x1400  }
0x155: {  	[sflag:s13] =	ssyncset.done $0x0  }
0x156: {  	[sflag:s13] =	ssyncadd.s32 $0xFFFFEC00  }
0x157: {  	_ =	swait.ge [sflag:s20], $0x1400  }
.Ltmp2:
0x158: {  	[sflag:s20] =	ssyncset.done $0x0;
	(pc) =	sbr.rel .LBB2_7-.Ltmp2, $4  }
0x159: {  	[sflag:s20] =	ssyncadd.s32 $0xFFFFEC00  }
0x15a: {  	_ =	swait.ge [sflag:s22], $0x1400  }
0x15b: {  	[sflag:s22] =	ssyncset.done $0x0  }
0x15c: {  	[sflag:s22] =	ssyncadd.s32 $0xFFFFEC00  }
.LBB2_5:
0x15d: {  	_ =	swait.ge [sflag:s24], $0x28  }
0x15e: {  	[sflag:s24] =	ssyncset.done $0x0  }
0x15f: {  	[sflag:s24] =	ssyncadd.s32 $0xFFFFFFD8  }
0x160: {  	_ =	swait.ge [sflag:s25], $0x80  }
0x161: {  	[sflag:s25] =	ssyncset.done $0x0  }
0x162: {  	[sflag:s25] =	ssyncadd.s32 $0xFFFFFF80  }
0x163: {  	v5 =	vld [tilespmem:$0x10]  }
0x164: {  	v6 =	vld [tilespmem:$0x200]  }
0x165: {  	v7 =	vld [tilespmem:$0x210]  }
0x166: {  	v4 =	vld [tilespmem:$0x0];
	_ =	sdelay $0x2  }
0x167: {  	[tilespmem:$0x400] =	vst v6  }
0x168: {  	v63 =	vld [tilespmem:$0x218];
	v5 =	vadd.s32 v0, v5;
	[tilespmem:$0x410] =	vst v7  }
0x169: {  	v4 =	vadd.s32 v0, v4;
	v8 =	vshll.u32 v6, $0x1;
	[tilespmem:$0x10] =	vst v5  }
0x16a: {  	[tilespmem:$0x0] =	vst v4;
	v4 =	vor.u32 v0, v8;
	v5 =	vld [tilespmem:$0x18]  }
0x16b: {  	[tilespmem:$0x100] =	vst v4;
	v4 =	vshrl.u32 v6, $0x5  }
0x16c: {  	[tilespmem:$0x300] =	vst v4;
	v4 =	vshll.u32 v7, $0x1  }
0x16d: {  	[tilespmem:$0x418] =	vst v63;
	v4 =	vor.u32 v0, v4  }
0x16e: {  	[tilespmem:$0x110] =	vst v4;
	v4 =	vshrl.u32 v7, $0x5  }
0x16f: {  	[tilespmem:$0x310] =	vst v4;
	v4 =	vadd.s32 v1, v5;
	v5 =	vshll.u32 v63, $0x1  }
0x170: {  	[tilespmem:$0x18] =	vst v4;
	v4 =	vor.u32 v0, v5  }
0x171: {  	[tilespmem:$0x118] =	vst v4;
	v4 =	vshrl.u32 v63, $0x5  }
0x172: {  	s3 =	simm.s32 $0x0;
	s2 =	simm.s32 $0x500;
	s1 =	rddreg [dreg:$0x0];
	[tilespmem:$0x318] =	vst v4  }
0x173: {  	[tilespmem:s2], [sflag:$0x3] =	stream.indirect.gather [hbm4b:s1+s26], $0x80, s3, s26, $0xb8;
	[tilespmem:$0x1EF00] =	vst v63  }
0x174: {  	s8 =	simm.s32 $0x100;
	s4 =	simm.s32 $0x2D00  }
0x175: {  	[tilespmem:s4], [sflag:$0x5] =	stream.indirect.gather [hbm4b:s1+s26], $0x80, s8, s26, $0xb8;
	[tilespmem:$0x1EF00] =	vst v63  }
0x176: {  	_ =	swait.ge [sflag:s20], $0x1400  }
0x177: {  	[sflag:s20] =	ssyncset.done $0x0  }
0x178: {  	[sflag:s20] =	ssyncadd.s32 $0xFFFFEC00  }
0x179: {  	s0 =	sadd.s32 $0x3, s0;
	_ =	swait.ge [sflag:s22], $0x1400  }
0x17a: {  	s9 =	smul.u32 $0x28, s0;
	s10 =	rddreg [dreg:$0x7]  }
0x17b: {  	s18 =	simm.s32 $0x80;
	s0 =	sshll.u32 s0, $0x7;
	s17 =	rddreg [dreg:$0x5]  }
0x17c: {  	[sflag:s22] =	ssyncset.done $0x0;
	s23 =	rddreg [dreg:$0x9];
	s2 =	sadd.s32 s10, s9  }
0x17d: {  	s28 =	rddreg [dreg:$0x6];
	s0 =	sadd.s32 s23, s0;
	s2 =	sshrl.u32 s2, $0x3  }
0x17e: {  	[sflag:s22] =	ssyncadd.s32 $0xFFFFEC00;
	s0 =	sshrl.u32 s0, $0x3;
	s2 =	sadd.s32 s17, s2  }
0x17f: {  	[tilespmem:s18], [sflag:$0x1] =	stream.linear.gather [hbm4b:s2+s3], $0x28, $0x38;
	[tilespmem:$0x1EF00] =	vst v63  }
0x180: {  	s29 =	simm.s32 $0x280;
	s0 =	sadd.s32 s28, s0  }
0x181: {  	[tilespmem:s29], [sflag:$0x2] =	stream.linear.gather [hbm4b:s0+s3], $0x80, $0x38;
	[tilespmem:$0x1EF00] =	vst v63  }
.LBB2_7:
0x182: {  	s0 =	simm.s32 $0x0  }
.LBB2_8:
0x183: {  	s7 =	sshll.u32 s0, $0x7  }
0x184: {  	v5 =	vld [tilespmem:s7+$0x1900]  }
0x185: {  	v6 =	vld [tilespmem:s7+$0x1910]  }
0x186: {  	v7 =	vld [tilespmem:s7+$0x4100]  }
0x187: {  	v8 =	vld [tilespmem:s7+$0x4110]  }
0x188: {  	v18 =	vld [tilespmem:s7+$0x1920]  }
0x189: {  	v4 =	vld [tilespmem:s7+$0x1930]  }
0x18a: {  	v9 =	vld [tilespmem:s7+$0x4120]  }
0x18b: {  	v11 =	vld [tilespmem:s7+$0x4130]  }
0x18c: {  	v16 =	vld [tilespmem:s7+$0x1940]  }
0x18d: {  	v17 =	vld [tilespmem:s7+$0x1950]  }
0x18e: {  	v12 =	vld [tilespmem:s7+$0x4140]  }
0x18f: {  	v14 =	vld [tilespmem:s7+$0x4150]  }
0x190: {  	v15 =	vld [tilespmem:s7+$0x1960]  }
0x191: {  	v10 =	vld [tilespmem:s7+$0x1970]  }
0x192: {  	s2 =	sor.u32 $0x1, s0;
	v19 =	vld [tilespmem:s7+$0x4160]  }
0x193: {  	v20 =	vld [tilespmem:s7+$0x4170];
	s6 =	sshll.u32 s2, $0x7  }
0x194: {  	v30 =	vld [tilespmem:s6+$0x1900]  }
0x195: {  	v13 =	vld [tilespmem:s6+$0x1910]  }
0x196: {  	v21 =	vld [tilespmem:s6+$0x4100]  }
0x197: {  	v22 =	vld [tilespmem:s6+$0x4110];
	v7 =	vmul.f32 v7, v5;
	v8 =	vmul.f32 v8, v6  }
0x198: {  	v45 =	vld [tilespmem:s6+$0x4120]  }
0x199: {  	v46 =	vld [tilespmem:s6+$0x4130];
	v7 =	vadd.f32 v8, v7  }
0x19a: {  	v47 =	vld [tilespmem:s6+$0x4140];
	v39 =	vmul.f32 v9, v18;
	v40 =	vmul.f32 v11, v4  }
0x19b: {  	v23 =	vld [tilespmem:s6+$0x4150];
	(xrf2) =	vadd.scan.msk.f32 $0xffff, v7  }
0x19c: {  	s9 =	sor.u32 $0x2, s0;
	v24 =	vld [tilespmem:s6+$0x4160];
	v41 =	vmul.f32 v12, v16;
	v42 =	vmul.f32 v14, v17;
	v7 =	vadd.f32 v40, v39  }
0x19d: {  	s23 =	sshll.u32 s9, $0x7;
	v25 =	vld [tilespmem:s6+$0x4170];
	v43 =	vmul.f32 v19, v15;
	v44 =	vmul.f32 v20, v10  }
0x19e: {  	v32 =	vld [tilespmem:s23+$0x1910];
	v11 =	vadd.f32 v42, v41;
	(xrf2) =	vadd.scan.msk.f32 $0xffff, v7  }
0x19f: {  	v51 =	vld [tilespmem:s23+$0x4100];
	v7 =	vadd.f32 v44, v43  }
0x1a0: {  	v26 =	vld [tilespmem:s23+$0x4110];
	(xrf2) =	vadd.scan.msk.f32 $0xffff, v11  }
0x1a1: {  	v54 =	vld [tilespmem:s23+$0x4120];
	(xrf2) =	vadd.scan.msk.f32 $0xffff, v7  }
0x1a2: {  	v27 =	vld [tilespmem:s23+$0x4130]  }
0x1a3: {  	v31 =	vld [tilespmem:s23+$0x1940];
	v21 =	vmul.f32 v21, v30;
	v22 =	vmul.f32 v22, v13  }
0x1a4: {  	v9 =	vld [tilespmem:s6+$0x1930]  }
0x1a5: {  	v12 =	vld [tilespmem:s6+$0x1970];
	v50 =	vadd.f32 v22, v21;
	v48, _, _ =	vpop (xrf2)  }
0x1a6: {  	v8 =	vld [tilespmem:s6+$0x1920];
	(v2sf) =	vpush v48, $0xF  }
0x1a7: {  	v39 =	vld [tilespmem:s6+$0x1940];
	(xrf2) =	vadd.scan.msk.f32 $0xffff, v50  }
0x1a8: {  	v11 =	vld [tilespmem:s6+$0x1950];
	v49, _, _ =	vpop (xrf2)  }
0x1a9: {  	v40 =	vld [tilespmem:s6+$0x1960];
	(v2sf) =	vpush v49, $0xF  }
0x1aa: {  	v14 =	vld [tilespmem:s23+$0x1930];
	v52, _, _ =	vpop (xrf2)  }
0x1ab: {  	v42 =	vld [tilespmem:s23+$0x1900];
	(v2sf) =	vpush v52, $0xF;
	v53, _, _ =	vpop (xrf2)  }
0x1ac: {  	v20 =	vmul.f32 v46, v9;
	v43 =	vld [tilespmem:s23+$0x1920];
	v19 =	vmul.f32 v45, v8;
	(v2sf) =	vpush v53, $0xF  }
0x1ad: {  	v28 =	vld [tilespmem:s23+$0x4140];
	v7 =	vmul.f32 v47, v39;
	v23 =	vmul.f32 v23, v11  }
0x1ae: {  	v57 =	vld [tilespmem:s23+$0x4150];
	v25 =	vmul.f32 v25, v12;
	v19 =	vadd.f32 v20, v19;
	v24 =	vmul.f32 v24, v40  }
0x1af: {  	v20 =	vld [tilespmem:s23+$0x1950];
	v7 =	vadd.f32 v23, v7  }
0x1b0: {  	s17 =	sor.u32 $0x3, s0;
	v62 =	vld [tilespmem:s23+$0x4160];
	v56 =	vmul.f32 v26, v32;
	v55 =	vmul.f32 v51, v42;
	v25 =	vadd.f32 v25, v24;
	(xrf2) =	vadd.scan.msk.f32 $0xffff, v19  }
0x1b1: {  	s28 =	sshll.u32 s17, $0x7;
	v63 =	vld [tilespmem:s23+$0x4170];
	v61 =	vmul.f32 v27, v14;
	v60 =	vmul.f32 v54, v43;
	(xrf2) =	vadd.scan.msk.f32 $0xffff, v7;
	v59, _, _ =	vpop (xrf2)  }
0x1b2: {  	v35 =	vld [tilespmem:s28+$0x1920];
	v58 =	vadd.f32 v56, v55;
	(xrf2) =	vadd.scan.msk.f32 $0xffff, v25;
	(v2sf) =	vpush v59, $0xF  }
0x1b3: {  	v37 =	vld [tilespmem:s28+$0x1930];
	v41 =	vadd.f32 v61, v60  }
0x1b4: {  	v36 =	vld [tilespmem:s28+$0x1940];
	v44 =	vmul.f32 v28, v31;
	v45 =	vmul.f32 v57, v20;
	(xrf2) =	vadd.scan.msk.f32 $0xffff, v58  }
0x1b5: {  	v38 =	vld [tilespmem:s28+$0x1950];
	(xrf2) =	vadd.scan.msk.f32 $0xffff, v41;
	s3 =	spop (v2sf)  }
0x1b6: {  	v27 =	vld [tilespmem:s28+$0x1970];
	v47 =	vadd.f32 v45, v44;
	s3 =	smul.f32 $1.767766920e-01, s3  }
0x1b7: {  	v23 =	vld [tilespmem:s23+$0x1960]  }
0x1b8: {  	v51 =	vld [tilespmem:s28+$0x4110];
	(xrf2) =	vadd.scan.msk.f32 $0xffff, v47;
	s29 =	spop (v2sf);
	v29 =	vmov s3  }
0x1b9: {  	v24 =	vld [tilespmem:s23+$0x1970];
	s3 =	smul.f32 $1.767766920e-01, s29;
	v46 =	vmul.f32 $1.442695020e+00, v29  }
0x1ba: {  	v48 =	vld [tilespmem:s28+$0x4100];
	v52, _, _ =	vpop (xrf2);
	s1 =	spop (v2sf)  }
0x1bb: {  	v25 =	vld [tilespmem:s28+$0x1900];
	v34, _, _ =	vpop (xrf2);
	s4 =	spop (v2sf);
	(v2sf) =	vpush v52, $0xF;
	v50 =	vmov s3;
	s3 =	smul.f32 $1.767766920e-01, s1;
	v49 =	vbroadcast v46, $0x0  }
0x1bc: {  	v55 =	vld [tilespmem:s28+$0x4120];
	v62 =	vmul.f32 v62, v23;
	v57, _, _ =	vpop (xrf2);
	s4 =	smul.f32 $1.767766920e-01, s4;
	(v2sf) =	vpush v34, $0xF;
	v26 =	vmul.f32 $1.442695020e+00, v50  }
0x1bd: {  	v29 =	vld [tilespmem:s28+$0x1910];
	(v2sf) =	vpush v57, $0xF;
	v54 =	vmov s3;
	(erf) = vpow2.f32 v49  }
0x1be: {  	v44 =	vld [tilespmem:s28+$0x4130];
	v58, _, _ =	vpop (xrf2);
	v33 =	vmov s4;
	v53 =	vbroadcast v26, $0x0;
	v26 =	vmul.f32 $1.442695020e+00, v54  }
0x1bf: {  	v59 =	vld [tilespmem:s28+$0x4140];
	v41 =	vmul.f32 v63, v24;
	v61, _, _ =	vpop (xrf2);
	(v2sf) =	vpush v58, $0xF;
	v56 =	vmul.f32 $1.442695020e+00, v33  }
0x1c0: {  	[tilespmem:s7+$0x9100] =	vst v2;
	v21 =	vmul.f32 v48, v25;
	v34 =	vld [tilespmem:s28+$0x1960];
	(v2sf) =	vpush v61, $0xF;
	v26 =	vbroadcast v26, $0x0  }
0x1c1: {  	[tilespmem:s7+$0x9110] =	vst v2;
	v46 =	vld [tilespmem:s28+$0x4160];
	s4 =	spop (v2sf);
	(erf) = vpow2.f32 v53;
	v22 =	vbroadcast v56, $0x0  }
0x1c2: {  	s18 =	sor.u32 $0x4, s0;
	[tilespmem:s7+$0x9120] =	vst v2;
	v60 =	vld [tilespmem:s28+$0x4150];
	v45, _, _ =	vpop (xrf2);
	s3 =	smul.f32 $1.767766920e-01, s4;
	v28 =	vmul.f32 v51, v29;
	(erf) = vpow2.f32 v26  }
0x1c3: {  	s5 =	sshll.u32 s18, $0x7;
	[tilespmem:s7+$0x9130] =	vst v2;
	v63 =	vld [tilespmem:s28+$0x4170];
	(v2sf) =	vpush v45, $0xF;
	(erf) = vpow2.f32 v22;
	v22 =	vadd.f32 v41, v62  }
0x1c4: {  	[tilespmem:s7+$0x9140] =	vst v2;
	v19 =	vmul.f32 v55, v35;
	v54 =	vld [tilespmem:s5+$0x4100];
	v53 =	vmov s3;
	v28 =	vadd.f32 v28, v21  }
0x1c5: {  	[tilespmem:s7+$0x9150] =	vst v2;
	v52 =	vmul.f32 v44, v37;
	v56 =	vld [tilespmem:s5+$0x4110];
	v44 =	vmul.f32 $1.442695020e+00, v53;
	(xrf2) =	vadd.scan.msk.f32 $0xffff, v22  }
0x1c6: {  	[tilespmem:s7+$0x9160] =	vst v2;
	v55 =	vmul.f32 v59, v36;
	v21 =	vld [tilespmem:s5+$0x1910];
	v61 =	vmul.f32 v46, v34;
	(xrf2) =	vadd.scan.msk.f32 $0xffff, v28  }
0x1c7: {  	[tilespmem:s7+$0x9170] =	vst v2;
	v19 =	vadd.f32 v52, v19;
	v26 =	vmul.f32 v60, v38;
	v41 =	vld [tilespmem:s5+$0x1900];
	v60 =	vbroadcast v44, $0x0;
	v7 =	vpop (erf)  }
0x1c8: {  	[tilespmem:s6+$0x9100] =	vst v2;
	v62 =	vmul.f32 v63, v27;
	v6 =	vmul.f32 v7, v6  }
0x1c9: {  	[tilespmem:s6+$0x9110] =	vst v2;
	v45 =	vld [tilespmem:s5+$0x4120];
	v58 =	vadd.f32 v26, v55;
	(xrf2) =	vadd.scan.msk.f32 $0xffff, v19  }
0x1ca: {  	[tilespmem:s6+$0x9120] =	vst v2;
	v46 =	vld [tilespmem:s5+$0x4130];
	v22 =	vadd.f32 v62, v61;
	(erf) = vpow2.f32 v60;
	s8 =	spop (v2sf)  }
0x1cb: {  	[tilespmem:s6+$0x9130] =	vst v2;
	v26 =	vld [tilespmem:s5+$0x1960];
	v33 =	vmul.f32 v56, v21;
	v47 =	vmul.f32 v7, v5;
	(xrf2) =	vadd.scan.msk.f32 $0xffff, v58;
	v5 =	vpop (erf);
	s3 =	smul.f32 $1.767766920e-01, s8;
	s10 =	spop (v2sf)  }
0x1cc: {  	v28 =	vmul.f32 v54, v41;
	(xrf2) =	vadd.scan.msk.f32 $0xffff, v22;
	v22 =	vld [tilespmem:s5+$0x1950];
	v18 =	vmul.f32 v5, v18;
	[tilespmem:s7+$0x6910] =	vst v6;
	s1 =	spop (v2sf);
	v6 =	vpop (erf)  }
0x1cd: {  	[tilespmem:s7+$0x6900] =	vst v47;
	v57 =	vmul.f32 v5, v4;
	v47 =	vld [tilespmem:s5+$0x4140];
	v63 =	vmov s3;
	s4 =	smul.f32 $1.767766920e-01, s1;
	v48 =	vmul.f32 v6, v16  }
0x1ce: {  	[tilespmem:s6+$0x9140] =	vst v2;
	v49 =	vadd.f32 v33, v28;
	v33 =	vld [tilespmem:s5+$0x4150];
	s29 =	smul.f32 $1.767766920e-01, s10;
	s8 =	spop (v2sf);
	v17 =	vmul.f32 v6, v17;
	v4 =	vpop (erf);
	v44 =	vmul.f32 $1.442695020e+00, v63  }
0x1cf: {  	v16 =	vld [tilespmem:s5+$0x1930];
	s8 =	smul.f32 $1.767766920e-01, s8;
	s10 =	spop (v2sf);
	v59 =	vmul.f32 v4, v15;
	v10 =	vmul.f32 v4, v10;
	v51 =	vmov s4;
	[tilespmem:s7+$0x6940] =	vst v48;
	v52, _, _ =	vpop (xrf2)  }
0x1d0: {  	v63 =	vld [tilespmem:s5+$0x4170];
	s3 =	smul.f32 $1.767766920e-01, s10;
	v48 =	vmov s29;
	v50 =	vbroadcast v44, $0x0;
	v28 =	vmul.f32 $1.442695020e+00, v51;
	v54, _, _ =	vpop (xrf2);
	(xrf2) =	vadd.scan.msk.f32 $0xffff, v49  }
0x1d1: {  	[tilespmem:s7+$0x6920] =	vst v18;
	v15 =	vld [tilespmem:s5+$0x1920];
	v53 =	vmov s8;
	v18 =	vmul.f32 $1.442695020e+00, v48;
	(v2sf) =	vpush v52, $0xF  }
0x1d2: {  	[tilespmem:s7+$0x6950] =	vst v17;
	v17 =	vld [tilespmem:s5+$0x1940];
	s29 =	spop (v2sf);
	v55 =	vmul.f32 $1.442695020e+00, v53;
	v58 =	vmov s3;
	(erf) = vpow2.f32 v50  }
0x1d3: {  	[tilespmem:s7+$0x6960] =	vst v59;
	s1 =	smul.f32 $1.767766920e-01, s29;
	(v2sf) =	vpush v54, $0xF;
	v56 =	vbroadcast v28, $0x0;
	v60 =	vmul.f32 $1.442695020e+00, v58;
	v59, _, _ =	vpop (xrf2)  }
0x1d4: {  	[tilespmem:s7+$0x6930] =	vst v57;
	s4 =	sor.u32 $0x5, s0;
	v44 =	vld [tilespmem:s5+$0x4160];
	v18 =	vbroadcast v18, $0x0;
	v57 =	vbroadcast v55, $0x0;
	(v2sf) =	vpush v59, $0xF  }
0x1d5: {  	[tilespmem:s6+$0x9150] =	vst v2;
	s3 =	sshll.u32 s4, $0x7;
	v28 =	vld [tilespmem:s5+$0x1970];
	v61 =	vmov s1;
	v46 =	vmul.f32 v46, v16;
	v62, _, _ =	vpop (xrf2);
	v49 =	vbroadcast v60, $0x0  }
0x1d6: {  	[tilespmem:s6+$0x9160] =	vst v2;
	v19 =	vld [tilespmem:s3+$0x1910];
	v50 =	vmul.f32 $1.442695020e+00, v61;
	(erf) = vpow2.f32 v18;
	(v2sf) =	vpush v62, $0xF  }
0x1d7: {  	[tilespmem:s6+$0x9170] =	vst v2;
	v51 =	vld [tilespmem:s3+$0x4100];
	v45 =	vmul.f32 v45, v15;
	v55, _, _ =	vpop (xrf2);
	(erf) = vpow2.f32 v56  }
0x1d8: {  	[tilespmem:s23+$0x9100] =	vst v2;
	v59 =	vmul.f32 v33, v22;
	v33 =	vld [tilespmem:s3+$0x1930];
	(v2sf) =	vpush v55, $0xF;
	(erf) = vpow2.f32 v57  }
0x1d9: {  	[tilespmem:s7+$0x6970] =	vst v10;
	v10 =	vpop (erf);
	v18 =	vld [tilespmem:s3+$0x1900];
	v50 =	vbroadcast v50, $0x0;
	(erf) = vpow2.f32 v49  }
0x1da: {  	[tilespmem:s23+$0x9110] =	vst v2;
	v58 =	vmul.f32 v47, v17;
	v47 =	vld [tilespmem:s3+$0x4130];
	v45 =	vadd.f32 v46, v45;
	v57, _, _ =	vpop (xrf2)  }
0x1db: {  	[tilespmem:s23+$0x9120] =	vst v2;
	v56 =	vmul.f32 v10, v13;
	v49 =	vld [tilespmem:s3+$0x4110];
	(erf) = vpow2.f32 v50;
	v13 =	vpop (erf)  }
0x1dc: {  	[tilespmem:s23+$0x9130] =	vst v2;
	(xrf2) =	vadd.scan.msk.f32 $0xffff, v45;
	(v2sf) =	vpush v57, $0xF;
	v8 =	vmul.f32 v13, v8  }
0x1dd: {  	[tilespmem:s23+$0x9140] =	vst v2;
	v48 =	vld [tilespmem:s3+$0x4140];
	v52 =	vmul.f32 v10, v30;
	v44 =	vmul.f32 v44, v26  }
0x1de: {  	[tilespmem:s23+$0x9150] =	vst v2;
	v54 =	vld [tilespmem:s3+$0x4150];
	v63 =	vmul.f32 v63, v28;
	v51 =	vmul.f32 v51, v18  }
0x1df: {  	v30 =	vld [tilespmem:s3+$0x1920];
	[tilespmem:s6+$0x6900] =	vst v52;
	v45 =	vadd.f32 v59, v58;
	v47 =	vmul.f32 v47, v33;
	v60 =	vmul.f32 v13, v9;
	v9 =	vpop (erf)  }
0x1e0: {  	v46 =	vld [tilespmem:s3+$0x1960];
	v44 =	vadd.f32 v63, v44;
	v49 =	vmul.f32 v49, v19;
	[tilespmem:s6+$0x6920] =	vst v8;
	v61 =	vmul.f32 v9, v39;
	v8 =	vpop (erf);
	s8 =	spop (v2sf)  }
0x1e1: {  	[tilespmem:s6+$0x6910] =	vst v56;
	v50 =	vld [tilespmem:s3+$0x4120];
	(xrf2) =	vadd.scan.msk.f32 $0xffff, v45;
	v62 =	vmul.f32 v9, v11;
	v53 =	vmul.f32 v8, v40;
	v11 =	vpop (erf);
	s7 =	smul.f32 $1.767766920e-01, s8  }
0x1e2: {  	v56 =	vld [tilespmem:s3+$0x4160];
	(xrf2) =	vadd.scan.msk.f32 $0xffff, v44;
	[tilespmem:s6+$0x6940] =	vst v61;
	s10 =	spop (v2sf);
	v57 =	vmul.f32 v8, v12;
	v42 =	vmul.f32 v11, v42;
	v12 =	vpop (erf)  }
0x1e3: {  	v45 =	vld [tilespmem:s3+$0x1970];
	s8 =	smul.f32 $1.767766920e-01, s10;
	[tilespmem:s6+$0x6960] =	vst v53;
	v53 =	vmul.f32 v11, v32;
	v58 =	vmov s7;
	v52 =	vmul.f32 v12, v43;
	s29 =	spop (v2sf)  }
0x1e4: {  	v39 =	vld [tilespmem:s3+$0x1940];
	[tilespmem:s6+$0x6970] =	vst v57;
	v55 =	vmul.f32 v12, v14;
	v14 =	vpop (erf);
	v32 =	vmul.f32 $1.442695020e+00, v58;
	s1 =	smul.f32 $1.767766920e-01, s29  }
0x1e5: {  	v40 =	vld [tilespmem:s3+$0x1950];
	v59 =	vmov s8;
	s29 =	sor.u32 $0x6, s0;
	v57 =	vmul.f32 v14, v31;
	s10 =	spop (v2sf);
	[tilespmem:s23+$0x6900] =	vst v42;
	v42 =	vadd.f32 v49, v51  }
0x1e6: {  	[tilespmem:s6+$0x6950] =	vst v62;
	v61, _, _ =	vpop (xrf2);
	v58 =	vld [tilespmem:s3+$0x4170];
	v49 =	vmul.f32 v50, v30;
	v43 =	vmul.f32 $1.442695020e+00, v59;
	s7 =	sshll.u32 s29, $0x7;
	v62 =	vmov s1;
	s1 =	smul.f32 $1.767766920e-01, s10  }
0x1e7: {  	[tilespmem:s6+$0x6930] =	vst v60;
	(v2sf) =	vpush v61, $0xF;
	v59 =	vmul.f32 v14, v20;
	v60 =	vbroadcast v32, $0x0;
	v32 =	vld [tilespmem:s7+$0x1900];
	s10 =	spop (v2sf)  }
0x1e8: {  	[tilespmem:s23+$0x9160] =	vst v2;
	v31 =	vld [tilespmem:s7+$0x1910];
	v43 =	vbroadcast v43, $0x0;
	v44 =	vmul.f32 $1.442695020e+00, v62;
	s8 =	smul.f32 $1.767766920e-01, s10;
	v20 =	vmov s1  }
0x1e9: {  	[tilespmem:s23+$0x9170] =	vst v2;
	v61 =	vld [tilespmem:s7+$0x4110];
	(erf) = vpow2.f32 v60;
	v20 =	vmul.f32 $1.442695020e+00, v20  }
0x1ea: {  	[tilespmem:s28+$0x9100] =	vst v2;
	v51 =	vld [tilespmem:s7+$0x4120];
	(erf) = vpow2.f32 v43;
	v44 =	vbroadcast v44, $0x0;
	v63 =	vmov s8  }
0x1eb: {  	[tilespmem:s23+$0x6910] =	vst v53;
	v53 =	vld [tilespmem:s7+$0x4130];
	s1 =	spop (v2sf);
	v20 =	vbroadcast v20, $0x0  }
0x1ec: {  	[tilespmem:s23+$0x6930] =	vst v55;
	v49 =	vadd.f32 v47, v49;
	v47 =	vld [tilespmem:s7+$0x1940];
	v43, _, _ =	vpop (xrf2);
	(erf) = vpow2.f32 v44;
	s10 =	smul.f32 $1.767766920e-01, s1  }
0x1ed: {  	v55 =	vld [tilespmem:s7+$0x4140];
	[tilespmem:s23+$0x6940] =	vst v57;
	(v2sf) =	vpush v43, $0xF;
	(erf) = vpow2.f32 v20;
	v20 =	vmul.f32 $1.442695020e+00, v63;
	v63, _, _ =	vpop (xrf2)  }
0x1ee: {  	v57 =	vld [tilespmem:s7+$0x4150];
	(xrf2) =	vadd.scan.msk.f32 $0xffff, v42;
	v62 =	vmov s10;
	(v2sf) =	vpush v63, $0xF;
	v63 =	vmul.f32 v54, v40  }
0x1ef: {  	[tilespmem:s23+$0x6920] =	vst v52;
	v52 =	vld [tilespmem:s7+$0x4160];
	v50 =	vmul.f32 $1.442695020e+00, v62;
	v62 =	vmul.f32 v48, v39  }
0x1f0: {  	[tilespmem:s28+$0x9110] =	vst v2;
	v44 =	vld [tilespmem:s7+$0x1930];
	(xrf2) =	vadd.scan.msk.f32 $0xffff, v49;
	v54 =	vbroadcast v20, $0x0  }
0x1f1: {  	[tilespmem:s28+$0x9120] =	vst v2;
	v43 =	vld [tilespmem:s7+$0x1920];
	v42 =	vadd.f32 v63, v62;
	v62 =	vmul.f32 v56, v46  }
0x1f2: {  	[tilespmem:s28+$0x9130] =	vst v2;
	v49 =	vld [tilespmem:s7+$0x1960];
	v20 =	vpop (erf);
	v63 =	vmul.f32 v58, v45;
	(erf) = vpow2.f32 v54  }
0x1f3: {  	[tilespmem:s23+$0x6950] =	vst v59;
	v60 =	vld [tilespmem:s7+$0x4100];
	v23 =	vmul.f32 v20, v23;
	v58 =	vmul.f32 v20, v24;
	v24 =	vpop (erf)  }
0x1f4: {  	v48 =	vld [tilespmem:s7+$0x1950];
	v50 =	vbroadcast v50, $0x0;
	(xrf2) =	vadd.scan.msk.f32 $0xffff, v42;
	v59 =	vadd.f32 v63, v62;
	v25 =	vmul.f32 v24, v25  }
0x1f5: {  	[tilespmem:s28+$0x9140] =	vst v2;
	s8 =	sor.u32 $0x7, s0;
	v54 =	vld [tilespmem:s7+$0x4170];
	v29 =	vmul.f32 v24, v29  }
0x1f6: {  	s6 =	sshll.u32 s8, $0x7;
	v53 =	vmul.f32 v53, v44;
	(erf) = vpow2.f32 v50;
	v50 =	vld [tilespmem:s7+$0x1970];
	s1 =	spop (v2sf);
	[tilespmem:s23+$0x6960] =	vst v23;
	(xrf2) =	vadd.scan.msk.f32 $0xffff, v59  }
0x1f7: {  	v51 =	vmul.f32 v51, v43;
	v52 =	vmul.f32 v52, v49;
	v42 =	vld [tilespmem:s6+$0x1900];
	[tilespmem:s23+$0x6970] =	vst v58;
	s10 =	smul.f32 $1.767766920e-01, s1;
	v23 =	vpop (erf)  }
0x1f8: {  	v62 =	vld [tilespmem:s6+$0x4110];
	[tilespmem:s28+$0x6900] =	vst v25;
	v59 =	vmul.f32 v60, v32;
	v60 =	vmul.f32 v61, v31;
	v25, _, _ =	vpop (xrf2)  }
0x1f9: {  	v61 =	vld [tilespmem:s6+$0x4100];
	[tilespmem:s28+$0x6910] =	vst v29;
	v58 =	vmov s10;
	v56 =	vmul.f32 v23, v35;
	v37 =	vmul.f32 v23, v37;
	v29 =	vpop (erf)  }
0x1fa: {  	[tilespmem:s28+$0x9150] =	vst v2;
	v35 =	vld [tilespmem:s6+$0x1910];
	v59 =	vadd.f32 v60, v59;
	v58 =	vmul.f32 $1.442695020e+00, v58;
	(v2sf) =	vpush v25, $0xF;
	v63, _, _ =	vpop (xrf2)  }
0x1fb: {  	v51 =	vadd.f32 v53, v51;
	[tilespmem:s28+$0x6920] =	vst v56;
	v56 =	vmul.f32 v29, v36;
	v36 =	vld [tilespmem:s6+$0x1920];
	(v2sf) =	vpush v63, $0xF  }
0x1fc: {  	v38 =	vmul.f32 v29, v38;
	v54 =	vmul.f32 v54, v50;
	[tilespmem:s28+$0x6930] =	vst v37;
	v37 =	vld [tilespmem:s6+$0x1930];
	(xrf2) =	vadd.scan.msk.f32 $0xffff, v59;
	v25 =	vpop (erf)  }
0x1fd: {  	[tilespmem:s28+$0x9160] =	vst v2;
	v59 =	vld [tilespmem:s6+$0x4120];
	(xrf2) =	vadd.scan.msk.f32 $0xffff, v51;
	s1 =	spop (v2sf);
	v51 =	vmul.f32 v25, v27  }
0x1fe: {  	[tilespmem:s28+$0x6950] =	vst v38;
	v38 =	vbroadcast v58, $0x0;
	v52 =	vadd.f32 v54, v52;
	v54 =	vld [tilespmem:s6+$0x4160];
	s10 =	smul.f32 $1.767766920e-01, s1;
	v58, _, _ =	vpop (xrf2)  }
0x1ff: {  	v27 =	vld [tilespmem:s6+$0x1940];
	s1 =	spop (v2sf);
	[tilespmem:s28+$0x6970] =	vst v51;
	v51 =	vmul.f32 v55, v47;
	v55 =	vmul.f32 v57, v48;
	(v2sf) =	vpush v58, $0xF  }
0x200: {  	[tilespmem:s28+$0x9170] =	vst v2;
	v53 =	vmul.f32 v25, v34;
	(erf) = vpow2.f32 v38;
	v38 =	vld [tilespmem:s6+$0x1950];
	v60 =	vmov s10;
	s10 =	smul.f32 $1.767766920e-01, s1;
	v63, _, _ =	vpop (xrf2)  }
0x201: {  	[tilespmem:s28+$0x6940] =	vst v56;
	v34 =	vpop (erf);
	v56 =	vmul.f32 $1.442695020e+00, v60;
	v60 =	vld [tilespmem:s6+$0x4130];
	v55 =	vadd.f32 v55, v51;
	(v2sf) =	vpush v63, $0xF  }
0x202: {  	[tilespmem:s5+$0x9100] =	vst v2;
	v41 =	vmul.f32 v34, v41;
	v57 =	vld [tilespmem:s6+$0x4150];
	v21 =	vmul.f32 v34, v21;
	v63 =	vmov s10  }
0x203: {  	[tilespmem:s28+$0x6960] =	vst v53;
	v53 =	vbroadcast v56, $0x0;
	v56 =	vld [tilespmem:s6+$0x4140];
	v63 =	vmul.f32 $1.442695020e+00, v63;
	(xrf2) =	vadd.scan.msk.f32 $0xffff, v55  }
0x204: {  	[tilespmem:s5+$0x6900] =	vst v41;
	v41 =	vld [tilespmem:s6+$0x1960];
	v55 =	vmul.f32 v62, v35;
	(xrf2) =	vadd.scan.msk.f32 $0xffff, v52;
	v52 =	vmul.f32 v61, v42  }
0x205: {  	[tilespmem:s5+$0x9110] =	vst v2;
	v58 =	vld [tilespmem:s6+$0x4170];
	v59 =	vmul.f32 v59, v36;
	(erf) = vpow2.f32 v53  }
0x206: {  	v51 =	vld [tilespmem:s6+$0x1970];
	[tilespmem:s5+$0x6910] =	vst v21;
	v53 =	vbroadcast v63, $0x0;
	v21, _, _ =	vpop (xrf2);
	v60 =	vmul.f32 v60, v37;
	v62 =	vadd.f32 v55, v52  }
0x207: {  	[tilespmem:s5+$0x9120] =	vst v2;
	(v2sf) =	vpush v21, $0xF  }
0x208: {  	(erf) = vpow2.f32 v53;
	v63, _, _ =	vpop (xrf2);
	v61 =	vadd.f32 v60, v59;
	(xrf2) =	vadd.scan.msk.f32 $0xffff, v62;
	v62 =	vmul.f32 v56, v27  }
0x209: {  	[tilespmem:s5+$0x9130] =	vst v2;
	(v2sf) =	vpush v63, $0xF;
	v63 =	vmul.f32 v57, v38;
	v57 =	vmul.f32 v54, v41;
	s23 =	spop (v2sf)  }
0x20a: {  	[tilespmem:s5+$0x9140] =	vst v2;
	s10 =	smul.f32 $1.767766920e-01, s23;
	(xrf2) =	vadd.scan.msk.f32 $0xffff, v61;
	s1 =	spop (v2sf)  }
0x20b: {  	[tilespmem:s5+$0x9150] =	vst v2;
	v21 =	vpop (erf);
	v59 =	vmul.f32 v58, v51;
	v53 =	vadd.f32 v63, v62;
	s1 =	smul.f32 $1.767766920e-01, s1  }
0x20c: {  	v7 =	vnsel vm0, $0x0, v7;
	[tilespmem:s5+$0x9160] =	vst v2;
	v15 =	vmul.f32 v21, v15;
	v60 =	vmov s10  }
0x20d: {  	v52 =	vadd.f32 v59, v57;
	(xrf2) =	vadd.scan.msk.f32 $0xffff, v53;
	v61 =	vmul.f32 $1.442695020e+00, v60;
	v62 =	vmov s1;
	v57, _, _ =	vpop (xrf2)  }
0x20e: {  	[tilespmem:s5+$0x9170] =	vst v2;
	v16 =	vmul.f32 v21, v16;
	v53 =	vmul.f32 $1.442695020e+00, v62;
	v58, _, _ =	vpop (xrf2);
	(v2sf) =	vpush v57, $0xF;
	s23 =	spop (v2sf)  }
0x20f: {  	[tilespmem:s3+$0x9100] =	vst v2;
	(xrf2) =	vadd.scan.msk.f32 $0xffff, v52;
	v63 =	vbroadcast v61, $0x0;
	(v2sf) =	vpush v58, $0xF;
	s10 =	smul.f32 $1.767766920e-01, s23  }
0x210: {  	v5 =	vsel vm1, $0x0, v5;
	v6 =	vsel vm2, $0x0, v6;
	[tilespmem:s3+$0x9110] =	vst v2;
	v53 =	vbroadcast v53, $0x0;
	s1 =	spop (v2sf)  }
0x211: {  	v10 =	vnsel vm0, $0x0, v10;
	[tilespmem:s5+$0x6920] =	vst v15;
	v15 =	vpop (erf);
	(erf) = vpow2.f32 v63;
	v59 =	vmov s10;
	s23 =	smul.f32 $1.767766920e-01, s1  }
0x212: {  	v13 =	vsel vm1, $0x0, v13;
	[tilespmem:s5+$0x6930] =	vst v16;
	v16 =	vpop (erf);
	(erf) = vpow2.f32 v53;
	v54 =	vmul.f32 $1.442695020e+00, v59  }
0x213: {  	v11 =	vnsel vm0, $0x0, v11;
	[tilespmem:s3+$0x9120] =	vst v2;
	v60 =	vmul.f32 v16, v28;
	v63, _, _ =	vpop (xrf2);
	v61 =	vmov s23  }
0x214: {  	[tilespmem:s3+$0x9130] =	vst v2;
	v53, _, _ =	vpop (xrf2);
	(v2sf) =	vpush v63, $0xF;
	v62 =	vbroadcast v54, $0x0;
	v28 =	vmul.f32 $1.442695020e+00, v61  }
0x215: {  	[tilespmem:s3+$0x9140] =	vst v2;
	v11 =	vadd.f32 $0.0e+00, v11;
	v22 =	vmul.f32 v15, v22;
	(v2sf) =	vpush v53, $0xF  }
0x216: {  	v12 =	vsel vm1, $0x0, v12;
	[tilespmem:s3+$0x9150] =	vst v2;
	(erf) = vpow2.f32 v62;
	v52 =	vbroadcast v28, $0x0  }
0x217: {  	[tilespmem:s3+$0x9160] =	vst v2;
	v14 =	vsel vm2, $0x0, v14;
	v11 =	vadd.f32 v12, v11;
	v26 =	vmul.f32 v16, v26;
	v54, _, _ =	vpop (xrf2)  }
0x218: {  	[tilespmem:s3+$0x9170] =	vst v2;
	v24 =	vnsel vm0, $0x0, v24;
	s28 =	spop (v2sf);
	(v2sf) =	vpush v54, $0xF;
	(erf) = vpow2.f32 v52  }
0x219: {  	v8 =	vsel vm3, $0x0, v8;
	v11 =	vadd.f32 v14, v11;
	[tilespmem:s7+$0x9100] =	vst v2;
	v24 =	vadd.f32 $0.0e+00, v24;
	s10 =	smul.f32 $1.767766920e-01, s28;
	v55, _, _ =	vpop (xrf2)  }
0x21a: {  	v25 =	vsel vm3, $0x0, v25;
	v21 =	vsel vm1, $0x0, v21;
	[tilespmem:s5+$0x6950] =	vst v22;
	(v2sf) =	vpush v55, $0xF;
	v22 =	vpop (erf)  }
0x21b: {  	v17 =	vmul.f32 v15, v17;
	v15 =	vsel vm2, $0x0, v15;
	[tilespmem:s5+$0x6960] =	vst v26;
	s1 =	spop (v2sf);
	v58 =	vmov s10;
	v26 =	vpop (erf)  }
0x21c: {  	[tilespmem:s7+$0x9110] =	vst v2;
	v16 =	vsel vm3, $0x0, v16;
	s23 =	smul.f32 $1.767766920e-01, s1;
	v57 =	vmul.f32 v26, v30;
	v30 =	vmul.f32 $1.442695020e+00, v58  }
0x21d: {  	[tilespmem:s5+$0x6940] =	vst v17;
	v28 =	vmov s17;
	v56 =	vmul.f32 v22, v18;
	v19 =	vmul.f32 v22, v19;
	s10 =	spop (v2sf)  }
0x21e: {  	[tilespmem:s5+$0x6970] =	vst v60;
	v59 =	vmov s23;
	v33 =	vmul.f32 v26, v33;
	s28 =	spop (v2sf);
	v30 =	vbroadcast v30, $0x0  }
0x21f: {  	v61 =	vmul.f32 $1.442695020e+00, v59;
	[tilespmem:s3+$0x6900] =	vst v56;
	v56 =	vadd.f32 $0.0e+00, v7;
	v7 =	vmov s4;
	s1 =	smul.f32 $1.767766920e-01, s28;
	v18 =	vpop (erf)  }
0x220: {  	s5 =	smul.f32 $1.767766920e-01, s10;
	[tilespmem:s3+$0x6930] =	vst v33;
	v33 =	vmov s9;
	(erf) = vpow2.f32 v30;
	v60 =	vmul.f32 v18, v39  }
0x221: {  	[tilespmem:s7+$0x9120] =	vst v2;
	v62 =	vmul.f32 v18, v40;
	v39 =	vbroadcast v61, $0x0;
	v54 =	vmov s1;
	v17 =	vpop (erf)  }
0x222: {  	[tilespmem:s7+$0x9130] =	vst v2;
	v40 =	vmov s0;
	v63 =	vmul.f32 v17, v46;
	v46 =	vmov s5  }
0x223: {  	[tilespmem:s7+$0x9140] =	vst v2;
	v18 =	vsel vm2, $0x0, v18;
	v30 =	vmul.f32 $1.442695020e+00, v54;
	s10 =	spop (v2sf);
	v52 =	vmul.f32 $1.442695020e+00, v46  }
0x224: {  	[tilespmem:s3+$0x6910] =	vst v19;
	v53 =	vmul.f32 v17, v45;
	(erf) = vpow2.f32 v39;
	v39 =	vadd.f32 v5, v56;
	s23 =	spop (v2sf);
	s5 =	smul.f32 $1.767766920e-01, s10  }
0x225: {  	[tilespmem:s3+$0x6920] =	vst v57;
	v55 =	vbroadcast v30, $0x0;
	v30 =	vmov s2;
	s1 =	smul.f32 $1.767766920e-01, s23;
	v19 =	vbroadcast v52, $0x0  }
0x226: {  	[tilespmem:s3+$0x6940] =	vst v60;
	v60 =	vadd.f32 $0.0e+00, v10;
	v39 =	vadd.f32 v6, v39;
	v57 =	vmov s5  }
0x227: {  	[tilespmem:s7+$0x9150] =	vst v2;
	v59 =	vld.idx.msk [tilespmem:v40+s21+$0x0], $0xffff;
	s28 =	spop (v2sf);
	v58 =	vmov s1;
	v45 =	vmul.f32 $1.442695020e+00, v57;
	(erf) = vpow2.f32 v19  }
0x228: {  	[tilespmem:s7+$0x9160] =	vst v2;
	v13 =	vadd.f32 v13, v60;
	v40 =	vshll.u32 v40, $0x7;
	s2 =	smul.f32 $1.767766920e-01, s28;
	v46 =	vmul.f32 $1.442695020e+00, v58  }
0x229: {  	[tilespmem:s7+$0x9170] =	vst v2;
	s23 =	spop (v2sf);
	v19 =	vmov s18;
	(erf) = vpow2.f32 v55;
	v5 =	vpop (erf);
	v45 =	vbroadcast v45, $0x0  }
0x22a: {  	[tilespmem:s6+$0x9100] =	vst v2;
	s28 =	smul.f32 $1.767766920e-01, s23;
	v57 =	vld.idx.msk [tilespmem:v30+s21+$0x0], $0xffff;
	v30 =	vshll.u32 v30, $0x7;
	v52 =	vmov s2;
	v32 =	vmul.f32 v5, v32  }
0x22b: {  	[tilespmem:s3+$0x6950] =	vst v62;
	v31 =	vmul.f32 v5, v31;
	v62 =	vbroadcast v46, $0x0;
	v5 =	vnsel vm0, $0x0, v5  }
0x22c: {  	[tilespmem:s3+$0x6970] =	vst v53;
	v53 =	vmov s28;
	(erf) = vpow2.f32 v45;
	v56 =	vshll.u32 v59, $0x2;
	v45 =	vld.idx.msk [tilespmem:v33+s21+$0x0], $0xffff  }
0x22d: {  	[tilespmem:s6+$0x9110] =	vst v2;
	v59 =	vmul.f32 $1.442695020e+00, v52;
	v52 =	vld.idx.msk [tilespmem:v28+s21+$0x0], $0xffff;
	v33 =	vshll.u32 v33, $0x7;
	v28 =	vshll.u32 v28, $0x7  }
0x22e: {  	v5 =	vadd.f32 $0.0e+00, v5;
	v6 =	vpop (erf);
	[tilespmem:s7+$0x6910] =	vst v31;
	v31 =	vsel vm3, $0x0, v4;
	(erf) = vpow2.f32 v62  }
0x22f: {  	[tilespmem:s6+$0x9120] =	vst v2;
	v60 =	vand.u32 $0x7C, v56;
	v62 =	vsel vm2, $0x0, v9;
	v43 =	vmul.f32 v6, v43  }
0x230: {  	[tilespmem:s6+$0x9130] =	vst v2;
	v61 =	vmul.f32 v6, v44;
	v46 =	vbroadcast v59, $0x0;
	v9 =	vadd.f32 v31, v39;
	v10 =	vpop (erf)  }
0x231: {  	[tilespmem:s3+$0x6960] =	vst v63;
	v31 =	vor.u32 v40, v60;
	v13 =	vadd.f32 v62, v13;
	v63 =	vmul.f32 v10, v47  }
0x232: {  	[tilespmem:s7+$0x6900] =	vst v32;
	v60 =	vnsel vm0, $0x0, v34;
	v39 =	vmov s8;
	v6 =	vsel vm1, $0x0, v6  }
0x233: {  	v32 =	vshll.u32 v57, $0x2;
	v57 =	vsel vm2, $0x0, v29;
	[tilespmem:s7+$0x6940] =	vst v63;
	v63 =	vmul.f32 $1.442695020e+00, v53  }
0x234: {  	[tilespmem:s6+$0x9140] =	vst v2;
	v62 =	vadd.f32 $0.0e+00, v60;
	v5 =	vadd.f32 v6, v5;
	v32 =	vand.u32 $0x7C, v32  }
0x235: {  	[tilespmem:s6+$0x9150] =	vst v2;
	v8 =	vadd.f32 v8, v13;
	(erf) = vpow2.f32 v46;
	v44 =	vbroadcast v63, $0x0  }
0x236: {  	[tilespmem:s7+$0x6920] =	vst v43;
	v43 =	vsel vm1, $0x0, v26;
	v59 =	vshll.u32 v52, $0x2;
	v21 =	vadd.f32 v21, v62  }
0x237: {  	[tilespmem:s6+$0x9160] =	vst v2;
	v46 =	vadd.s32 v3, v32;
	v55 =	vmul.f32 v10, v48;
	v4 =	vpop (erf);
	(erf) = vpow2.f32 v44  }
0x238: {  	[tilespmem:s6+$0x9170] =	vst v2;
	v47 =	vand.u32 $0x80, v46;
	v13 =	vand.u32 $0x7F, v46;
	v48 =	vsel vm3, $0x0, v20  }
0x239: {  	[tilespmem:s7+$0x6930] =	vst v61;
	v15 =	vadd.f32 v15, v21;
	v10 =	vsel vm2, $0x0, v10;
	v58 =	vmul.f32 v4, v49  }
0x23a: {  	v61 =	vmul.f32 v4, v50;
	v12 =	vadd.s32 v30, v47;
	v11 =	vadd.f32 v48, v11;
	[tilespmem:s7+$0x6950] =	vst v55;
	v32 =	vpop (erf)  }
0x23b: {  	v50 =	vshll.u32 v45, $0x2;
	v47 =	vadd.s32 v3, v31;
	[tilespmem:s7+$0x6960] =	vst v58;
	v49 =	vmul.f32 v32, v42  }
0x23c: {  	v5 =	vadd.f32 v10, v5;
	v4 =	vsel vm3, $0x0, v4;
	[tilespmem:s7+$0x6970] =	vst v61;
	v20 =	vpop (erf);
	v35 =	vmul.f32 v32, v35  }
0x23d: {  	v12 =	vor.u32 v13, v12;
	v13 =	vand.u32 $0x7C, v50;
	v53 =	vmul.f32 v20, v36;
	[tilespmem:s6+$0x6900] =	vst v49  }
0x23e: {  	v55 =	vsel vm1, $0x0, v23;
	v54 =	vmul.f32 v20, v37;
	v37 =	vmov s29;
	[tilespmem:s6+$0x6910] =	vst v35;
	v36 =	vpop (erf)  }
0x23f: {  	v15 =	vadd.f32 v16, v15;
	v13 =	vor.u32 v33, v13;
	[tilespmem:s6+$0x6920] =	vst v53;
	v56 =	vmul.f32 v36, v27  }
0x240: {  	v23 =	vand.u32 $0x7C, v59;
	v14 =	vadd.f32 v55, v24;
	v33 =	vld.idx.msk [tilespmem:v19+s21+$0x0], $0xffff;
	[tilespmem:s6+$0x6930] =	vst v54;
	v58 =	vmul.f32 v36, v38;
	v29 =	vpop (erf)  }
0x241: {  	v23 =	vadd.s32 v3, v23;
	v19 =	vshll.u32 v19, $0x7;
	v35 =	vld.idx.msk [tilespmem:v7+s21+$0x0], $0xffff;
	[tilespmem:s6+$0x6940] =	vst v56;
	v61 =	vmul.f32 v29, v41  }
0x242: {  	v52 =	vnsel vm0, $0x0, v32;
	v34 =	vand.u32 $0x80, v23;
	[tilespmem:s6+$0x6950] =	vst v58;
	v63 =	vmul.f32 v29, v51  }
0x243: {  	v23 =	vand.u32 $0x7F, v23;
	v20 =	vsel vm1, $0x0, v20;
	v14 =	vadd.f32 v57, v14;
	v44 =	vld.idx.msk [tilespmem:v37+s21+$0x0], $0xffff;
	[tilespmem:s6+$0x6960] =	vst v61  }
0x244: {  	v7 =	vshll.u32 v7, $0x7;
	v49 =	vadd.s32 v3, v13;
	v54 =	vadd.f32 $0.0e+00, v52;
	[tilespmem:s6+$0x6970] =	vst v63  }
0x245: {  	v14 =	vadd.f32 v25, v14;
	v27 =	vadd.s32 v28, v34;
	v38 =	vshll.u32 v33, $0x2;
	v46 =	vld.idx.msk [tilespmem:v39+s21+$0x0], $0xffff  }
0x246: {  	v23 =	vor.u32 v23, v27;
	v16 =	vand.u32 $0x7C, v38;
	v40 =	vshll.u32 v35, $0x2  }
0x247: {  	v16 =	vor.u32 v19, v16;
	v42 =	vand.u32 $0x7C, v40;
	v56 =	vadd.f32 v20, v54  }
0x248: {  	v58 =	vshll.u32 v39, $0x7;
	v16 =	vadd.s32 v3, v16;
	v48 =	vshll.u32 v44, $0x2  }
0x249: {  	v50 =	vand.u32 $0x7C, v48;
	v41 =	vnsel vm0, $0x0, v22;
	v22 =	vadd.s32 v3, v42  }
0x24a: {  	v51 =	vshll.u32 v37, $0x7;
	v19 =	vadd.f32 $0.0e+00, v41;
	v53 =	vshll.u32 v46, $0x2  }
0x24b: {  	v45 =	vand.u32 $0x80, v22;
	v22 =	vand.u32 $0x7F, v22;
	v55 =	vand.u32 $0x7C, v53  }
0x24c: {  	v13 =	vor.u32 v51, v50;
	v7 =	vadd.s32 v7, v45;
	v21 =	vadd.s32 v3, v55  }
0x24d: {  	[tilespmem:v47+s11+$0x0] =	vst.idx.msk $0xf, v9;
	v60 =	vadd.s32 v3, v13;
	v19 =	vadd.f32 v43, v19;
	v57 =	vand.u32 $0x80, v21  }
0x24e: {  	[tilespmem:v12+s11+$0x0] =	vst.idx.msk $0xf, v8;
	v7 =	vor.u32 v22, v7;
	v61 =	vand.u32 $0x7F, v21;
	v59 =	vadd.s32 v58, v57  }
0x24f: {  	p1 =	slt.u32 s0, $0x20;
	[tilespmem:v49+s11+$0x0] =	vst.idx.msk $0xf, v11;
	v63 =	vsel vm2, $0x0, v36;
	v18 =	vadd.f32 v18, v19;
	v8 =	vor.u32 v61, v59  }
.Ltmp3:
0x250: {  	v62 =	vsel vm3, $0x0, v17;
	v4 =	vadd.f32 v4, v5;
	[tilespmem:v23+s11+$0x0] =	vst.idx.msk $0xf, v14;
	v6 =	vadd.f32 v63, v56;
	(pc) =	sbr.rel @p1 .LBB2_8-.Ltmp3, $4  }
0x251: {  	v5 =	vsel vm3, $0x0, v29;
	[tilespmem:v16+s11+$0x0] =	vst.idx.msk $0xf, v15;
	v10 =	vadd.f32 v62, v18  }
0x252: {  	v5 =	vadd.f32 v5, v6;
	[tilespmem:v60+s11+$0x0] =	vst.idx.msk $0xf, v4  }
0x253: {  	s29 =	sadd.s32 $0x8, s0;
	[tilespmem:v7+s11+$0x0] =	vst.idx.msk $0xf, v10  }
0x254: {  	s0 =	smov.u32 s29;
	[tilespmem:v8+s11+$0x0] =	vst.idx.msk $0xf, v5  }
0x255: {  	s30 =	sadd.s32 $0x1, s30  }
0x256: {  	p1 =	sne.s32 s30, $0x7D  }
.Ltmp4:
0x257: {  	_ = 	snop;
	(pc) =	sbr.rel @p1 .LBB2_2-.Ltmp4, $4  }
0x258: {  	s0 =	simm.s32 $0x6900  }
0x259: {  	[spmem:s31] =	stream.indirect.scatter.add.f32 [tilespmem:s0], [sflag:$0x8], $0x80, s21, s26, $0xb8;
	[tilespmem:$0x1EF00] =	vst v63  }
0x25a: {  	s29 =	rddreg [dreg:$0x3];
	s1 =	simm.s32 $0x380  }
0x25b: {  	[spmem:s29] =	stream.indirect.scatter.add.f32 [tilespmem:s11], [sflag:$0xA], $0x80, s1, s26, $0xb8;
	[tilespmem:$0x1EF00] =	vst v63  }
0x25c: {  	s0 =	simm.s32 $0x8  }
0x25d: {  	_ =	swait.ge [sflag:s0], $0x1400  }
0x25e: {  	[sflag:s0] =	ssyncset.done $0x0  }
0x25f: {  	s29 =	simm.s32 $0xA;
	[sflag:s0] =	ssyncadd.s32 $0xFFFFEC00  }
0x260: {  	_ =	swait.ge [sflag:s29], $0x1400  }
0x261: {  	[sflag:s29] =	ssyncset.done $0x0  }
0x262: {  	[sflag:s29] =	ssyncadd.s32 $0xFFFFEC00  }
0x263: {  	[bflag:$0x0] =	sbarrier.arrive $0xFFFF  }
0x264: {  	s17 =	rddreg [dreg:$0xa]  }
0x265: {  	s30 =	rddreg [dreg:$0x10]  }
0x266: {  	s4 =	simm.s32 $0xB;
	s2 =	rddreg [dreg:$0x13]  }
0x267: {  	[hbm:s30], [sflag:s17] =	dma.local [spmem:s2], $0x2800  }
0x268: {  	_ =	swait.ge [sflag:s4], $0x2800  }
0x269: {  	[sflag:s4] =	ssyncset.done $0x0;
	s0 =	rddreg [dreg:$0x11]  }
0x26a: {  	s3 =	rddreg [dreg:$0x14];
	[sflag:s4] =	ssyncadd.s32 $0xFFFFD800  }
0x26b: {  	[hbm:s0], [sflag:s17] =	dma.local @!p0 [spmem:s3], $0x200  }
0x26c: {  	s0 =	simm.s32 @!p0 $0xB  }
0x26d: {  	_ =	swait.ge @!p0 [sflag:s0], $0x200  }
0x26e: {  	s5 =	rddreg [dreg:$0x15]  }
0x26f: {  	s1 =	rddreg [dreg:$0x12];
	s5 =	sadd.s32 $0x1, s5  }
0x270: {  	p1 =	sne.s32 s5, s1  }
.Ltmp5:
0x271: {  	_ = 	snop;
	(pc) =	sbr.rel @p1 .LBB2_1-.Ltmp5, $3  }
0x272: {  	_ =	sdelay $0x1  }
0x273: {  	[sflag:s0] =	ssyncset.done @!p0 $0x0  }
0x274: {  	[sflag:s0] =	ssyncadd.s32 @!p0 $0xFFFFFE00  }
0x275: {  	_ =	sfence.sel $0x180000  }
0x276: {  	[bflag:$0x0] =	sbarrier.arrive $0xFFFF  }
0x277: {  	_ =	strace $0x90000047  }
0x278: {  	s0 =	stileid.u32;
	[bflag:$0x2] =	sbarrier.arrive $0xFFFF  }
0x279: {  	p0 =	sne.s32 s0, $0x0;
	s0 =	rddreg [dreg:$0x4]  }
0x27a: {  	s0 =	sadd.s32 @!p0 $0x100000, s0  }
0x27b: {  	[sflag:s0] =	ssyncadd.tile.s32 @!p0 $0x1;
	_ =	shalt  }
.Lfunc_end2:
_tile_overlayer_lowered:
.L_overlay_start_2:
0x27c: {  	(tag) =	ssettag $0x2  }
0x27d: {  	s0 =	rddreg [dreg:$0x0];
	s2 =	stileid.u32  }
0x27e: {  	s1 =	rddreg [dreg:$0x1];
	p0 =	sne.s32 s2, $0x0  }
0x27f: {  	s3 =	rddreg [dreg:$0x2];
	[bflag:$0x3] =	sbarrier.arrive $0xFFFF;
	s2 =	simm.s32 @!p0 $0x1C0B  }
0x280: {  	[timem:s3], [sflag:s2] =	dma.local @!p0 [hbm:s0], s1  }
0x281: {  	s0 =	simm.s32 @!p0 $0xB  }
0x282: {  	_ =	swait.ge @!p0 [sflag:s0], s1  }
0x283: {  	s1 =	ssub.s32 @!p0 $0x0, s1;
	[sflag:s0] =	ssyncset.done @!p0 $0x0  }
0x284: {  	[sflag:s0] =	ssyncadd.s32 @!p0 s1  }
0x285: {  	[bflag:$0x3] =	sbarrier.arrive $0xFFFF  }
0x286: {  	_ =	shalt  }

</sc_bundles>
